<compile_context>
chip_gen: v7x
topology: tpu7x:2x2x1
jax: 0.10.2.dev20260603
libtpu: 0.0.44.dev20260713+nightly
codegen_flags: <defaults>
</compile_context>

<pallas_src>
import functools

import jax
import jax.numpy as jnp
from jax import lax
from jax.experimental import pallas as pl
from jax.experimental.pallas import tpu as pltpu
from jax.experimental.pallas import tpu_sc as plsc

NC = 2
NS = 16
LN = 16
KROW = 128
DUMMY = 96


def _sc_mesh():
    return plsc.VectorSubcoreMesh(
        core_axis_name="c", subcore_axis_name="s", num_cores=NC,
        num_subcores=NS)


def _make_deg_kernel(E, N):
    epw = E // (NC * NS)
    assert epw * NC * NS == E and epw % LN == 0

    @functools.partial(
        pl.kernel,
        out_type=jax.ShapeDtypeStruct((NC * NS, N), jnp.float32),
        mesh=_sc_mesh(),
        compiler_params=pltpu.CompilerParams(needs_layout_passes=False),
        scratch_types=[
            pltpu.VMEM((epw,), jnp.int32),
            pltpu.VMEM((N,), jnp.float32),
        ],
    )
    def deg_kernel(dst_hbm, out_hbm, dst_v, hist_v):
        w = lax.axis_index("c") * NS + lax.axis_index("s")
        pltpu.sync_copy(dst_hbm.at[w], dst_v)

        def zero_body(i, _):
            hist_v[pl.ds(i * LN, LN)] = jnp.zeros((LN,), jnp.float32)
            return 0
        lax.fori_loop(0, N // LN, zero_body, 0)

        ones = jnp.ones((LN,), jnp.float32)

        def count_body(i, _):
            idx = dst_v[pl.ds(i * LN, LN)]
            plsc.addupdate_scatter(hist_v, [idx], ones)
            return 0
        lax.fori_loop(0, epw // LN, count_body, 0)
        pltpu.sync_copy(hist_v, out_hbm.at[w])

    return deg_kernel


def _make_agg_kernel(T, N, H, G):
    tpc = T // NC
    rpw = ((N + DUMMY + NS * 8 - 1) // (NS * 8)) * 8
    n_pad = NS * rpw

    GB = 16
    NBLK = G // GB
    assert G % GB == 0

    @functools.partial(
        pl.kernel,
        out_type=jax.ShapeDtypeStruct((T, n_pad, H), jnp.float32),
        mesh=_sc_mesh(),
        scratch_types=[
            pltpu.VMEM((2, GB, 2, KROW), jnp.int32),
            pltpu.VMEM((2, KROW, H), jnp.float32),
            pltpu.VMEM_SHARED((n_pad, H), jnp.float32),
            pltpu.SemaphoreType.DMA((2,)),
            pltpu.SemaphoreType.DMA((2,)),
            pltpu.SemaphoreType.DMA((2,)),
        ],
    )
    def agg_kernel(xw_hbm, sdp_hbm, agg_hbm,
                   sd_v, row_v, acc, sem, ssem, isem):
        c = lax.axis_index("c")
        s = lax.axis_index("s")
        r0 = s * rpw

        def idx_desc(blk):
            slot = lax.rem(blk, 2)
            return pltpu.make_async_copy(
                sdp_hbm.at[s, pl.ds(blk * GB, GB)], sd_v.at[slot],
                isem.at[slot])

        def gather_desc(t, g):
            gs = lax.rem(g, 2)
            islot = lax.rem(g // GB, 2)
            within = lax.rem(g, GB)
            return pltpu.make_async_copy(
                xw_hbm.at[t].at[sd_v.at[islot].at[within].at[0]],
                row_v.at[gs], sem.at[gs])

        def scatter_args(g):
            gs = lax.rem(g, 2)
            islot = lax.rem(g // GB, 2)
            within = lax.rem(g, GB)
            return (row_v.at[gs],
                    acc.at[sd_v.at[islot].at[within].at[1]],
                    ssem.at[gs])

        pltpu.sync_copy(xw_hbm.at[c * tpc, pl.ds(r0, rpw)],
                        acc.at[pl.ds(r0, rpw)])
        plsc.subcore_barrier()

        def t_body(tt, _):
            t = c * tpc + tt
            idx_desc(0).start()
            idx_desc(0).wait()
            if NBLK > 1:
                idx_desc(1).start()
            gather_desc(t, 0).start()

            def g_body(g, _):
                nb = g + 1

                @pl.when(nb < G)
                def _():
                    @pl.when(g >= 1)
                    def _():
                        sr, dr, sm = scatter_args(g - 1)
                        pltpu.make_async_copy(sr, dr, sm).wait()

                    @pl.when(lax.rem(nb, GB) == 0)
                    def _():
                        idx_desc(nb // GB).wait()

                    @pl.when(
                        jnp.logical_and(
                            lax.rem(nb, GB) == 4,
                            jnp.logical_and(nb // GB >= 1,
                                            nb // GB + 1 < NBLK)))
                    def _():
                        idx_desc(nb // GB + 1).start()

                    gather_desc(t, nb).start()

                gather_desc(t, g).wait()
                sr, dr, sm = scatter_args(g)
                pltpu.async_copy(sr, dr, sm, add=True)
                return 0
            lax.fori_loop(0, G, g_body, 0)
            sr, dr, sm = scatter_args(G - 1)
            pltpu.make_async_copy(sr, dr, sm).wait()
            sr, dr, sm = scatter_args(G - 2)
            pltpu.make_async_copy(sr, dr, sm).wait()
            plsc.subcore_barrier()
            pltpu.sync_copy(acc.at[pl.ds(r0, rpw)],
                            agg_hbm.at[t, pl.ds(r0, rpw)])

            @pl.when(tt + 1 < tpc)
            def _():
                pltpu.sync_copy(xw_hbm.at[t + 1, pl.ds(r0, rpw)],
                                acc.at[pl.ds(r0, rpw)])
            plsc.subcore_barrier()
            return 0
        lax.fori_loop(0, tpc, t_body, 0)

    return agg_kernel


def _scale_body(x_ref, degp_ref, w_ref, xw_ref, dis_ref):
    b = pl.program_id(0)
    deg = 1.0 + jnp.sum(degp_ref[...], axis=1, keepdims=True)
    dis = jnp.where(b == 0, lax.rsqrt(deg), 1.0)
    x = x_ref[0, 0]
    xw = jnp.dot(x, w_ref[...], preferred_element_type=jnp.float32)
    xw_ref[0] = xw * dis
    dis_ref[...] = dis


def _head_body(data_ref, dis_ref, gcnb_ref, wih_ref, whh_ref,
               bih_ref, bhh_ref, linw_ref, linb_ref, out_ref, *, T, H):
    rows = out_ref.shape[0]
    dis = dis_ref[...]
    gcnb = gcnb_ref[...]
    wih = wih_ref[...]
    whh = whh_ref[...]
    bih = bih_ref[...]
    bhh = bhh_ref[...]
    dn = (((1,), (1,)), ((), ()))
    h = jnp.zeros((rows, H), jnp.float32)
    for t in range(T):
        x_t = data_ref[t] * dis + gcnb
        gi = lax.dot_general(x_t.astype(jnp.bfloat16), wih, dn,
                             preferred_element_type=jnp.float32) + bih
        gh = lax.dot_general(h.astype(jnp.bfloat16), whh, dn,
                             preferred_element_type=jnp.float32) + bhh
        r = jax.nn.sigmoid(gi[:, :H] + gh[:, :H])
        z = jax.nn.sigmoid(gi[:, H:2 * H] + gh[:, H:2 * H])
        n_ = jnp.tanh(gi[:, 2 * H:] + r * gh[:, 2 * H:])
        h = (1.0 - z) * n_ + z * h
    out_ref[...] = (jnp.dot(h, linw_ref[...],
                            preferred_element_type=jnp.float32)
                    + linb_ref[...])


def kernel(x_seq, edge_index, edge_weight, gcn_W, gcn_b, W_ih, W_hh,
           b_ih, b_hh, lin_W, lin_b):
    del edge_weight
    B, T, N, F = x_seq.shape
    H = gcn_W.shape[1]
    P = lin_W.shape[1]
    E = edge_index.shape[1]
    ei = edge_index.astype(jnp.int32)
    src, dst = ei[0], ei[1]

    dst_a = dst.reshape(NC * NS, E // (NC * NS))
    gblk = NS * KROW * 16
    e_pad = ((E + gblk - 1) // gblk) * gblk
    npad = e_pad - E
    pad_src = (jnp.arange(npad, dtype=jnp.int32) * 911) % N
    pad_dst = N + jnp.arange(npad, dtype=jnp.int32) % DUMMY
    G = e_pad // (NS * KROW)
    srcp = jnp.concatenate([src, pad_src]).reshape(NS, G, KROW)
    dstp = jnp.concatenate([dst, pad_dst]).reshape(NS, G, KROW)
    sdp = jnp.stack([srcp, dstp], axis=2)

    deg_parts = _make_deg_kernel(E, N)(dst_a)
    degp_t = jnp.transpose(deg_parts)

    RC = 1000
    JB = N // RC
    grid_c = (B, T, JB)
    xw, dis_col = pl.pallas_call(
        _scale_body,
        grid=grid_c,
        in_specs=[
            pl.BlockSpec((1, 1, RC, F), lambda b, t, j: (b, t, j, 0)),
            pl.BlockSpec((RC, NC * NS), lambda b, t, j: (j, 0)),
            pl.BlockSpec((F, H), lambda b, t, j: (0, 0)),
        ],
        out_specs=[
            pl.BlockSpec((1, RC, H), lambda b, t, j: (t, b * JB + j, 0)),
            pl.BlockSpec((RC, 1), lambda b, t, j: (b * JB + j, 0)),
        ],
        out_shape=[
            jax.ShapeDtypeStruct((T, B * N, H), jnp.float32),
            jax.ShapeDtypeStruct((B * N, 1), jnp.float32),
        ],
    )(x_seq, degp_t, gcn_W)

    agg = _make_agg_kernel(T, N, H, G)(xw, sdp)

    PP = 8
    lin_Wp = jnp.pad(lin_W, ((0, 0), (0, PP - P)))
    lin_bp = jnp.pad(lin_b, (0, PP - P)).reshape(1, PP)
    wih_c = W_ih.astype(jnp.bfloat16)
    whh_c = W_hh.astype(jnp.bfloat16)
    RD = 1000
    JD = N // RD
    scalars = (gcn_b.reshape(1, H), wih_c, whh_c, b_ih.reshape(1, 3 * H),
               b_hh.reshape(1, 3 * H), lin_Wp, lin_bp)
    scalar_specs = [
        pl.BlockSpec((1, H), lambda j: (0, 0)),
        pl.BlockSpec((3 * H, H), lambda j: (0, 0)),
        pl.BlockSpec((3 * H, H), lambda j: (0, 0)),
        pl.BlockSpec((1, 3 * H), lambda j: (0, 0)),
        pl.BlockSpec((1, 3 * H), lambda j: (0, 0)),
        pl.BlockSpec((H, PP), lambda j: (0, 0)),
        pl.BlockSpec((1, PP), lambda j: (0, 0)),
    ]
    body = functools.partial(_head_body, T=T, H=H)
    out0 = pl.pallas_call(
        body, grid=(JD,),
        in_specs=[
            pl.BlockSpec((T, RD, H), lambda j: (0, j, 0)),
            pl.BlockSpec((RD, 1), lambda j: (j, 0)),
        ] + scalar_specs,
        out_specs=pl.BlockSpec((RD, PP), lambda j: (j, 0)),
        out_shape=jax.ShapeDtypeStruct((N, PP), jnp.float32),
    )(agg, dis_col, *scalars)
    out1 = pl.pallas_call(
        body, grid=(JD,),
        in_specs=[
            pl.BlockSpec((T, RD, H), lambda j: (0, JD + j, 0)),
            pl.BlockSpec((RD, 1), lambda j: (JD + j, 0)),
        ] + scalar_specs,
        out_specs=pl.BlockSpec((RD, PP), lambda j: (j, 0)),
        out_shape=jax.ShapeDtypeStruct((N, PP), jnp.float32),
    )(xw, dis_col, *scalars)

    out = jnp.concatenate([out0[:, :P], out1[:, :P]], axis=0)
    return out.reshape(B, N, P, 1).transpose(0, 2, 1, 3)

# --- scband reference (transcript-rebuilt; emitter-appended) ---
"""Pipeline reference for scband-gcngru-38920993636863 (READ-ONLY COPY).

The authoritative reference and input builder live on the scoring server;
editing this copy changes nothing except your own understanding.
"""

import jax, jax.numpy as jnp
import numpy as np

IN_CH = 128
HID = 128
NUM_NODES = 10000
OUT_CH = 1
PRED_H = 5
B = 2
T = 12
E = 320000


def setup_inputs(seed: int = 0) -> dict:
    key = jax.random.key(seed)
    ks = jax.random.split(key, 12)
    x_seq = jax.random.normal(ks[0], (B, T, NUM_NODES, IN_CH), dtype=jnp.float32)
    edge_index = jax.random.randint(ks[1], (2, E), 0, NUM_NODES, dtype=jnp.int64)
    edge_weight = jax.random.uniform(ks[2], (E,), dtype=jnp.float32)
    s = 1.0 / np.sqrt(IN_CH)
    gcn_W = jax.random.uniform(ks[3], (IN_CH, HID), dtype=jnp.float32, minval=-s, maxval=s)
    gcn_b = jnp.zeros((HID,), dtype=jnp.float32)
    sh = 1.0 / np.sqrt(HID)
    W_ih = jax.random.uniform(ks[4], (3 * HID, HID), dtype=jnp.float32, minval=-sh, maxval=sh)
    W_hh = jax.random.uniform(ks[5], (3 * HID, HID), dtype=jnp.float32, minval=-sh, maxval=sh)
    b_ih = jax.random.uniform(ks[6], (3 * HID,), dtype=jnp.float32, minval=-sh, maxval=sh)
    b_hh = jax.random.uniform(ks[7], (3 * HID,), dtype=jnp.float32, minval=-sh, maxval=sh)
    lin_W = jax.random.uniform(ks[8], (HID, PRED_H * OUT_CH), dtype=jnp.float32, minval=-sh, maxval=sh)
    lin_b = jax.random.uniform(ks[9], (PRED_H * OUT_CH,), dtype=jnp.float32, minval=-sh, maxval=sh)
    return {"x_seq": x_seq, "edge_index": edge_index, "edge_weight": edge_weight,
            "gcn_W": gcn_W, "gcn_b": gcn_b, "W_ih": W_ih, "W_hh": W_hh,
            "b_ih": b_ih, "b_hh": b_hh, "lin_W": lin_W, "lin_b": lin_b}


def gcn_conv(x, edge_index, W, b):
    # PyG GCNConv: D^-1/2 (A+I) D^-1/2 X W + b  (edge_weight not passed in original forward)
    N = x.shape[0]
    xw = x @ W
    src = edge_index[0]
    dst = edge_index[1]
    loop = jnp.arange(N, dtype=edge_index.dtype)
    src_f = jnp.concatenate([src, loop])
    dst_f = jnp.concatenate([dst, loop])
    deg = jnp.zeros((N,), dtype=xw.dtype).at[dst_f].add(1.0)
    dis = jnp.where(deg > 0, 1.0 / jnp.sqrt(deg), 0.0)
    norm = dis[src_f] * dis[dst_f]
    msg = xw[src_f] * norm[:, None]
    out = jnp.zeros_like(xw).at[dst_f].add(msg)
    return out + b


def gru_last(x, W_ih, W_hh, b_ih, b_hh):
    # x: [Bn, T, H]; PyTorch GRU cell math; return last hidden state
    H = W_hh.shape[1]
    Bn = x.shape[0]
    h0 = jnp.zeros((Bn, H), dtype=x.dtype)
    xs = jnp.swapaxes(x, 0, 1)  # [T, Bn, H]

    def step(h, x_t):
        gi = x_t @ W_ih.T + b_ih
        gh = h @ W_hh.T + b_hh
        i_r, i_z, i_n = jnp.split(gi, 3, axis=-1)
        h_r, h_z, h_n = jnp.split(gh, 3, axis=-1)
        r = jax.nn.sigmoid(i_r + h_r)
        z = jax.nn.sigmoid(i_z + h_z)
        nn_ = jnp.tanh(i_n + r * h_n)
        h_new = (1.0 - z) * nn_ + z * h
        return h_new, None

    h_last, _ = jax.lax.scan(step, h0, xs)
    return h_last


def reference(x_seq, edge_index, edge_weight, gcn_W, gcn_b, W_ih, W_hh, b_ih, b_hh, lin_W, lin_b):
    b, t, n, f = x_seq.shape
    outs = []
    for ts in range(t):
        x_t = x_seq[:, ts, :, :].reshape(-1, f)
        o = gcn_conv(x_t, edge_index, gcn_W, gcn_b)
        outs.append(o.reshape(b, n, -1))
    gcn_out = jnp.stack(outs, axis=1)            # [b, t, n, H]
    gcn_out = jnp.transpose(gcn_out, (0, 2, 1, 3)).reshape(b * n, t, -1)
    last = gru_last(gcn_out, W_ih, W_hh, b_ih, b_hh)
    out = last @ lin_W + lin_b
    out = out.reshape(b, n, PRED_H, OUT_CH)
    return jnp.transpose(out, (0, 2, 1, 3))


if False:  # reference __main__ guard neutralized (emitter)
    inp = setup_inputs()
    y = reference(**inp)
    print(y.shape)

if __name__ == "__main__":
    import jax
    _d = setup_inputs()
    print(jax.jit(kernel)(*tuple(_d.values())))

</pallas_src>

<mosaic_0001>
#map = affine_map<(d0, d1) -> (0, 0, 0)>
#map1 = affine_map<(d0, d1) -> (0, 0, 0, 0)>
module attributes {stable_mosaic.version = 14 : i64} {
  func.func @agg_kernel(%arg0: i32, %arg1: i32, %arg2: memref<12x20000x128xf32, #tpu.memory_space<hbm>>, %arg3: memref<16x160x2x128xi32, #tpu.memory_space<hbm>>, %arg4: memref<12x10112x128xf32, #tpu.memory_space<hbm>>, %arg5: memref<2x16x2x128xi32, #tpu.memory_space<vmem>>, %arg6: memref<2x128x128xf32, #tpu.memory_space<vmem>>, %arg7: memref<10112x128xf32, #tpu.memory_space<vmem_shared>>, %arg8: memref<2x!tpu.dma_semaphore, #tpu.memory_space<semaphore_mem>>, %arg9: memref<2x!tpu.dma_semaphore, #tpu.memory_space<semaphore_mem>>, %arg10: memref<2x!tpu.dma_semaphore, #tpu.memory_space<semaphore_mem>>) attributes {dimension_semantics = [#tpu.dimension_semantics<core_parallel>, #tpu.dimension_semantics<subcore_parallel>], iteration_bounds = array<i64: 2, 16>, scalar_prefetch = 0 : i64, scratch_operands = 6 : i64, tpu.core_type = #tpu.core_type<sc_vector_subcore>, window_params = [{transform_indices = #map}, {transform_indices = #map1}, {transform_indices = #map}]} {
    %mul3A = arith.constant 632 : i32
    %mul3A_0 = arith.muli %arg1, %mul3A : i32
    %mul3A_1 = arith.constant 6 : i32
    %mul3A_2 = arith.muli %arg0, %mul3A_1 : i32
    "tpu.region"() ({
      %run_scoped3A = tpu.sem_alloc : memref<!tpu.dma_semaphore, #tpu.memory_space<semaphore_mem>>
      %dma_start3A = arith.constant 0 : i32
      %dma_start3A_9 = tpu.memref_slice %arg7[%mul3A_0, %dma_start3A] : memref<10112x128xf32, #tpu.memory_space<vmem_shared>> -> memref<632x128xf32, #tpu.memory_space<vmem_shared>>
      %dma_start3A_10 = arith.constant 0 : i32
      %dma_start3A_11 = tpu.memref_slice %arg2[%mul3A_2, %mul3A_0, %dma_start3A_10] : memref<12x20000x128xf32, #tpu.memory_space<hbm>> -> memref<1x632x128xf32, #tpu.memory_space<hbm>>
      %dma_start3A_12 = tpu.memref_squeeze %dma_start3A_11 : memref<1x632x128xf32, #tpu.memory_space<hbm>> -> memref<632x128xf32, #tpu.memory_space<hbm>>
      tpu.enqueue_dma source(%dma_start3A_12 : memref<632x128xf32, #tpu.memory_space<hbm>>) target(%dma_start3A_9 : memref<632x128xf32, #tpu.memory_space<vmem_shared>>) target_semaphore(%run_scoped3A : memref<!tpu.dma_semaphore, #tpu.memory_space<semaphore_mem>>)
      %dma_wait3A = arith.constant 0 : i32
      %dma_wait3A_13 = tpu.memref_slice %arg7[%mul3A_0, %dma_wait3A] : memref<10112x128xf32, #tpu.memory_space<vmem_shared>> -> memref<632x128xf32, #tpu.memory_space<vmem_shared>>
      %dma_wait3A_14 = arith.constant 0 : i32
      %dma_wait3A_15 = tpu.memref_slice %arg2[%mul3A_2, %mul3A_0, %dma_wait3A_14] : memref<12x20000x128xf32, #tpu.memory_space<hbm>> -> memref<1x632x128xf32, #tpu.memory_space<hbm>>
      %dma_wait3A_16 = tpu.memref_squeeze %dma_wait3A_15 : memref<1x632x128xf32, #tpu.memory_space<hbm>> -> memref<632x128xf32, #tpu.memory_space<hbm>>
      tpu.wait_dma2 semaphore(%run_scoped3A : memref<!tpu.dma_semaphore, #tpu.memory_space<semaphore_mem>>) src(%dma_wait3A_16 : memref<632x128xf32, #tpu.memory_space<hbm>>) dst(%dma_wait3A_13 : memref<632x128xf32, #tpu.memory_space<vmem_shared>>)
      tpu.yield
    }) : () -> ()
    %barrier3A = arith.constant 0 : index
    tpu.barrier barrier_id(%barrier3A)
    %scan3A = arith.constant 0 : i32
    %scan3A_3 = arith.constant 0 : i32
    %scan3A_4 = arith.constant 6 : i32
    %scan3A_5 = arith.addi %scan3A_3, %scan3A_4 : i32
    %scan3A_6 = arith.constant 1 : i32
    %scan3A_7 = scf.for %scan3A_9 = %scan3A_3 to %scan3A_5 step %scan3A_6 iter_args(%scan3A_10 = %scan3A) -> (i32)  : i32 {
      %mul3A_11 = arith.constant 6 : i32
      %mul3A_12 = arith.muli %arg0, %mul3A_11 : i32
      %add3A = arith.addi %mul3A_12, %scan3A_9 : i32
      %rem3A = arith.constant 0 : i32
      %rem3A_13 = arith.constant 2 : i32
      %rem3A_14 = arith.remsi %rem3A, %rem3A_13 : i32
      %dma_start3A = arith.constant 0 : i32
      %dma_start3A_15 = arith.constant 0 : i32
      %dma_start3A_16 = arith.constant 0 : i32
      %dma_start3A_17 = tpu.memref_slice %arg5[%rem3A_14, %dma_start3A, %dma_start3A_15, %dma_start3A_16] : memref<2x16x2x128xi32, #tpu.memory_space<vmem>> -> memref<1x16x2x128xi32, #tpu.memory_space<vmem>>
      %dma_start3A_18 = tpu.memref_squeeze %dma_start3A_17 : memref<1x16x2x128xi32, #tpu.memory_space<vmem>> -> memref<16x2x128xi32, #tpu.memory_space<vmem>>
      %dma_start3A_19 = arith.constant 0 : i32
      %dma_start3A_20 = arith.constant 0 : i32
      %dma_start3A_21 = arith.constant 0 : i32
      %dma_start3A_22 = tpu.memref_slice %arg3[%arg1, %dma_start3A_19, %dma_start3A_20, %dma_start3A_21] : memref<16x160x2x128xi32, #tpu.memory_space<hbm>> -> memref<1x16x2x128xi32, #tpu.memory_space<hbm>>
      %dma_start3A_23 = tpu.memref_squeeze %dma_start3A_22 : memref<1x16x2x128xi32, #tpu.memory_space<hbm>> -> memref<16x2x128xi32, #tpu.memory_space<hbm>>
      %dma_start3A_24 = tpu.memref_slice %arg10[%rem3A_14] : memref<2x!tpu.dma_semaphore, #tpu.memory_space<semaphore_mem>> -> memref<1x!tpu.dma_semaphore, #tpu.memory_space<semaphore_mem>>
      %dma_start3A_25 = tpu.memref_squeeze %dma_start3A_24 : memref<1x!tpu.dma_semaphore, #tpu.memory_space<semaphore_mem>> -> memref<!tpu.dma_semaphore, #tpu.memory_space<semaphore_mem>>
      %dma_start3A_26 = arith.constant 0 : i32
      %dma_start3A_27 = arith.constant 0 : i32
      %dma_start3A_28 = arith.constant 0 : i32
      %dma_start3A_29 = tpu.memref_slice %arg5[%rem3A_14, %dma_start3A_26, %dma_start3A_27, %dma_start3A_28] : memref<2x16x2x128xi32, #tpu.memory_space<vmem>> -> memref<1x16x2x128xi32, #tpu.memory_space<vmem>>
      %dma_start3A_30 = tpu.memref_squeeze %dma_start3A_29 : memref<1x16x2x128xi32, #tpu.memory_space<vmem>> -> memref<16x2x128xi32, #tpu.memory_space<vmem>>
      %dma_start3A_31 = arith.constant 0 : i32
      %dma_start3A_32 = arith.constant 0 : i32
      %dma_start3A_33 = arith.constant 0 : i32
      %dma_start3A_34 = tpu.memref_slice %arg3[%arg1, %dma_start3A_31, %dma_start3A_32, %dma_start3A_33] : memref<16x160x2x128xi32, #tpu.memory_space<hbm>> -> memref<1x16x2x128xi32, #tpu.memory_space<hbm>>
      %dma_start3A_35 = tpu.memref_squeeze %dma_start3A_34 : memref<1x16x2x128xi32, #tpu.memory_space<hbm>> -> memref<16x2x128xi32, #tpu.memory_space<hbm>>
      tpu.enqueue_dma source(%dma_start3A_35 : memref<16x2x128xi32, #tpu.memory_space<hbm>>) target(%dma_start3A_30 : memref<16x2x128xi32, #tpu.memory_space<vmem>>) target_semaphore(%dma_start3A_25 : memref<!tpu.dma_semaphore, #tpu.memory_space<semaphore_mem>>)
      %rem3A_36 = arith.constant 0 : i32
      %rem3A_37 = arith.constant 2 : i32
      %rem3A_38 = arith.remsi %rem3A_36, %rem3A_37 : i32
      %dma_wait3A = arith.constant 0 : i32
      %dma_wait3A_39 = arith.constant 0 : i32
      %dma_wait3A_40 = arith.constant 0 : i32
      %dma_wait3A_41 = tpu.memref_slice %arg5[%rem3A_38, %dma_wait3A, %dma_wait3A_39, %dma_wait3A_40] : memref<2x16x2x128xi32, #tpu.memory_space<vmem>> -> memref<1x16x2x128xi32, #tpu.memory_space<vmem>>
      %dma_wait3A_42 = tpu.memref_squeeze %dma_wait3A_41 : memref<1x16x2x128xi32, #tpu.memory_space<vmem>> -> memref<16x2x128xi32, #tpu.memory_space<vmem>>
      %dma_wait3A_43 = arith.constant 0 : i32
      %dma_wait3A_44 = arith.constant 0 : i32
      %dma_wait3A_45 = arith.constant 0 : i32
      %dma_wait3A_46 = tpu.memref_slice %arg3[%arg1, %dma_wait3A_43, %dma_wait3A_44, %dma_wait3A_45] : memref<16x160x2x128xi32, #tpu.memory_space<hbm>> -> memref<1x16x2x128xi32, #tpu.memory_space<hbm>>
      %dma_wait3A_47 = tpu.memref_squeeze %dma_wait3A_46 : memref<1x16x2x128xi32, #tpu.memory_space<hbm>> -> memref<16x2x128xi32, #tpu.memory_space<hbm>>
      %dma_wait3A_48 = tpu.memref_slice %arg10[%rem3A_38] : memref<2x!tpu.dma_semaphore, #tpu.memory_space<semaphore_mem>> -> memref<1x!tpu.dma_semaphore, #tpu.memory_space<semaphore_mem>>
      %dma_wait3A_49 = tpu.memref_squeeze %dma_wait3A_48 : memref<1x!tpu.dma_semaphore, #tpu.memory_space<semaphore_mem>> -> memref<!tpu.dma_semaphore, #tpu.memory_space<semaphore_mem>>
      %dma_wait3A_50 = arith.constant 0 : i32
      %dma_wait3A_51 = arith.constant 0 : i32
      %dma_wait3A_52 = arith.constant 0 : i32
      %dma_wait3A_53 = tpu.memref_slice %arg5[%rem3A_38, %dma_wait3A_50, %dma_wait3A_51, %dma_wait3A_52] : memref<2x16x2x128xi32, #tpu.memory_space<vmem>> -> memref<1x16x2x128xi32, #tpu.memory_space<vmem>>
      %dma_wait3A_54 = tpu.memref_squeeze %dma_wait3A_53 : memref<1x16x2x128xi32, #tpu.memory_space<vmem>> -> memref<16x2x128xi32, #tpu.memory_space<vmem>>
      %dma_wait3A_55 = arith.constant 0 : i32
      %dma_wait3A_56 = arith.constant 0 : i32
      %dma_wait3A_57 = arith.constant 0 : i32
      %dma_wait3A_58 = tpu.memref_slice %arg3[%arg1, %dma_wait3A_55, %dma_wait3A_56, %dma_wait3A_57] : memref<16x160x2x128xi32, #tpu.memory_space<hbm>> -> memref<1x16x2x128xi32, #tpu.memory_space<hbm>>
      %dma_wait3A_59 = tpu.memref_squeeze %dma_wait3A_58 : memref<1x16x2x128xi32, #tpu.memory_space<hbm>> -> memref<16x2x128xi32, #tpu.memory_space<hbm>>
      tpu.wait_dma2 semaphore(%dma_wait3A_49 : memref<!tpu.dma_semaphore, #tpu.memory_space<semaphore_mem>>) src(%dma_wait3A_59 : memref<16x2x128xi32, #tpu.memory_space<hbm>>) dst(%dma_wait3A_54 : memref<16x2x128xi32, #tpu.memory_space<vmem>>)
      %rem3A_60 = arith.constant 1 : i32
      %rem3A_61 = arith.constant 2 : i32
      %rem3A_62 = arith.remsi %rem3A_60, %rem3A_61 : i32
      %dma_start3A_63 = arith.constant 0 : i32
      %dma_start3A_64 = arith.constant 0 : i32
      %dma_start3A_65 = arith.constant 0 : i32
      %dma_start3A_66 = tpu.memref_slice %arg5[%rem3A_62, %dma_start3A_63, %dma_start3A_64, %dma_start3A_65] : memref<2x16x2x128xi32, #tpu.memory_space<vmem>> -> memref<1x16x2x128xi32, #tpu.memory_space<vmem>>
      %dma_start3A_67 = tpu.memref_squeeze %dma_start3A_66 : memref<1x16x2x128xi32, #tpu.memory_space<vmem>> -> memref<16x2x128xi32, #tpu.memory_space<vmem>>
      %dma_start3A_68 = arith.constant 16 : i32
      %dma_start3A_69 = arith.constant 0 : i32
      %dma_start3A_70 = arith.constant 0 : i32
      %dma_start3A_71 = tpu.memref_slice %arg3[%arg1, %dma_start3A_68, %dma_start3A_69, %dma_start3A_70] : memref<16x160x2x128xi32, #tpu.memory_space<hbm>> -> memref<1x16x2x128xi32, #tpu.memory_space<hbm>>
      %dma_start3A_72 = tpu.memref_squeeze %dma_start3A_71 : memref<1x16x2x128xi32, #tpu.memory_space<hbm>> -> memref<16x2x128xi32, #tpu.memory_space<hbm>>
      %dma_start3A_73 = tpu.memref_slice %arg10[%rem3A_62] : memref<2x!tpu.dma_semaphore, #tpu.memory_space<semaphore_mem>> -> memref<1x!tpu.dma_semaphore, #tpu.memory_space<semaphore_mem>>
      %dma_start3A_74 = tpu.memref_squeeze %dma_start3A_73 : memref<1x!tpu.dma_semaphore, #tpu.memory_space<semaphore_mem>> -> memref<!tpu.dma_semaphore, #tpu.memory_space<semaphore_mem>>
      %dma_start3A_75 = arith.constant 0 : i32
      %dma_start3A_76 = arith.constant 0 : i32
      %dma_start3A_77 = arith.constant 0 : i32
      %dma_start3A_78 = tpu.memref_slice %arg5[%rem3A_62, %dma_start3A_75, %dma_start3A_76, %dma_start3A_77] : memref<2x16x2x128xi32, #tpu.memory_space<vmem>> -> memref<1x16x2x128xi32, #tpu.memory_space<vmem>>
      %dma_start3A_79 = tpu.memref_squeeze %dma_start3A_78 : memref<1x16x2x128xi32, #tpu.memory_space<vmem>> -> memref<16x2x128xi32, #tpu.memory_space<vmem>>
      %dma_start3A_80 = arith.constant 16 : i32
      %dma_start3A_81 = arith.constant 0 : i32
      %dma_start3A_82 = arith.constant 0 : i32
      %dma_start3A_83 = tpu.memref_slice %arg3[%arg1, %dma_start3A_80, %dma_start3A_81, %dma_start3A_82] : memref<16x160x2x128xi32, #tpu.memory_space<hbm>> -> memref<1x16x2x128xi32, #tpu.memory_space<hbm>>
      %dma_start3A_84 = tpu.memref_squeeze %dma_start3A_83 : memref<1x16x2x128xi32, #tpu.memory_space<hbm>> -> memref<16x2x128xi32, #tpu.memory_space<hbm>>
      tpu.enqueue_dma source(%dma_start3A_84 : memref<16x2x128xi32, #tpu.memory_space<hbm>>) target(%dma_start3A_79 : memref<16x2x128xi32, #tpu.memory_space<vmem>>) target_semaphore(%dma_start3A_74 : memref<!tpu.dma_semaphore, #tpu.memory_space<semaphore_mem>>)
      %rem3A_85 = arith.constant 0 : i32
      %rem3A_86 = arith.constant 2 : i32
      %rem3A_87 = arith.remsi %rem3A_85, %rem3A_86 : i32
      %rem3A_88 = arith.constant 0 : i32
      %rem3A_89 = arith.constant 2 : i32
      %rem3A_90 = arith.remsi %rem3A_88, %rem3A_89 : i32
      %rem3A_91 = arith.constant 0 : i32
      %rem3A_92 = arith.constant 16 : i32
      %rem3A_93 = arith.remsi %rem3A_91, %rem3A_92 : i32
      %dma_start3A_94 = arith.constant 0 : i32
      %dma_start3A_95 = arith.constant 0 : i32
      %dma_start3A_96 = arith.constant 0 : i32
      %dma_start3A_97 = tpu.memref_slice %arg6[%rem3A_87, %dma_start3A_95, %dma_start3A_96] : memref<2x128x128xf32, #tpu.memory_space<vmem>> -> memref<1x128x128xf32, #tpu.memory_space<vmem>>
      %dma_start3A_98 = tpu.memref_squeeze %dma_start3A_97 : memref<1x128x128xf32, #tpu.memory_space<vmem>> -> memref<128x128xf32, #tpu.memory_space<vmem>>
      %dma_start3A_99 = arith.constant 0 : i32
      %dma_start3A_100 = arith.constant 0 : i32
      %dma_start3A_101 = arith.constant 0 : i32
      %dma_start3A_102 = tpu.memref_slice %arg5[%rem3A_90, %dma_start3A_99, %dma_start3A_100, %dma_start3A_101] : memref<2x16x2x128xi32, #tpu.memory_space<vmem>> -> memref<1x16x2x128xi32, #tpu.memory_space<vmem>>
      %dma_start3A_103 = tpu.memref_squeeze %dma_start3A_102 : memref<1x16x2x128xi32, #tpu.memory_space<vmem>> -> memref<16x2x128xi32, #tpu.memory_space<vmem>>
      %dma_start3A_104 = arith.constant 0 : i32
      %dma_start3A_105 = arith.constant 0 : i32
      %dma_start3A_106 = tpu.memref_slice %dma_start3A_103[%rem3A_93, %dma_start3A_104, %dma_start3A_105] : memref<16x2x128xi32, #tpu.memory_space<vmem>> -> memref<1x2x128xi32, #tpu.memory_space<vmem>>
      %dma_start3A_107 = tpu.memref_squeeze %dma_start3A_106 : memref<1x2x128xi32, #tpu.memory_space<vmem>> -> memref<2x128xi32, #tpu.memory_space<vmem>>
      %dma_start3A_108 = arith.constant 0 : i32
      %dma_start3A_109 = tpu.memref_slice %dma_start3A_107[%dma_start3A_94, %dma_start3A_108] : memref<2x128xi32, #tpu.memory_space<vmem>> -> memref<1x128xi32, #tpu.memory_space<vmem>>
      %dma_start3A_110 = tpu.memref_squeeze %dma_start3A_109 : memref<1x128xi32, #tpu.memory_space<vmem>> -> memref<128xi32, #tpu.memory_space<vmem>>
      %dma_start3A_111 = arith.constant 0 : i32
      %dma_start3A_112 = arith.constant 0 : i32
      %dma_start3A_113 = tpu.memref_slice %arg2[%add3A, %dma_start3A_111, %dma_start3A_112] : memref<12x20000x128xf32, #tpu.memory_space<hbm>> -> memref<1x20000x128xf32, #tpu.memory_space<hbm>>
      %dma_start3A_114 = tpu.memref_squeeze %dma_start3A_113 : memref<1x20000x128xf32, #tpu.memory_space<hbm>> -> memref<20000x128xf32, #tpu.memory_space<hbm>>
      %dma_start3A_115 = arith.constant 0 : i32
      %dma_start3A_116 = arith.constant 0 : i32
      %dma_start3A_117 = tpu.memref_slice %dma_start3A_114[%dma_start3A_115, %dma_start3A_116] : memref<20000x128xf32, #tpu.memory_space<hbm>> -> memref<20000x128xf32, #tpu.memory_space<hbm>>
      %dma_start3A_118 = tpu.memref_slice %arg8[%rem3A_87] : memref<2x!tpu.dma_semaphore, #tpu.memory_space<semaphore_mem>> -> memref<1x!tpu.dma_semaphore, #tpu.memory_space<semaphore_mem>>
      %dma_start3A_119 = tpu.memref_squeeze %dma_start3A_118 : memref<1x!tpu.dma_semaphore, #tpu.memory_space<semaphore_mem>> -> memref<!tpu.dma_semaphore, #tpu.memory_space<semaphore_mem>>
      tpu.enqueue_indirect_dma source(%dma_start3A_117 : memref<20000x128xf32, #tpu.memory_space<hbm>>) target(%dma_start3A_98 : memref<128x128xf32, #tpu.memory_space<vmem>>) offsets(%dma_start3A_110 : memref<128xi32, #tpu.memory_space<vmem>>) semaphore(%dma_start3A_119 : memref<!tpu.dma_semaphore, #tpu.memory_space<semaphore_mem>>)
      %scan3A_120 = arith.constant 0 : i32
      %scan3A_121 = arith.constant 0 : i32
      %scan3A_122 = arith.constant 160 : i32
      %scan3A_123 = arith.addi %scan3A_121, %scan3A_122 : i32
      %scan3A_124 = arith.constant 1 : i32
      %scan3A_125 = scf.for %scan3A_196 = %scan3A_121 to %scan3A_123 step %scan3A_124 iter_args(%scan3A_197 = %scan3A_120) -> (i32)  : i32 {
        %add3A_198 = arith.constant 1 : i32
        %add3A_199 = arith.addi %scan3A_196, %add3A_198 : i32
        %lt3A_200 = arith.constant 160 : i32
        %lt3A_201 = arith.cmpi slt, %add3A_199, %lt3A_200 : i32
        %convert_element_type3A_202 = arith.extui %lt3A_201 : i1 to i32
        %cond3A_203 = arith.constant 0 : i32
        %cond3A_204 = arith.cmpi ne, %convert_element_type3A_202, %cond3A_203 : i32
        scf.if %cond3A_204 {
          %ge3A = arith.constant 1 : i32
          %ge3A_307 = arith.cmpi sge, %scan3A_196, %ge3A : i32
          %convert_element_type3A_308 = arith.extui %ge3A_307 : i1 to i32
          %cond3A_309 = arith.constant 0 : i32
          %cond3A_310 = arith.cmpi ne, %convert_element_type3A_308, %cond3A_309 : i32
          scf.if %cond3A_310 {
            %sub3A_436 = arith.constant 1 : i32
            %sub3A_437 = arith.subi %scan3A_196, %sub3A_436 : i32
            %rem3A_438 = arith.constant 2 : i32
            %rem3A_439 = arith.remsi %sub3A_437, %rem3A_438 : i32
            %jit3A_440 = arith.constant 16 : i32
            %div3A_441 = arith.divsi %sub3A_437, %jit3A_440 : i32
            %sign3A_442 = arith.constant 0 : i32
            %sign3A_443 = arith.cmpi sgt, %sub3A_437, %sign3A_442 : i32
            %sign3A_444 = arith.extui %sign3A_443 : i1 to i32
            %sign3A_445 = arith.constant 0 : i32
            %sign3A_446 = arith.cmpi slt, %sub3A_437, %sign3A_445 : i32
            %sign3A_447 = arith.extui %sign3A_446 : i1 to i32
            %sign3A_448 = arith.subi %sign3A_444, %sign3A_447 : i32
            %sign3A_449 = arith.constant 0 : i32
            %sign3A_450 = arith.cmpi sgt, %jit3A_440, %sign3A_449 : i32
            %sign3A_451 = arith.extui %sign3A_450 : i1 to i32
            %sign3A_452 = arith.constant 0 : i32
            %sign3A_453 = arith.cmpi slt, %jit3A_440, %sign3A_452 : i32
            %sign3A_454 = arith.extui %sign3A_453 : i1 to i32
            %sign3A_455 = arith.subi %sign3A_451, %sign3A_454 : i32
            %ne3A_456 = arith.cmpi ne, %sign3A_448, %sign3A_455 : i32
            %rem3A_457 = arith.remsi %sub3A_437, %jit3A_440 : i32
            %ne3A_458 = arith.constant 0 : i32
            %ne3A_459 = arith.cmpi ne, %rem3A_457, %ne3A_458 : i32
            %and3A_460 = arith.andi %ne3A_456, %ne3A_459 : i1
            %sub3A_461 = arith.constant 1 : i32
            %sub3A_462 = arith.subi %div3A_441, %sub3A_461 : i32
            %select_n3A_463 = arith.select %and3A_460, %sub3A_462, %div3A_441 : i32
            %rem3A_464 = arith.constant 2 : i32
            %rem3A_465 = arith.remsi %select_n3A_463, %rem3A_464 : i32
            %rem3A_466 = arith.constant 16 : i32
            %rem3A_467 = arith.remsi %sub3A_437, %rem3A_466 : i32
            %dma_wait3A_468 = arith.constant 1 : i32
            %dma_wait3A_469 = arith.constant 0 : i32
            %dma_wait3A_470 = arith.constant 0 : i32
            %dma_wait3A_471 = tpu.memref_slice %arg6[%rem3A_439, %dma_wait3A_469, %dma_wait3A_470] : memref<2x128x128xf32, #tpu.memory_space<vmem>> -> memref<1x128x128xf32, #tpu.memory_space<vmem>>
            %dma_wait3A_472 = tpu.memref_squeeze %dma_wait3A_471 : memref<1x128x128xf32, #tpu.memory_space<vmem>> -> memref<128x128xf32, #tpu.memory_space<vmem>>
            %dma_wait3A_473 = arith.constant 0 : i32
            %dma_wait3A_474 = arith.constant 0 : i32
            %dma_wait3A_475 = arith.constant 0 : i32
            %dma_wait3A_476 = tpu.memref_slice %arg5[%rem3A_465, %dma_wait3A_473, %dma_wait3A_474, %dma_wait3A_475] : memref<2x16x2x128xi32, #tpu.memory_space<vmem>> -> memref<1x16x2x128xi32, #tpu.memory_space<vmem>>
            %dma_wait3A_477 = tpu.memref_squeeze %dma_wait3A_476 : memref<1x16x2x128xi32, #tpu.memory_space<vmem>> -> memref<16x2x128xi32, #tpu.memory_space<vmem>>
            %dma_wait3A_478 = arith.constant 0 : i32
            %dma_wait3A_479 = arith.constant 0 : i32
            %dma_wait3A_480 = tpu.memref_slice %dma_wait3A_477[%rem3A_467, %dma_wait3A_478, %dma_wait3A_479] : memref<16x2x128xi32, #tpu.memory_space<vmem>> -> memref<1x2x128xi32, #tpu.memory_space<vmem>>
            %dma_wait3A_481 = tpu.memref_squeeze %dma_wait3A_480 : memref<1x2x128xi32, #tpu.memory_space<vmem>> -> memref<2x128xi32, #tpu.memory_space<vmem>>
            %dma_wait3A_482 = arith.constant 0 : i32
            %dma_wait3A_483 = tpu.memref_slice %dma_wait3A_481[%dma_wait3A_468, %dma_wait3A_482] : memref<2x128xi32, #tpu.memory_space<vmem>> -> memref<1x128xi32, #tpu.memory_space<vmem>>
            %dma_wait3A_484 = tpu.memref_squeeze %dma_wait3A_483 : memref<1x128xi32, #tpu.memory_space<vmem>> -> memref<128xi32, #tpu.memory_space<vmem>>
            %dma_wait3A_485 = arith.constant 0 : i32
            %dma_wait3A_486 = arith.constant 0 : i32
            %dma_wait3A_487 = tpu.memref_slice %arg7[%dma_wait3A_485, %dma_wait3A_486] : memref<10112x128xf32, #tpu.memory_space<vmem_shared>> -> memref<10112x128xf32, #tpu.memory_space<vmem_shared>>
            %dma_wait3A_488 = tpu.memref_slice %arg9[%rem3A_439] : memref<2x!tpu.dma_semaphore, #tpu.memory_space<semaphore_mem>> -> memref<1x!tpu.dma_semaphore, #tpu.memory_space<semaphore_mem>>
            %dma_wait3A_489 = tpu.memref_squeeze %dma_wait3A_488 : memref<1x!tpu.dma_semaphore, #tpu.memory_space<semaphore_mem>> -> memref<!tpu.dma_semaphore, #tpu.memory_space<semaphore_mem>>
            tpu.wait_indirect_dma semaphore(%dma_wait3A_489 : memref<!tpu.dma_semaphore, #tpu.memory_space<semaphore_mem>>) src(%dma_wait3A_472 : memref<128x128xf32, #tpu.memory_space<vmem>>) dst(%dma_wait3A_487 : memref<10112x128xf32, #tpu.memory_space<vmem_shared>>)
          } else {
          }
          %rem3A_311 = arith.constant 16 : i32
          %rem3A_312 = arith.remsi %add3A_199, %rem3A_311 : i32
          %eq3A = arith.constant 0 : i32
          %eq3A_313 = arith.cmpi eq, %rem3A_312, %eq3A : i32
          %convert_element_type3A_314 = arith.extui %eq3A_313 : i1 to i32
          %cond3A_315 = arith.constant 0 : i32
          %cond3A_316 = arith.cmpi ne, %convert_element_type3A_314, %cond3A_315 : i32
          scf.if %cond3A_316 {
            %jit3A_436 = arith.constant 16 : i32
            %div3A_437 = arith.divsi %add3A_199, %jit3A_436 : i32
            %sign3A_438 = arith.constant 0 : i32
            %sign3A_439 = arith.cmpi sgt, %add3A_199, %sign3A_438 : i32
            %sign3A_440 = arith.extui %sign3A_439 : i1 to i32
            %sign3A_441 = arith.constant 0 : i32
            %sign3A_442 = arith.cmpi slt, %add3A_199, %sign3A_441 : i32
            %sign3A_443 = arith.extui %sign3A_442 : i1 to i32
            %sign3A_444 = arith.subi %sign3A_440, %sign3A_443 : i32
            %sign3A_445 = arith.constant 0 : i32
            %sign3A_446 = arith.cmpi sgt, %jit3A_436, %sign3A_445 : i32
            %sign3A_447 = arith.extui %sign3A_446 : i1 to i32
            %sign3A_448 = arith.constant 0 : i32
            %sign3A_449 = arith.cmpi slt, %jit3A_436, %sign3A_448 : i32
            %sign3A_450 = arith.extui %sign3A_449 : i1 to i32
            %sign3A_451 = arith.subi %sign3A_447, %sign3A_450 : i32
            %ne3A_452 = arith.cmpi ne, %sign3A_444, %sign3A_451 : i32
            %rem3A_453 = arith.remsi %add3A_199, %jit3A_436 : i32
            %ne3A_454 = arith.constant 0 : i32
            %ne3A_455 = arith.cmpi ne, %rem3A_453, %ne3A_454 : i32
            %and3A_456 = arith.andi %ne3A_452, %ne3A_455 : i1
            %sub3A_457 = arith.constant 1 : i32
            %sub3A_458 = arith.subi %div3A_437, %sub3A_457 : i32
            %select_n3A_459 = arith.select %and3A_456, %sub3A_458, %div3A_437 : i32
            %rem3A_460 = arith.constant 2 : i32
            %rem3A_461 = arith.remsi %select_n3A_459, %rem3A_460 : i32
            %mul3A_462 = arith.constant 16 : i32
            %mul3A_463 = arith.muli %select_n3A_459, %mul3A_462 : i32
            %dma_wait3A_464 = arith.constant 0 : i32
            %dma_wait3A_465 = arith.constant 0 : i32
            %dma_wait3A_466 = arith.constant 0 : i32
            %dma_wait3A_467 = tpu.memref_slice %arg5[%rem3A_461, %dma_wait3A_464, %dma_wait3A_465, %dma_wait3A_466] : memref<2x16x2x128xi32, #tpu.memory_space<vmem>> -> memref<1x16x2x128xi32, #tpu.memory_space<vmem>>
            %dma_wait3A_468 = tpu.memref_squeeze %dma_wait3A_467 : memref<1x16x2x128xi32, #tpu.memory_space<vmem>> -> memref<16x2x128xi32, #tpu.memory_space<vmem>>
            %dma_wait3A_469 = arith.constant 0 : i32
            %dma_wait3A_470 = arith.constant 0 : i32
            %dma_wait3A_471 = tpu.memref_slice %arg3[%arg1, %mul3A_463, %dma_wait3A_469, %dma_wait3A_470] : memref<16x160x2x128xi32, #tpu.memory_space<hbm>> -> memref<1x16x2x128xi32, #tpu.memory_space<hbm>>
            %dma_wait3A_472 = tpu.memref_squeeze %dma_wait3A_471 : memref<1x16x2x128xi32, #tpu.memory_space<hbm>> -> memref<16x2x128xi32, #tpu.memory_space<hbm>>
            %dma_wait3A_473 = tpu.memref_slice %arg10[%rem3A_461] : memref<2x!tpu.dma_semaphore, #tpu.memory_space<semaphore_mem>> -> memref<1x!tpu.dma_semaphore, #tpu.memory_space<semaphore_mem>>
            %dma_wait3A_474 = tpu.memref_squeeze %dma_wait3A_473 : memref<1x!tpu.dma_semaphore, #tpu.memory_space<semaphore_mem>> -> memref<!tpu.dma_semaphore, #tpu.memory_space<semaphore_mem>>
            %dma_wait3A_475 = arith.constant 0 : i32
            %dma_wait3A_476 = arith.constant 0 : i32
            %dma_wait3A_477 = arith.constant 0 : i32
            %dma_wait3A_478 = tpu.memref_slice %arg5[%rem3A_461, %dma_wait3A_475, %dma_wait3A_476, %dma_wait3A_477] : memref<2x16x2x128xi32, #tpu.memory_space<vmem>> -> memref<1x16x2x128xi32, #tpu.memory_space<vmem>>
            %dma_wait3A_479 = tpu.memref_squeeze %dma_wait3A_478 : memref<1x16x2x128xi32, #tpu.memory_space<vmem>> -> memref<16x2x128xi32, #tpu.memory_space<vmem>>
            %dma_wait3A_480 = arith.constant 0 : i32
            %dma_wait3A_481 = arith.constant 0 : i32
            %dma_wait3A_482 = tpu.memref_slice %arg3[%arg1, %mul3A_463, %dma_wait3A_480, %dma_wait3A_481] : memref<16x160x2x128xi32, #tpu.memory_space<hbm>> -> memref<1x16x2x128xi32, #tpu.memory_space<hbm>>
            %dma_wait3A_483 = tpu.memref_squeeze %dma_wait3A_482 : memref<1x16x2x128xi32, #tpu.memory_space<hbm>> -> memref<16x2x128xi32, #tpu.memory_space<hbm>>
            tpu.wait_dma2 semaphore(%dma_wait3A_474 : memref<!tpu.dma_semaphore, #tpu.memory_space<semaphore_mem>>) src(%dma_wait3A_483 : memref<16x2x128xi32, #tpu.memory_space<hbm>>) dst(%dma_wait3A_479 : memref<16x2x128xi32, #tpu.memory_space<vmem>>)
          } else {
          }
          %rem3A_317 = arith.constant 16 : i32
          %rem3A_318 = arith.remsi %add3A_199, %rem3A_317 : i32
          %eq3A_319 = arith.constant 4 : i32
          %eq3A_320 = arith.cmpi eq, %rem3A_318, %eq3A_319 : i32
          %jit3A_321 = arith.constant 16 : i32
          %div3A_322 = arith.divsi %add3A_199, %jit3A_321 : i32
          %sign3A_323 = arith.constant 0 : i32
          %sign3A_324 = arith.cmpi sgt, %add3A_199, %sign3A_323 : i32
          %sign3A_325 = arith.extui %sign3A_324 : i1 to i32
          %sign3A_326 = arith.constant 0 : i32
          %sign3A_327 = arith.cmpi slt, %add3A_199, %sign3A_326 : i32
          %sign3A_328 = arith.extui %sign3A_327 : i1 to i32
          %sign3A_329 = arith.subi %sign3A_325, %sign3A_328 : i32
          %sign3A_330 = arith.constant 0 : i32
          %sign3A_331 = arith.cmpi sgt, %jit3A_321, %sign3A_330 : i32
          %sign3A_332 = arith.extui %sign3A_331 : i1 to i32
          %sign3A_333 = arith.constant 0 : i32
          %sign3A_334 = arith.cmpi slt, %jit3A_321, %sign3A_333 : i32
          %sign3A_335 = arith.extui %sign3A_334 : i1 to i32
          %sign3A_336 = arith.subi %sign3A_332, %sign3A_335 : i32
          %ne3A_337 = arith.cmpi ne, %sign3A_329, %sign3A_336 : i32
          %rem3A_338 = arith.remsi %add3A_199, %jit3A_321 : i32
          %ne3A_339 = arith.constant 0 : i32
          %ne3A_340 = arith.cmpi ne, %rem3A_338, %ne3A_339 : i32
          %and3A_341 = arith.andi %ne3A_337, %ne3A_340 : i1
          %sub3A_342 = arith.constant 1 : i32
          %sub3A_343 = arith.subi %div3A_322, %sub3A_342 : i32
          %select_n3A_344 = arith.select %and3A_341, %sub3A_343, %div3A_322 : i32
          %ge3A_345 = arith.constant 1 : i32
          %ge3A_346 = arith.cmpi sge, %select_n3A_344, %ge3A_345 : i32
          %jit3A_347 = arith.constant 16 : i32
          %div3A_348 = arith.divsi %add3A_199, %jit3A_347 : i32
          %sign3A_349 = arith.constant 0 : i32
          %sign3A_350 = arith.cmpi sgt, %add3A_199, %sign3A_349 : i32
          %sign3A_351 = arith.extui %sign3A_350 : i1 to i32
          %sign3A_352 = arith.constant 0 : i32
          %sign3A_353 = arith.cmpi slt, %add3A_199, %sign3A_352 : i32
          %sign3A_354 = arith.extui %sign3A_353 : i1 to i32
          %sign3A_355 = arith.subi %sign3A_351, %sign3A_354 : i32
          %sign3A_356 = arith.constant 0 : i32
          %sign3A_357 = arith.cmpi sgt, %jit3A_347, %sign3A_356 : i32
          %sign3A_358 = arith.extui %sign3A_357 : i1 to i32
          %sign3A_359 = arith.constant 0 : i32
          %sign3A_360 = arith.cmpi slt, %jit3A_347, %sign3A_359 : i32
          %sign3A_361 = arith.extui %sign3A_360 : i1 to i32
          %sign3A_362 = arith.subi %sign3A_358, %sign3A_361 : i32
          %ne3A_363 = arith.cmpi ne, %sign3A_355, %sign3A_362 : i32
          %rem3A_364 = arith.remsi %add3A_199, %jit3A_347 : i32
          %ne3A_365 = arith.constant 0 : i32
          %ne3A_366 = arith.cmpi ne, %rem3A_364, %ne3A_365 : i32
          %and3A_367 = arith.andi %ne3A_363, %ne3A_366 : i1
          %sub3A_368 = arith.constant 1 : i32
          %sub3A_369 = arith.subi %div3A_348, %sub3A_368 : i32
          %select_n3A_370 = arith.select %and3A_367, %sub3A_369, %div3A_348 : i32
          %add3A_371 = arith.constant 1 : i32
          %add3A_372 = arith.addi %select_n3A_370, %add3A_371 : i32
          %lt3A_373 = arith.constant 10 : i32
          %lt3A_374 = arith.cmpi slt, %add3A_372, %lt3A_373 : i32
          %and3A_375 = arith.andi %ge3A_346, %lt3A_374 : i1
          %and3A_376 = arith.andi %eq3A_320, %and3A_375 : i1
          %convert_element_type3A_377 = arith.extui %and3A_376 : i1 to i32
          %cond3A_378 = arith.constant 0 : i32
          %cond3A_379 = arith.cmpi ne, %convert_element_type3A_377, %cond3A_378 : i32
          scf.if %cond3A_379 {
            %jit3A_436 = arith.constant 16 : i32
            %div3A_437 = arith.divsi %add3A_199, %jit3A_436 : i32
            %sign3A_438 = arith.constant 0 : i32
            %sign3A_439 = arith.cmpi sgt, %add3A_199, %sign3A_438 : i32
            %sign3A_440 = arith.extui %sign3A_439 : i1 to i32
            %sign3A_441 = arith.constant 0 : i32
            %sign3A_442 = arith.cmpi slt, %add3A_199, %sign3A_441 : i32
            %sign3A_443 = arith.extui %sign3A_442 : i1 to i32
            %sign3A_444 = arith.subi %sign3A_440, %sign3A_443 : i32
            %sign3A_445 = arith.constant 0 : i32
            %sign3A_446 = arith.cmpi sgt, %jit3A_436, %sign3A_445 : i32
            %sign3A_447 = arith.extui %sign3A_446 : i1 to i32
            %sign3A_448 = arith.constant 0 : i32
            %sign3A_449 = arith.cmpi slt, %jit3A_436, %sign3A_448 : i32
            %sign3A_450 = arith.extui %sign3A_449 : i1 to i32
            %sign3A_451 = arith.subi %sign3A_447, %sign3A_450 : i32
            %ne3A_452 = arith.cmpi ne, %sign3A_444, %sign3A_451 : i32
            %rem3A_453 = arith.remsi %add3A_199, %jit3A_436 : i32
            %ne3A_454 = arith.constant 0 : i32
            %ne3A_455 = arith.cmpi ne, %rem3A_453, %ne3A_454 : i32
            %and3A_456 = arith.andi %ne3A_452, %ne3A_455 : i1
            %sub3A_457 = arith.constant 1 : i32
            %sub3A_458 = arith.subi %div3A_437, %sub3A_457 : i32
            %select_n3A_459 = arith.select %and3A_456, %sub3A_458, %div3A_437 : i32
            %add3A_460 = arith.constant 1 : i32
            %add3A_461 = arith.addi %select_n3A_459, %add3A_460 : i32
            %rem3A_462 = arith.constant 2 : i32
            %rem3A_463 = arith.remsi %add3A_461, %rem3A_462 : i32
            %mul3A_464 = arith.constant 16 : i32
            %mul3A_465 = arith.muli %add3A_461, %mul3A_464 : i32
            %dma_start3A_466 = arith.constant 0 : i32
            %dma_start3A_467 = arith.constant 0 : i32
            %dma_start3A_468 = arith.constant 0 : i32
            %dma_start3A_469 = tpu.memref_slice %arg5[%rem3A_463, %dma_start3A_466, %dma_start3A_467, %dma_start3A_468] : memref<2x16x2x128xi32, #tpu.memory_space<vmem>> -> memref<1x16x2x128xi32, #tpu.memory_space<vmem>>
            %dma_start3A_470 = tpu.memref_squeeze %dma_start3A_469 : memref<1x16x2x128xi32, #tpu.memory_space<vmem>> -> memref<16x2x128xi32, #tpu.memory_space<vmem>>
            %dma_start3A_471 = arith.constant 0 : i32
            %dma_start3A_472 = arith.constant 0 : i32
            %dma_start3A_473 = tpu.memref_slice %arg3[%arg1, %mul3A_465, %dma_start3A_471, %dma_start3A_472] : memref<16x160x2x128xi32, #tpu.memory_space<hbm>> -> memref<1x16x2x128xi32, #tpu.memory_space<hbm>>
            %dma_start3A_474 = tpu.memref_squeeze %dma_start3A_473 : memref<1x16x2x128xi32, #tpu.memory_space<hbm>> -> memref<16x2x128xi32, #tpu.memory_space<hbm>>
            %dma_start3A_475 = tpu.memref_slice %arg10[%rem3A_463] : memref<2x!tpu.dma_semaphore, #tpu.memory_space<semaphore_mem>> -> memref<1x!tpu.dma_semaphore, #tpu.memory_space<semaphore_mem>>
            %dma_start3A_476 = tpu.memref_squeeze %dma_start3A_475 : memref<1x!tpu.dma_semaphore, #tpu.memory_space<semaphore_mem>> -> memref<!tpu.dma_semaphore, #tpu.memory_space<semaphore_mem>>
            %dma_start3A_477 = arith.constant 0 : i32
            %dma_start3A_478 = arith.constant 0 : i32
            %dma_start3A_479 = arith.constant 0 : i32
            %dma_start3A_480 = tpu.memref_slice %arg5[%rem3A_463, %dma_start3A_477, %dma_start3A_478, %dma_start3A_479] : memref<2x16x2x128xi32, #tpu.memory_space<vmem>> -> memref<1x16x2x128xi32, #tpu.memory_space<vmem>>
            %dma_start3A_481 = tpu.memref_squeeze %dma_start3A_480 : memref<1x16x2x128xi32, #tpu.memory_space<vmem>> -> memref<16x2x128xi32, #tpu.memory_space<vmem>>
            %dma_start3A_482 = arith.constant 0 : i32
            %dma_start3A_483 = arith.constant 0 : i32
            %dma_start3A_484 = tpu.memref_slice %arg3[%arg1, %mul3A_465, %dma_start3A_482, %dma_start3A_483] : memref<16x160x2x128xi32, #tpu.memory_space<hbm>> -> memref<1x16x2x128xi32, #tpu.memory_space<hbm>>
            %dma_start3A_485 = tpu.memref_squeeze %dma_start3A_484 : memref<1x16x2x128xi32, #tpu.memory_space<hbm>> -> memref<16x2x128xi32, #tpu.memory_space<hbm>>
            tpu.enqueue_dma source(%dma_start3A_485 : memref<16x2x128xi32, #tpu.memory_space<hbm>>) target(%dma_start3A_481 : memref<16x2x128xi32, #tpu.memory_space<vmem>>) target_semaphore(%dma_start3A_476 : memref<!tpu.dma_semaphore, #tpu.memory_space<semaphore_mem>>)
          } else {
          }
          %rem3A_380 = arith.constant 2 : i32
          %rem3A_381 = arith.remsi %add3A_199, %rem3A_380 : i32
          %jit3A_382 = arith.constant 16 : i32
          %div3A_383 = arith.divsi %add3A_199, %jit3A_382 : i32
          %sign3A_384 = arith.constant 0 : i32
          %sign3A_385 = arith.cmpi sgt, %add3A_199, %sign3A_384 : i32
          %sign3A_386 = arith.extui %sign3A_385 : i1 to i32
          %sign3A_387 = arith.constant 0 : i32
          %sign3A_388 = arith.cmpi slt, %add3A_199, %sign3A_387 : i32
          %sign3A_389 = arith.extui %sign3A_388 : i1 to i32
          %sign3A_390 = arith.subi %sign3A_386, %sign3A_389 : i32
          %sign3A_391 = arith.constant 0 : i32
          %sign3A_392 = arith.cmpi sgt, %jit3A_382, %sign3A_391 : i32
          %sign3A_393 = arith.extui %sign3A_392 : i1 to i32
          %sign3A_394 = arith.constant 0 : i32
          %sign3A_395 = arith.cmpi slt, %jit3A_382, %sign3A_394 : i32
          %sign3A_396 = arith.extui %sign3A_395 : i1 to i32
          %sign3A_397 = arith.subi %sign3A_393, %sign3A_396 : i32
          %ne3A_398 = arith.cmpi ne, %sign3A_390, %sign3A_397 : i32
          %rem3A_399 = arith.remsi %add3A_199, %jit3A_382 : i32
          %ne3A_400 = arith.constant 0 : i32
          %ne3A_401 = arith.cmpi ne, %rem3A_399, %ne3A_400 : i32
          %and3A_402 = arith.andi %ne3A_398, %ne3A_401 : i1
          %sub3A_403 = arith.constant 1 : i32
          %sub3A_404 = arith.subi %div3A_383, %sub3A_403 : i32
          %select_n3A_405 = arith.select %and3A_402, %sub3A_404, %div3A_383 : i32
          %rem3A_406 = arith.constant 2 : i32
          %rem3A_407 = arith.remsi %select_n3A_405, %rem3A_406 : i32
          %rem3A_408 = arith.constant 16 : i32
          %rem3A_409 = arith.remsi %add3A_199, %rem3A_408 : i32
          %dma_start3A_410 = arith.constant 0 : i32
          %dma_start3A_411 = arith.constant 0 : i32
          %dma_start3A_412 = arith.constant 0 : i32
          %dma_start3A_413 = tpu.memref_slice %arg6[%rem3A_381, %dma_start3A_411, %dma_start3A_412] : memref<2x128x128xf32, #tpu.memory_space<vmem>> -> memref<1x128x128xf32, #tpu.memory_space<vmem>>
          %dma_start3A_414 = tpu.memref_squeeze %dma_start3A_413 : memref<1x128x128xf32, #tpu.memory_space<vmem>> -> memref<128x128xf32, #tpu.memory_space<vmem>>
          %dma_start3A_415 = arith.constant 0 : i32
          %dma_start3A_416 = arith.constant 0 : i32
          %dma_start3A_417 = arith.constant 0 : i32
          %dma_start3A_418 = tpu.memref_slice %arg5[%rem3A_407, %dma_start3A_415, %dma_start3A_416, %dma_start3A_417] : memref<2x16x2x128xi32, #tpu.memory_space<vmem>> -> memref<1x16x2x128xi32, #tpu.memory_space<vmem>>
          %dma_start3A_419 = tpu.memref_squeeze %dma_start3A_418 : memref<1x16x2x128xi32, #tpu.memory_space<vmem>> -> memref<16x2x128xi32, #tpu.memory_space<vmem>>
          %dma_start3A_420 = arith.constant 0 : i32
          %dma_start3A_421 = arith.constant 0 : i32
          %dma_start3A_422 = tpu.memref_slice %dma_start3A_419[%rem3A_409, %dma_start3A_420, %dma_start3A_421] : memref<16x2x128xi32, #tpu.memory_space<vmem>> -> memref<1x2x128xi32, #tpu.memory_space<vmem>>
          %dma_start3A_423 = tpu.memref_squeeze %dma_start3A_422 : memref<1x2x128xi32, #tpu.memory_space<vmem>> -> memref<2x128xi32, #tpu.memory_space<vmem>>
          %dma_start3A_424 = arith.constant 0 : i32
          %dma_start3A_425 = tpu.memref_slice %dma_start3A_423[%dma_start3A_410, %dma_start3A_424] : memref<2x128xi32, #tpu.memory_space<vmem>> -> memref<1x128xi32, #tpu.memory_space<vmem>>
          %dma_start3A_426 = tpu.memref_squeeze %dma_start3A_425 : memref<1x128xi32, #tpu.memory_space<vmem>> -> memref<128xi32, #tpu.memory_space<vmem>>
          %dma_start3A_427 = arith.constant 0 : i32
          %dma_start3A_428 = arith.constant 0 : i32
          %dma_start3A_429 = tpu.memref_slice %arg2[%add3A, %dma_start3A_427, %dma_start3A_428] : memref<12x20000x128xf32, #tpu.memory_space<hbm>> -> memref<1x20000x128xf32, #tpu.memory_space<hbm>>
          %dma_start3A_430 = tpu.memref_squeeze %dma_start3A_429 : memref<1x20000x128xf32, #tpu.memory_space<hbm>> -> memref<20000x128xf32, #tpu.memory_space<hbm>>
          %dma_start3A_431 = arith.constant 0 : i32
          %dma_start3A_432 = arith.constant 0 : i32
          %dma_start3A_433 = tpu.memref_slice %dma_start3A_430[%dma_start3A_431, %dma_start3A_432] : memref<20000x128xf32, #tpu.memory_space<hbm>> -> memref<20000x128xf32, #tpu.memory_space<hbm>>
          %dma_start3A_434 = tpu.memref_slice %arg8[%rem3A_381] : memref<2x!tpu.dma_semaphore, #tpu.memory_space<semaphore_mem>> -> memref<1x!tpu.dma_semaphore, #tpu.memory_space<semaphore_mem>>
          %dma_start3A_435 = tpu.memref_squeeze %dma_start3A_434 : memref<1x!tpu.dma_semaphore, #tpu.memory_space<semaphore_mem>> -> memref<!tpu.dma_semaphore, #tpu.memory_space<semaphore_mem>>
          tpu.enqueue_indirect_dma source(%dma_start3A_433 : memref<20000x128xf32, #tpu.memory_space<hbm>>) target(%dma_start3A_414 : memref<128x128xf32, #tpu.memory_space<vmem>>) offsets(%dma_start3A_426 : memref<128xi32, #tpu.memory_space<vmem>>) semaphore(%dma_start3A_435 : memref<!tpu.dma_semaphore, #tpu.memory_space<semaphore_mem>>)
        } else {
        }
        %rem3A_205 = arith.constant 2 : i32
        %rem3A_206 = arith.remsi %scan3A_196, %rem3A_205 : i32
        %jit3A = arith.constant 16 : i32
        %div3A = arith.divsi %scan3A_196, %jit3A : i32
        %sign3A = arith.constant 0 : i32
        %sign3A_207 = arith.cmpi sgt, %scan3A_196, %sign3A : i32
        %sign3A_208 = arith.extui %sign3A_207 : i1 to i32
        %sign3A_209 = arith.constant 0 : i32
        %sign3A_210 = arith.cmpi slt, %scan3A_196, %sign3A_209 : i32
        %sign3A_211 = arith.extui %sign3A_210 : i1 to i32
        %sign3A_212 = arith.subi %sign3A_208, %sign3A_211 : i32
        %sign3A_213 = arith.constant 0 : i32
        %sign3A_214 = arith.cmpi sgt, %jit3A, %sign3A_213 : i32
        %sign3A_215 = arith.extui %sign3A_214 : i1 to i32
        %sign3A_216 = arith.constant 0 : i32
        %sign3A_217 = arith.cmpi slt, %jit3A, %sign3A_216 : i32
        %sign3A_218 = arith.extui %sign3A_217 : i1 to i32
        %sign3A_219 = arith.subi %sign3A_215, %sign3A_218 : i32
        %ne3A = arith.cmpi ne, %sign3A_212, %sign3A_219 : i32
        %rem3A_220 = arith.remsi %scan3A_196, %jit3A : i32
        %ne3A_221 = arith.constant 0 : i32
        %ne3A_222 = arith.cmpi ne, %rem3A_220, %ne3A_221 : i32
        %and3A = arith.andi %ne3A, %ne3A_222 : i1
        %sub3A = arith.constant 1 : i32
        %sub3A_223 = arith.subi %div3A, %sub3A : i32
        %select_n3A = arith.select %and3A, %sub3A_223, %div3A : i32
        %rem3A_224 = arith.constant 2 : i32
        %rem3A_225 = arith.remsi %select_n3A, %rem3A_224 : i32
        %rem3A_226 = arith.constant 16 : i32
        %rem3A_227 = arith.remsi %scan3A_196, %rem3A_226 : i32
        %dma_wait3A_228 = arith.constant 0 : i32
        %dma_wait3A_229 = arith.constant 0 : i32
        %dma_wait3A_230 = arith.constant 0 : i32
        %dma_wait3A_231 = tpu.memref_slice %arg6[%rem3A_206, %dma_wait3A_229, %dma_wait3A_230] : memref<2x128x128xf32, #tpu.memory_space<vmem>> -> memref<1x128x128xf32, #tpu.memory_space<vmem>>
        %dma_wait3A_232 = tpu.memref_squeeze %dma_wait3A_231 : memref<1x128x128xf32, #tpu.memory_space<vmem>> -> memref<128x128xf32, #tpu.memory_space<vmem>>
        %dma_wait3A_233 = arith.constant 0 : i32
        %dma_wait3A_234 = arith.constant 0 : i32
        %dma_wait3A_235 = arith.constant 0 : i32
        %dma_wait3A_236 = tpu.memref_slice %arg5[%rem3A_225, %dma_wait3A_233, %dma_wait3A_234, %dma_wait3A_235] : memref<2x16x2x128xi32, #tpu.memory_space<vmem>> -> memref<1x16x2x128xi32, #tpu.memory_space<vmem>>
        %dma_wait3A_237 = tpu.memref_squeeze %dma_wait3A_236 : memref<1x16x2x128xi32, #tpu.memory_space<vmem>> -> memref<16x2x128xi32, #tpu.memory_space<vmem>>
        %dma_wait3A_238 = arith.constant 0 : i32
        %dma_wait3A_239 = arith.constant 0 : i32
        %dma_wait3A_240 = tpu.memref_slice %dma_wait3A_237[%rem3A_227, %dma_wait3A_238, %dma_wait3A_239] : memref<16x2x128xi32, #tpu.memory_space<vmem>> -> memref<1x2x128xi32, #tpu.memory_space<vmem>>
        %dma_wait3A_241 = tpu.memref_squeeze %dma_wait3A_240 : memref<1x2x128xi32, #tpu.memory_space<vmem>> -> memref<2x128xi32, #tpu.memory_space<vmem>>
        %dma_wait3A_242 = arith.constant 0 : i32
        %dma_wait3A_243 = tpu.memref_slice %dma_wait3A_241[%dma_wait3A_228, %dma_wait3A_242] : memref<2x128xi32, #tpu.memory_space<vmem>> -> memref<1x128xi32, #tpu.memory_space<vmem>>
        %dma_wait3A_244 = tpu.memref_squeeze %dma_wait3A_243 : memref<1x128xi32, #tpu.memory_space<vmem>> -> memref<128xi32, #tpu.memory_space<vmem>>
        %dma_wait3A_245 = arith.constant 0 : i32
        %dma_wait3A_246 = arith.constant 0 : i32
        %dma_wait3A_247 = tpu.memref_slice %arg2[%add3A, %dma_wait3A_245, %dma_wait3A_246] : memref<12x20000x128xf32, #tpu.memory_space<hbm>> -> memref<1x20000x128xf32, #tpu.memory_space<hbm>>
        %dma_wait3A_248 = tpu.memref_squeeze %dma_wait3A_247 : memref<1x20000x128xf32, #tpu.memory_space<hbm>> -> memref<20000x128xf32, #tpu.memory_space<hbm>>
        %dma_wait3A_249 = arith.constant 0 : i32
        %dma_wait3A_250 = arith.constant 0 : i32
        %dma_wait3A_251 = tpu.memref_slice %dma_wait3A_248[%dma_wait3A_249, %dma_wait3A_250] : memref<20000x128xf32, #tpu.memory_space<hbm>> -> memref<20000x128xf32, #tpu.memory_space<hbm>>
        %dma_wait3A_252 = tpu.memref_slice %arg8[%rem3A_206] : memref<2x!tpu.dma_semaphore, #tpu.memory_space<semaphore_mem>> -> memref<1x!tpu.dma_semaphore, #tpu.memory_space<semaphore_mem>>
        %dma_wait3A_253 = tpu.memref_squeeze %dma_wait3A_252 : memref<1x!tpu.dma_semaphore, #tpu.memory_space<semaphore_mem>> -> memref<!tpu.dma_semaphore, #tpu.memory_space<semaphore_mem>>
        tpu.wait_indirect_dma semaphore(%dma_wait3A_253 : memref<!tpu.dma_semaphore, #tpu.memory_space<semaphore_mem>>) src(%dma_wait3A_251 : memref<20000x128xf32, #tpu.memory_space<hbm>>) dst(%dma_wait3A_232 : memref<128x128xf32, #tpu.memory_space<vmem>>)
        %rem3A_254 = arith.constant 2 : i32
        %rem3A_255 = arith.remsi %scan3A_196, %rem3A_254 : i32
        %jit3A_256 = arith.constant 16 : i32
        %div3A_257 = arith.divsi %scan3A_196, %jit3A_256 : i32
        %sign3A_258 = arith.constant 0 : i32
        %sign3A_259 = arith.cmpi sgt, %scan3A_196, %sign3A_258 : i32
        %sign3A_260 = arith.extui %sign3A_259 : i1 to i32
        %sign3A_261 = arith.constant 0 : i32
        %sign3A_262 = arith.cmpi slt, %scan3A_196, %sign3A_261 : i32
        %sign3A_263 = arith.extui %sign3A_262 : i1 to i32
        %sign3A_264 = arith.subi %sign3A_260, %sign3A_263 : i32
        %sign3A_265 = arith.constant 0 : i32
        %sign3A_266 = arith.cmpi sgt, %jit3A_256, %sign3A_265 : i32
        %sign3A_267 = arith.extui %sign3A_266 : i1 to i32
        %sign3A_268 = arith.constant 0 : i32
        %sign3A_269 = arith.cmpi slt, %jit3A_256, %sign3A_268 : i32
        %sign3A_270 = arith.extui %sign3A_269 : i1 to i32
        %sign3A_271 = arith.subi %sign3A_267, %sign3A_270 : i32
        %ne3A_272 = arith.cmpi ne, %sign3A_264, %sign3A_271 : i32
        %rem3A_273 = arith.remsi %scan3A_196, %jit3A_256 : i32
        %ne3A_274 = arith.constant 0 : i32
        %ne3A_275 = arith.cmpi ne, %rem3A_273, %ne3A_274 : i32
        %and3A_276 = arith.andi %ne3A_272, %ne3A_275 : i1
        %sub3A_277 = arith.constant 1 : i32
        %sub3A_278 = arith.subi %div3A_257, %sub3A_277 : i32
        %select_n3A_279 = arith.select %and3A_276, %sub3A_278, %div3A_257 : i32
        %rem3A_280 = arith.constant 2 : i32
        %rem3A_281 = arith.remsi %select_n3A_279, %rem3A_280 : i32
        %rem3A_282 = arith.constant 16 : i32
        %rem3A_283 = arith.remsi %scan3A_196, %rem3A_282 : i32
        %dma_start3A_284 = arith.constant 1 : i32
        %dma_start3A_285 = arith.constant 0 : i32
        %dma_start3A_286 = arith.constant 0 : i32
        %dma_start3A_287 = tpu.memref_slice %arg6[%rem3A_255, %dma_start3A_285, %dma_start3A_286] : memref<2x128x128xf32, #tpu.memory_space<vmem>> -> memref<1x128x128xf32, #tpu.memory_space<vmem>>
        %dma_start3A_288 = tpu.memref_squeeze %dma_start3A_287 : memref<1x128x128xf32, #tpu.memory_space<vmem>> -> memref<128x128xf32, #tpu.memory_space<vmem>>
        %dma_start3A_289 = arith.constant 0 : i32
        %dma_start3A_290 = arith.constant 0 : i32
        %dma_start3A_291 = arith.constant 0 : i32
        %dma_start3A_292 = tpu.memref_slice %arg5[%rem3A_281, %dma_start3A_289, %dma_start3A_290, %dma_start3A_291] : memref<2x16x2x128xi32, #tpu.memory_space<vmem>> -> memref<1x16x2x128xi32, #tpu.memory_space<vmem>>
        %dma_start3A_293 = tpu.memref_squeeze %dma_start3A_292 : memref<1x16x2x128xi32, #tpu.memory_space<vmem>> -> memref<16x2x128xi32, #tpu.memory_space<vmem>>
        %dma_start3A_294 = arith.constant 0 : i32
        %dma_start3A_295 = arith.constant 0 : i32
        %dma_start3A_296 = tpu.memref_slice %dma_start3A_293[%rem3A_283, %dma_start3A_294, %dma_start3A_295] : memref<16x2x128xi32, #tpu.memory_space<vmem>> -> memref<1x2x128xi32, #tpu.memory_space<vmem>>
        %dma_start3A_297 = tpu.memref_squeeze %dma_start3A_296 : memref<1x2x128xi32, #tpu.memory_space<vmem>> -> memref<2x128xi32, #tpu.memory_space<vmem>>
        %dma_start3A_298 = arith.constant 0 : i32
        %dma_start3A_299 = tpu.memref_slice %dma_start3A_297[%dma_start3A_284, %dma_start3A_298] : memref<2x128xi32, #tpu.memory_space<vmem>> -> memref<1x128xi32, #tpu.memory_space<vmem>>
        %dma_start3A_300 = tpu.memref_squeeze %dma_start3A_299 : memref<1x128xi32, #tpu.memory_space<vmem>> -> memref<128xi32, #tpu.memory_space<vmem>>
        %dma_start3A_301 = arith.constant 0 : i32
        %dma_start3A_302 = arith.constant 0 : i32
        %dma_start3A_303 = tpu.memref_slice %arg7[%dma_start3A_301, %dma_start3A_302] : memref<10112x128xf32, #tpu.memory_space<vmem_shared>> -> memref<10112x128xf32, #tpu.memory_space<vmem_shared>>
        %dma_start3A_304 = tpu.memref_slice %arg9[%rem3A_255] : memref<2x!tpu.dma_semaphore, #tpu.memory_space<semaphore_mem>> -> memref<1x!tpu.dma_semaphore, #tpu.memory_space<semaphore_mem>>
        %dma_start3A_305 = tpu.memref_squeeze %dma_start3A_304 : memref<1x!tpu.dma_semaphore, #tpu.memory_space<semaphore_mem>> -> memref<!tpu.dma_semaphore, #tpu.memory_space<semaphore_mem>>
        tpu.enqueue_indirect_dma source(%dma_start3A_288 : memref<128x128xf32, #tpu.memory_space<vmem>>) target(%dma_start3A_303 : memref<10112x128xf32, #tpu.memory_space<vmem_shared>>) offsets(%dma_start3A_300 : memref<128xi32, #tpu.memory_space<vmem>>) semaphore(%dma_start3A_305 : memref<!tpu.dma_semaphore, #tpu.memory_space<semaphore_mem>>) {add = true}
        %scan3A_306 = arith.constant 0 : i32
        scf.yield %scan3A_306 : i32
      }
      %scan3A_126 = arith.constant 160 : i32
      %rem3A_127 = arith.constant 159 : i32
      %rem3A_128 = arith.constant 2 : i32
      %rem3A_129 = arith.remsi %rem3A_127, %rem3A_128 : i32
      %rem3A_130 = arith.constant 9 : i32
      %rem3A_131 = arith.constant 2 : i32
      %rem3A_132 = arith.remsi %rem3A_130, %rem3A_131 : i32
      %rem3A_133 = arith.constant 159 : i32
      %rem3A_134 = arith.constant 16 : i32
      %rem3A_135 = arith.remsi %rem3A_133, %rem3A_134 : i32
      %dma_wait3A_136 = arith.constant 1 : i32
      %dma_wait3A_137 = arith.constant 0 : i32
      %dma_wait3A_138 = arith.constant 0 : i32
      %dma_wait3A_139 = tpu.memref_slice %arg6[%rem3A_129, %dma_wait3A_137, %dma_wait3A_138] : memref<2x128x128xf32, #tpu.memory_space<vmem>> -> memref<1x128x128xf32, #tpu.memory_space<vmem>>
      %dma_wait3A_140 = tpu.memref_squeeze %dma_wait3A_139 : memref<1x128x128xf32, #tpu.memory_space<vmem>> -> memref<128x128xf32, #tpu.memory_space<vmem>>
      %dma_wait3A_141 = arith.constant 0 : i32
      %dma_wait3A_142 = arith.constant 0 : i32
      %dma_wait3A_143 = arith.constant 0 : i32
      %dma_wait3A_144 = tpu.memref_slice %arg5[%rem3A_132, %dma_wait3A_141, %dma_wait3A_142, %dma_wait3A_143] : memref<2x16x2x128xi32, #tpu.memory_space<vmem>> -> memref<1x16x2x128xi32, #tpu.memory_space<vmem>>
      %dma_wait3A_145 = tpu.memref_squeeze %dma_wait3A_144 : memref<1x16x2x128xi32, #tpu.memory_space<vmem>> -> memref<16x2x128xi32, #tpu.memory_space<vmem>>
      %dma_wait3A_146 = arith.constant 0 : i32
      %dma_wait3A_147 = arith.constant 0 : i32
      %dma_wait3A_148 = tpu.memref_slice %dma_wait3A_145[%rem3A_135, %dma_wait3A_146, %dma_wait3A_147] : memref<16x2x128xi32, #tpu.memory_space<vmem>> -> memref<1x2x128xi32, #tpu.memory_space<vmem>>
      %dma_wait3A_149 = tpu.memref_squeeze %dma_wait3A_148 : memref<1x2x128xi32, #tpu.memory_space<vmem>> -> memref<2x128xi32, #tpu.memory_space<vmem>>
      %dma_wait3A_150 = arith.constant 0 : i32
      %dma_wait3A_151 = tpu.memref_slice %dma_wait3A_149[%dma_wait3A_136, %dma_wait3A_150] : memref<2x128xi32, #tpu.memory_space<vmem>> -> memref<1x128xi32, #tpu.memory_space<vmem>>
      %dma_wait3A_152 = tpu.memref_squeeze %dma_wait3A_151 : memref<1x128xi32, #tpu.memory_space<vmem>> -> memref<128xi32, #tpu.memory_space<vmem>>
      %dma_wait3A_153 = arith.constant 0 : i32
      %dma_wait3A_154 = arith.constant 0 : i32
      %dma_wait3A_155 = tpu.memref_slice %arg7[%dma_wait3A_153, %dma_wait3A_154] : memref<10112x128xf32, #tpu.memory_space<vmem_shared>> -> memref<10112x128xf32, #tpu.memory_space<vmem_shared>>
      %dma_wait3A_156 = tpu.memref_slice %arg9[%rem3A_129] : memref<2x!tpu.dma_semaphore, #tpu.memory_space<semaphore_mem>> -> memref<1x!tpu.dma_semaphore, #tpu.memory_space<semaphore_mem>>
      %dma_wait3A_157 = tpu.memref_squeeze %dma_wait3A_156 : memref<1x!tpu.dma_semaphore, #tpu.memory_space<semaphore_mem>> -> memref<!tpu.dma_semaphore, #tpu.memory_space<semaphore_mem>>
      tpu.wait_indirect_dma semaphore(%dma_wait3A_157 : memref<!tpu.dma_semaphore, #tpu.memory_space<semaphore_mem>>) src(%dma_wait3A_140 : memref<128x128xf32, #tpu.memory_space<vmem>>) dst(%dma_wait3A_155 : memref<10112x128xf32, #tpu.memory_space<vmem_shared>>)
      %rem3A_158 = arith.constant 158 : i32
      %rem3A_159 = arith.constant 2 : i32
      %rem3A_160 = arith.remsi %rem3A_158, %rem3A_159 : i32
      %rem3A_161 = arith.constant 9 : i32
      %rem3A_162 = arith.constant 2 : i32
      %rem3A_163 = arith.remsi %rem3A_161, %rem3A_162 : i32
      %rem3A_164 = arith.constant 158 : i32
      %rem3A_165 = arith.constant 16 : i32
      %rem3A_166 = arith.remsi %rem3A_164, %rem3A_165 : i32
      %dma_wait3A_167 = arith.constant 1 : i32
      %dma_wait3A_168 = arith.constant 0 : i32
      %dma_wait3A_169 = arith.constant 0 : i32
      %dma_wait3A_170 = tpu.memref_slice %arg6[%rem3A_160, %dma_wait3A_168, %dma_wait3A_169] : memref<2x128x128xf32, #tpu.memory_space<vmem>> -> memref<1x128x128xf32, #tpu.memory_space<vmem>>
      %dma_wait3A_171 = tpu.memref_squeeze %dma_wait3A_170 : memref<1x128x128xf32, #tpu.memory_space<vmem>> -> memref<128x128xf32, #tpu.memory_space<vmem>>
      %dma_wait3A_172 = arith.constant 0 : i32
      %dma_wait3A_173 = arith.constant 0 : i32
      %dma_wait3A_174 = arith.constant 0 : i32
      %dma_wait3A_175 = tpu.memref_slice %arg5[%rem3A_163, %dma_wait3A_172, %dma_wait3A_173, %dma_wait3A_174] : memref<2x16x2x128xi32, #tpu.memory_space<vmem>> -> memref<1x16x2x128xi32, #tpu.memory_space<vmem>>
      %dma_wait3A_176 = tpu.memref_squeeze %dma_wait3A_175 : memref<1x16x2x128xi32, #tpu.memory_space<vmem>> -> memref<16x2x128xi32, #tpu.memory_space<vmem>>
      %dma_wait3A_177 = arith.constant 0 : i32
      %dma_wait3A_178 = arith.constant 0 : i32
      %dma_wait3A_179 = tpu.memref_slice %dma_wait3A_176[%rem3A_166, %dma_wait3A_177, %dma_wait3A_178] : memref<16x2x128xi32, #tpu.memory_space<vmem>> -> memref<1x2x128xi32, #tpu.memory_space<vmem>>
      %dma_wait3A_180 = tpu.memref_squeeze %dma_wait3A_179 : memref<1x2x128xi32, #tpu.memory_space<vmem>> -> memref<2x128xi32, #tpu.memory_space<vmem>>
      %dma_wait3A_181 = arith.constant 0 : i32
      %dma_wait3A_182 = tpu.memref_slice %dma_wait3A_180[%dma_wait3A_167, %dma_wait3A_181] : memref<2x128xi32, #tpu.memory_space<vmem>> -> memref<1x128xi32, #tpu.memory_space<vmem>>
      %dma_wait3A_183 = tpu.memref_squeeze %dma_wait3A_182 : memref<1x128xi32, #tpu.memory_space<vmem>> -> memref<128xi32, #tpu.memory_space<vmem>>
      %dma_wait3A_184 = arith.constant 0 : i32
      %dma_wait3A_185 = arith.constant 0 : i32
      %dma_wait3A_186 = tpu.memref_slice %arg7[%dma_wait3A_184, %dma_wait3A_185] : memref<10112x128xf32, #tpu.memory_space<vmem_shared>> -> memref<10112x128xf32, #tpu.memory_space<vmem_shared>>
      %dma_wait3A_187 = tpu.memref_slice %arg9[%rem3A_160] : memref<2x!tpu.dma_semaphore, #tpu.memory_space<semaphore_mem>> -> memref<1x!tpu.dma_semaphore, #tpu.memory_space<semaphore_mem>>
      %dma_wait3A_188 = tpu.memref_squeeze %dma_wait3A_187 : memref<1x!tpu.dma_semaphore, #tpu.memory_space<semaphore_mem>> -> memref<!tpu.dma_semaphore, #tpu.memory_space<semaphore_mem>>
      tpu.wait_indirect_dma semaphore(%dma_wait3A_188 : memref<!tpu.dma_semaphore, #tpu.memory_space<semaphore_mem>>) src(%dma_wait3A_171 : memref<128x128xf32, #tpu.memory_space<vmem>>) dst(%dma_wait3A_186 : memref<10112x128xf32, #tpu.memory_space<vmem_shared>>)
      %barrier3A_189 = arith.constant 0 : index
      tpu.barrier barrier_id(%barrier3A_189)
      "tpu.region"() ({
        %run_scoped3A = tpu.sem_alloc : memref<!tpu.dma_semaphore, #tpu.memory_space<semaphore_mem>>
        %dma_start3A_196 = arith.constant 0 : i32
        %dma_start3A_197 = tpu.memref_slice %arg4[%add3A, %mul3A_0, %dma_start3A_196] : memref<12x10112x128xf32, #tpu.memory_space<hbm>> -> memref<1x632x128xf32, #tpu.memory_space<hbm>>
        %dma_start3A_198 = tpu.memref_squeeze %dma_start3A_197 : memref<1x632x128xf32, #tpu.memory_space<hbm>> -> memref<632x128xf32, #tpu.memory_space<hbm>>
        %dma_start3A_199 = arith.constant 0 : i32
        %dma_start3A_200 = tpu.memref_slice %arg7[%mul3A_0, %dma_start3A_199] : memref<10112x128xf32, #tpu.memory_space<vmem_shared>> -> memref<632x128xf32, #tpu.memory_space<vmem_shared>>
        tpu.enqueue_dma source(%dma_start3A_200 : memref<632x128xf32, #tpu.memory_space<vmem_shared>>) target(%dma_start3A_198 : memref<632x128xf32, #tpu.memory_space<hbm>>) target_semaphore(%run_scoped3A : memref<!tpu.dma_semaphore, #tpu.memory_space<semaphore_mem>>)
        %dma_wait3A_201 = arith.constant 0 : i32
        %dma_wait3A_202 = tpu.memref_slice %arg4[%add3A, %mul3A_0, %dma_wait3A_201] : memref<12x10112x128xf32, #tpu.memory_space<hbm>> -> memref<1x632x128xf32, #tpu.memory_space<hbm>>
        %dma_wait3A_203 = tpu.memref_squeeze %dma_wait3A_202 : memref<1x632x128xf32, #tpu.memory_space<hbm>> -> memref<632x128xf32, #tpu.memory_space<hbm>>
        %dma_wait3A_204 = arith.constant 0 : i32
        %dma_wait3A_205 = tpu.memref_slice %arg7[%mul3A_0, %dma_wait3A_204] : memref<10112x128xf32, #tpu.memory_space<vmem_shared>> -> memref<632x128xf32, #tpu.memory_space<vmem_shared>>
        tpu.wait_dma2 semaphore(%run_scoped3A : memref<!tpu.dma_semaphore, #tpu.memory_space<semaphore_mem>>) src(%dma_wait3A_205 : memref<632x128xf32, #tpu.memory_space<vmem_shared>>) dst(%dma_wait3A_203 : memref<632x128xf32, #tpu.memory_space<hbm>>)
        tpu.yield
      }) : () -> ()
      %add3A_190 = arith.constant 1 : i32
      %add3A_191 = arith.addi %scan3A_9, %add3A_190 : i32
      %lt3A = arith.constant 6 : i32
      %lt3A_192 = arith.cmpi slt, %add3A_191, %lt3A : i32
      %convert_element_type3A = arith.extui %lt3A_192 : i1 to i32
      %cond3A = arith.constant 0 : i32
      %cond3A_193 = arith.cmpi ne, %convert_element_type3A, %cond3A : i32
      scf.if %cond3A_193 {
        %add3A_196 = arith.constant 1 : i32
        %add3A_197 = arith.addi %add3A, %add3A_196 : i32
        "tpu.region"() ({
          %run_scoped3A = tpu.sem_alloc : memref<!tpu.dma_semaphore, #tpu.memory_space<semaphore_mem>>
          %dma_start3A_198 = arith.constant 0 : i32
          %dma_start3A_199 = tpu.memref_slice %arg7[%mul3A_0, %dma_start3A_198] : memref<10112x128xf32, #tpu.memory_space<vmem_shared>> -> memref<632x128xf32, #tpu.memory_space<vmem_shared>>
          %dma_start3A_200 = arith.constant 0 : i32
          %dma_start3A_201 = tpu.memref_slice %arg2[%add3A_197, %mul3A_0, %dma_start3A_200] : memref<12x20000x128xf32, #tpu.memory_space<hbm>> -> memref<1x632x128xf32, #tpu.memory_space<hbm>>
          %dma_start3A_202 = tpu.memref_squeeze %dma_start3A_201 : memref<1x632x128xf32, #tpu.memory_space<hbm>> -> memref<632x128xf32, #tpu.memory_space<hbm>>
          tpu.enqueue_dma source(%dma_start3A_202 : memref<632x128xf32, #tpu.memory_space<hbm>>) target(%dma_start3A_199 : memref<632x128xf32, #tpu.memory_space<vmem_shared>>) target_semaphore(%run_scoped3A : memref<!tpu.dma_semaphore, #tpu.memory_space<semaphore_mem>>)
          %dma_wait3A_203 = arith.constant 0 : i32
          %dma_wait3A_204 = tpu.memref_slice %arg7[%mul3A_0, %dma_wait3A_203] : memref<10112x128xf32, #tpu.memory_space<vmem_shared>> -> memref<632x128xf32, #tpu.memory_space<vmem_shared>>
          %dma_wait3A_205 = arith.constant 0 : i32
          %dma_wait3A_206 = tpu.memref_slice %arg2[%add3A_197, %mul3A_0, %dma_wait3A_205] : memref<12x20000x128xf32, #tpu.memory_space<hbm>> -> memref<1x632x128xf32, #tpu.memory_space<hbm>>
          %dma_wait3A_207 = tpu.memref_squeeze %dma_wait3A_206 : memref<1x632x128xf32, #tpu.memory_space<hbm>> -> memref<632x128xf32, #tpu.memory_space<hbm>>
          tpu.wait_dma2 semaphore(%run_scoped3A : memref<!tpu.dma_semaphore, #tpu.memory_space<semaphore_mem>>) src(%dma_wait3A_207 : memref<632x128xf32, #tpu.memory_space<hbm>>) dst(%dma_wait3A_204 : memref<632x128xf32, #tpu.memory_space<vmem_shared>>)
          tpu.yield
        }) : () -> ()
      } else {
      }
      %barrier3A_194 = arith.constant 0 : index
      tpu.barrier barrier_id(%barrier3A_194)
      %scan3A_195 = arith.constant 0 : i32
      scf.yield %scan3A_195 : i32
    }
    %scan3A_8 = arith.constant 6 : i32
    return
  }
}

#map = affine_map<(d0, d1) -> (0, 0)>
module attributes {stable_mosaic.version = 14 : i64} {
  func.func @deg_kernel(%arg0: i32, %arg1: i32, %arg2: memref<32x10000xi32, #tpu.memory_space<hbm>>, %arg3: memref<32x10000xf32, #tpu.memory_space<hbm>>, %arg4: memref<10000xi32, #tpu.memory_space<vmem>>, %arg5: memref<10000xf32, #tpu.memory_space<vmem>>) attributes {dimension_semantics = [#tpu.dimension_semantics<core_parallel>, #tpu.dimension_semantics<subcore_parallel>], iteration_bounds = array<i64: 2, 16>, scalar_prefetch = 0 : i64, scratch_operands = 2 : i64, tpu.core_type = #tpu.core_type<sc_vector_subcore>, window_params = [{transform_indices = #map}, {transform_indices = #map}]} {
    %mul3A = arith.constant 16 : i32
    %mul3A_0 = arith.muli %arg0, %mul3A : i32
    %add3A = arith.addi %mul3A_0, %arg1 : i32
    "tpu.region"() ({
      %run_scoped3A = tpu.sem_alloc : memref<!tpu.dma_semaphore, #tpu.memory_space<semaphore_mem>>
      %dma_start3A = arith.constant 0 : i32
      %dma_start3A_15 = tpu.memref_slice %arg2[%add3A, %dma_start3A] : memref<32x10000xi32, #tpu.memory_space<hbm>> -> memref<1x10000xi32, #tpu.memory_space<hbm>>
      %dma_start3A_16 = tpu.memref_squeeze %dma_start3A_15 : memref<1x10000xi32, #tpu.memory_space<hbm>> -> memref<10000xi32, #tpu.memory_space<hbm>>
      %dma_start3A_17 = arith.constant 0 : i32
      %dma_start3A_18 = tpu.memref_slice %arg2[%add3A, %dma_start3A_17] : memref<32x10000xi32, #tpu.memory_space<hbm>> -> memref<1x10000xi32, #tpu.memory_space<hbm>>
      %dma_start3A_19 = tpu.memref_squeeze %dma_start3A_18 : memref<1x10000xi32, #tpu.memory_space<hbm>> -> memref<10000xi32, #tpu.memory_space<hbm>>
      tpu.enqueue_dma source(%dma_start3A_19 : memref<10000xi32, #tpu.memory_space<hbm>>) target(%arg4 : memref<10000xi32, #tpu.memory_space<vmem>>) target_semaphore(%run_scoped3A : memref<!tpu.dma_semaphore, #tpu.memory_space<semaphore_mem>>)
      %dma_wait3A = arith.constant 0 : i32
      %dma_wait3A_20 = tpu.memref_slice %arg2[%add3A, %dma_wait3A] : memref<32x10000xi32, #tpu.memory_space<hbm>> -> memref<1x10000xi32, #tpu.memory_space<hbm>>
      %dma_wait3A_21 = tpu.memref_squeeze %dma_wait3A_20 : memref<1x10000xi32, #tpu.memory_space<hbm>> -> memref<10000xi32, #tpu.memory_space<hbm>>
      %dma_wait3A_22 = arith.constant 0 : i32
      %dma_wait3A_23 = tpu.memref_slice %arg2[%add3A, %dma_wait3A_22] : memref<32x10000xi32, #tpu.memory_space<hbm>> -> memref<1x10000xi32, #tpu.memory_space<hbm>>
      %dma_wait3A_24 = tpu.memref_squeeze %dma_wait3A_23 : memref<1x10000xi32, #tpu.memory_space<hbm>> -> memref<10000xi32, #tpu.memory_space<hbm>>
      tpu.wait_dma2 semaphore(%run_scoped3A : memref<!tpu.dma_semaphore, #tpu.memory_space<semaphore_mem>>) src(%dma_wait3A_24 : memref<10000xi32, #tpu.memory_space<hbm>>) dst(%arg4 : memref<10000xi32, #tpu.memory_space<vmem>>)
      tpu.yield
    }) : () -> ()
    %scan3A = arith.constant 0 : i32
    %scan3A_1 = arith.constant 0 : i32
    %scan3A_2 = arith.constant 625 : i32
    %scan3A_3 = arith.addi %scan3A_1, %scan3A_2 : i32
    %scan3A_4 = arith.constant 1 : i32
    %scan3A_5 = scf.for %scan3A_15 = %scan3A_1 to %scan3A_3 step %scan3A_4 iter_args(%scan3A_16 = %scan3A) -> (i32)  : i32 {
      %broadcast_in_dim3A_17 = arith.constant 0.000000e+00 : f32
      %broadcast_in_dim3A_18 = vector.broadcast %broadcast_in_dim3A_17 : f32 to vector<16xf32>
      %mul3A_19 = arith.constant 16 : i32
      %mul3A_20 = arith.muli %scan3A_15, %mul3A_19 : i32
      %swap3A = arith.index_cast %mul3A_20 : i32 to index
      %swap3A_21 = tpu.vector_load %arg5[%swap3A] {strides = array<i32>} : memref<10000xf32, #tpu.memory_space<vmem>>, vector<16xf32>,
      tpu.vector_store %arg5[%swap3A], %broadcast_in_dim3A_18 {strides = array<i32>} : memref<10000xf32, #tpu.memory_space<vmem>>, vector<16xf32>,
      %scan3A_22 = arith.constant 0 : i32
      scf.yield %scan3A_22 : i32
    }
    %scan3A_6 = arith.constant 625 : i32
    %broadcast_in_dim3A = arith.constant 1.000000e+00 : f32
    %broadcast_in_dim3A_7 = vector.broadcast %broadcast_in_dim3A : f32 to vector<16xf32>
    %scan3A_8 = arith.constant 0 : i32
    %scan3A_9 = arith.constant 0 : i32
    %scan3A_10 = arith.constant 625 : i32
    %scan3A_11 = arith.addi %scan3A_9, %scan3A_10 : i32
    %scan3A_12 = arith.constant 1 : i32
    %scan3A_13 = scf.for %scan3A_15 = %scan3A_9 to %scan3A_11 step %scan3A_12 iter_args(%scan3A_16 = %scan3A_8) -> (i32)  : i32 {
      %mul3A_17 = arith.constant 16 : i32
      %mul3A_18 = arith.muli %scan3A_15, %mul3A_17 : i32
      %get3A = arith.index_cast %mul3A_18 : i32 to index
      %get3A_19 = tpu.vector_load %arg4[%get3A] {strides = array<i32>} : memref<10000xi32, #tpu.memory_space<vmem>>, vector<16xi32>,
      tpu.vector_store_idx %arg5[%get3A_19], %broadcast_in_dim3A_7 {add = true} : memref<10000xf32, #tpu.memory_space<vmem>>[vector<16xi32>], vector<16xf32>,
      %scan3A_20 = arith.constant 0 : i32
      scf.yield %scan3A_20 : i32
    }
    %scan3A_14 = arith.constant 625 : i32
    "tpu.region"() ({
      %run_scoped3A = tpu.sem_alloc : memref<!tpu.dma_semaphore, #tpu.memory_space<semaphore_mem>>
      %dma_start3A = arith.constant 0 : i32
      %dma_start3A_15 = tpu.memref_slice %arg3[%add3A, %dma_start3A] : memref<32x10000xf32, #tpu.memory_space<hbm>> -> memref<1x10000xf32, #tpu.memory_space<hbm>>
      %dma_start3A_16 = tpu.memref_squeeze %dma_start3A_15 : memref<1x10000xf32, #tpu.memory_space<hbm>> -> memref<10000xf32, #tpu.memory_space<hbm>>
      %dma_start3A_17 = arith.constant 0 : i32
      %dma_start3A_18 = tpu.memref_slice %arg3[%add3A, %dma_start3A_17] : memref<32x10000xf32, #tpu.memory_space<hbm>> -> memref<1x10000xf32, #tpu.memory_space<hbm>>
      %dma_start3A_19 = tpu.memref_squeeze %dma_start3A_18 : memref<1x10000xf32, #tpu.memory_space<hbm>> -> memref<10000xf32, #tpu.memory_space<hbm>>
      tpu.enqueue_dma source(%arg5 : memref<10000xf32, #tpu.memory_space<vmem>>) target(%dma_start3A_19 : memref<10000xf32, #tpu.memory_space<hbm>>) target_semaphore(%run_scoped3A : memref<!tpu.dma_semaphore, #tpu.memory_space<semaphore_mem>>)
      %dma_wait3A = arith.constant 0 : i32
      %dma_wait3A_20 = tpu.memref_slice %arg3[%add3A, %dma_wait3A] : memref<32x10000xf32, #tpu.memory_space<hbm>> -> memref<1x10000xf32, #tpu.memory_space<hbm>>
      %dma_wait3A_21 = tpu.memref_squeeze %dma_wait3A_20 : memref<1x10000xf32, #tpu.memory_space<hbm>> -> memref<10000xf32, #tpu.memory_space<hbm>>
      %dma_wait3A_22 = arith.constant 0 : i32
      %dma_wait3A_23 = tpu.memref_slice %arg3[%add3A, %dma_wait3A_22] : memref<32x10000xf32, #tpu.memory_space<hbm>> -> memref<1x10000xf32, #tpu.memory_space<hbm>>
      %dma_wait3A_24 = tpu.memref_squeeze %dma_wait3A_23 : memref<1x10000xf32, #tpu.memory_space<hbm>> -> memref<10000xf32, #tpu.memory_space<hbm>>
      tpu.wait_dma2 semaphore(%run_scoped3A : memref<!tpu.dma_semaphore, #tpu.memory_space<semaphore_mem>>) src(%arg5 : memref<10000xf32, #tpu.memory_space<vmem>>) dst(%dma_wait3A_24 : memref<10000xf32, #tpu.memory_space<hbm>>)
      tpu.yield
    }) : () -> ()
    return
  }
}

module attributes {stable_mosaic.version = 14 : i64} {
  func.func @_scale_body(%arg0: i32, %arg1: i32, %arg2: i32, %arg3: memref<1x1x1000x128xf32, #tpu.memory_space<vmem>>, %arg4: memref<1000x32xf32, #tpu.memory_space<vmem>>, %arg5: memref<128x128xf32, #tpu.memory_space<vmem>>, %arg6: memref<1x1000x128xf32, #tpu.memory_space<vmem>>, %arg7: memref<1000x1xf32, #tpu.memory_space<vmem>>) attributes {dimension_semantics = [#tpu.dimension_semantics<arbitrary>, #tpu.dimension_semantics<arbitrary>, #tpu.dimension_semantics<arbitrary>], iteration_bounds = array<i64: 2, 12, 10>, scalar_prefetch = 0 : i64, scratch_operands = 0 : i64, tpu.core_type = #tpu.core_type<tc>, window_params = [{transform_indices = @transform_0, window_bounds = array<i64: 1, 1, 1000, 128>}, {transform_indices = @transform_1, window_bounds = array<i64: 1000, 32>}, {pipeline_mode = #tpu.pipeline_mode<synchronous>, transform_indices = @transform_2, window_bounds = array<i64: 128, 128>}, {transform_indices = @transform_3, window_bounds = array<i64: 1, 1000, 128>}, {transform_indices = @transform_4, window_bounds = array<i64: 1000, 1>}]} {
    %get3A = arith.constant 0 : index
    %get3A_0 = arith.constant 0 : index
    %get3A_1 = vector.load %arg4[%get3A, %get3A_0] : memref<1000x32xf32, #tpu.memory_space<vmem>>, vector<1000x32xf32>
    %reduce_sum3A = arith.constant dense<0.000000e+00> : vector<1000xf32>
    %reduce_sum3A_2 = vector.multi_reduction <add>, %get3A_1, %reduce_sum3A [1] : vector<1000x32xf32> to vector<1000xf32>
    %broadcast_in_dim3A = vector.shape_cast %reduce_sum3A_2 : vector<1000xf32> to vector<1000x1xf32>
    %add3A = arith.constant 1.000000e+00 : f32
    %add3A_3 = vector.broadcast %add3A : f32 to vector<1000x1xf32>
    %add3A_4 = arith.addf %add3A_3, %broadcast_in_dim3A : vector<1000x1xf32>
    %eq3A = arith.constant 0 : i32
    %eq3A_5 = arith.cmpi eq, %arg0, %eq3A : i32
    %rsqrt3A = math.rsqrt %add3A_4 : vector<1000x1xf32>
    %jit3A = arith.constant 1.000000e+00 : f32
    %broadcast_in_dim3A_6 = vector.broadcast %jit3A : f32 to vector<1000x1xf32>
    %select_n3A = arith.select %eq3A_5, %rsqrt3A, %broadcast_in_dim3A_6 : vector<1000x1xf32>
    %get3A_7 = arith.constant 0 : index
    %get3A_8 = arith.constant 0 : index
    %get3A_9 = arith.constant 0 : index
    %get3A_10 = arith.constant 0 : index
    %get3A_11 = vector.load %arg3[%get3A_7, %get3A_8, %get3A_9, %get3A_10] : memref<1x1x1000x128xf32, #tpu.memory_space<vmem>>, vector<1x1x1000x128xf32>
    %get3A_12 = vector.shape_cast %get3A_11 : vector<1x1x1000x128xf32> to vector<1000x128xf32>
    %get3A_13 = arith.constant 0 : index
    %get3A_14 = arith.constant 0 : index
    %get3A_15 = vector.load %arg5[%get3A_13, %get3A_14] : memref<128x128xf32, #tpu.memory_space<vmem>>, vector<128x128xf32>
    %dot_general3A = arith.constant dense<0.000000e+00> : vector<1000x128xf32>
    %dot_general3A_16 = tpu.matmul %get3A_12, %get3A_15, %dot_general3A {dimension_numbers = #tpu.dot_dimension_numbers<[1], [0], [0], [1], [0, 0, 1, 1], [], []>, transpose_lhs_hint = false} : vector<1000x128xf32>, vector<128x128xf32>, vector<1000x128xf32> -> vector<1000x128xf32>
    %mul3A = vector.broadcast %select_n3A : vector<1000x1xf32> to vector<1000x128xf32>
    %mul3A_17 = arith.mulf %dot_general3A_16, %mul3A : vector<1000x128xf32>
    %swap3A = arith.constant 0 : index
    %swap3A_18 = arith.constant 0 : index
    %swap3A_19 = arith.constant 0 : index
    %swap3A_20 = vector.load %arg6[%swap3A, %swap3A_18, %swap3A_19] : memref<1x1000x128xf32, #tpu.memory_space<vmem>>, vector<1x1000x128xf32>
    %swap3A_21 = vector.shape_cast %swap3A_20 : vector<1x1000x128xf32> to vector<1000x128xf32>
    %swap3A_22 = vector.shape_cast %mul3A_17 : vector<1000x128xf32> to vector<1x1000x128xf32>
    tpu.vector_store %arg6[%swap3A, %swap3A_18, %swap3A_19], %swap3A_22 {strides = array<i32>} : memref<1x1000x128xf32, #tpu.memory_space<vmem>>, vector<1x1000x128xf32>,
    %swap3A_23 = arith.constant 0 : index
    %swap3A_24 = arith.constant 0 : index
    %swap3A_25 = vector.load %arg7[%swap3A_23, %swap3A_24] : memref<1000x1xf32, #tpu.memory_space<vmem>>, vector<1000x1xf32>
    tpu.vector_store %arg7[%swap3A_23, %swap3A_24], %select_n3A {strides = array<i32>} : memref<1000x1xf32, #tpu.memory_space<vmem>>, vector<1000x1xf32>,
    return
  }
  func.func @transform_0(%arg0: i32, %arg1: i32, %arg2: i32) -> (i32, i32, i32, i32) {
    %c0_i32 = arith.constant 0 : i32
    %c0_i32_0 = arith.constant 0 : i32
    return %arg0, %arg1, %arg2, %c0_i32 : i32, i32, i32, i32
  }
  func.func @transform_1(%arg0: i32, %arg1: i32, %arg2: i32) -> (i32, i32) {
    %c0_i32 = arith.constant 0 : i32
    %c0_i32_0 = arith.constant 0 : i32
    return %arg2, %c0_i32 : i32, i32
  }
  func.func @transform_2(%arg0: i32, %arg1: i32, %arg2: i32) -> (i32, i32) {
    %c0_i32 = arith.constant 0 : i32
    %c0_i32_0 = arith.constant 0 : i32
    %c0_i32_1 = arith.constant 0 : i32
    return %c0_i32, %c0_i32_0 : i32, i32
  }
  func.func @transform_3(%arg0: i32, %arg1: i32, %arg2: i32) -> (i32, i32, i32) {
    %mul3A = arith.constant 10 : i32
    %mul3A_0 = arith.muli %arg0, %mul3A : i32
    %add3A = arith.addi %mul3A_0, %arg2 : i32
    %c0_i32 = arith.constant 0 : i32
    %c0_i32_1 = arith.constant 0 : i32
    return %arg1, %add3A, %c0_i32 : i32, i32, i32
  }
  func.func @transform_4(%arg0: i32, %arg1: i32, %arg2: i32) -> (i32, i32) {
    %mul3A = arith.constant 10 : i32
    %mul3A_0 = arith.muli %arg0, %mul3A : i32
    %add3A = arith.addi %mul3A_0, %arg2 : i32
    %c0_i32 = arith.constant 0 : i32
    %c0_i32_1 = arith.constant 0 : i32
    return %add3A, %c0_i32 : i32, i32
  }
}

module attributes {stable_mosaic.version = 14 : i64} {
  func.func @_head_body(%arg0: i32, %arg1: memref<12x1000x128xf32, #tpu.memory_space<vmem>>, %arg2: memref<1000x1xf32, #tpu.memory_space<vmem>>, %arg3: memref<1x128xf32, #tpu.memory_space<vmem>>, %arg4: memref<384x128xbf16, #tpu.memory_space<vmem>>, %arg5: memref<384x128xbf16, #tpu.memory_space<vmem>>, %arg6: memref<1x384xf32, #tpu.memory_space<vmem>>, %arg7: memref<1x384xf32, #tpu.memory_space<vmem>>, %arg8: memref<128x8xf32, #tpu.memory_space<vmem>>, %arg9: memref<1x8xf32, #tpu.memory_space<vmem>>, %arg10: memref<1000x8xf32, #tpu.memory_space<vmem>>) attributes {dimension_semantics = [#tpu.dimension_semantics<arbitrary>], iteration_bounds = array<i64: 10>, scalar_prefetch = 0 : i64, scratch_operands = 0 : i64, tpu.core_type = #tpu.core_type<tc>, window_params = [{transform_indices = @transform_0, window_bounds = array<i64: 12, 1000, 128>}, {transform_indices = @transform_1, window_bounds = array<i64: 1000, 1>}, {pipeline_mode = #tpu.pipeline_mode<synchronous>, transform_indices = @transform_2, window_bounds = array<i64: 1, 128>}, {pipeline_mode = #tpu.pipeline_mode<synchronous>, transform_indices = @transform_3, window_bounds = array<i64: 384, 128>}, {pipeline_mode = #tpu.pipeline_mode<synchronous>, transform_indices = @transform_4, window_bounds = array<i64: 384, 128>}, {pipeline_mode = #tpu.pipeline_mode<synchronous>, transform_indices = @transform_5, window_bounds = array<i64: 1, 384>}, {pipeline_mode = #tpu.pipeline_mode<synchronous>, transform_indices = @transform_6, window_bounds = array<i64: 1, 384>}, {pipeline_mode = #tpu.pipeline_mode<synchronous>, transform_indices = @transform_7, window_bounds = array<i64: 128, 8>}, {pipeline_mode = #tpu.pipeline_mode<synchronous>, transform_indices = @transform_8, window_bounds = array<i64: 1, 8>}, {transform_indices = @transform_9, window_bounds = array<i64: 1000, 8>}]} {
    %get3A = arith.constant 0 : index
    %get3A_0 = arith.constant 0 : index
    %get3A_1 = vector.load %arg2[%get3A, %get3A_0] : memref<1000x1xf32, #tpu.memory_space<vmem>>, vector<1000x1xf32>
    %get3A_2 = arith.constant 0 : index
    %get3A_3 = arith.constant 0 : index
    %get3A_4 = vector.load %arg3[%get3A_2, %get3A_3] : memref<1x128xf32, #tpu.memory_space<vmem>>, vector<1x128xf32>
    %get3A_5 = arith.constant 0 : index
    %get3A_6 = arith.constant 0 : index
    %get3A_7 = vector.load %arg4[%get3A_5, %get3A_6] : memref<384x128xbf16, #tpu.memory_space<vmem>>, vector<384x128xbf16>
    %get3A_8 = arith.constant 0 : index
    %get3A_9 = arith.constant 0 : index
    %get3A_10 = vector.load %arg5[%get3A_8, %get3A_9] : memref<384x128xbf16, #tpu.memory_space<vmem>>, vector<384x128xbf16>
    %get3A_11 = arith.constant 0 : index
    %get3A_12 = arith.constant 0 : index
    %get3A_13 = vector.load %arg6[%get3A_11, %get3A_12] : memref<1x384xf32, #tpu.memory_space<vmem>>, vector<1x384xf32>
    %get3A_14 = arith.constant 0 : index
    %get3A_15 = arith.constant 0 : index
    %get3A_16 = vector.load %arg7[%get3A_14, %get3A_15] : memref<1x384xf32, #tpu.memory_space<vmem>>, vector<1x384xf32>
    %broadcast_in_dim3A = arith.constant 0.000000e+00 : f32
    %broadcast_in_dim3A_17 = vector.broadcast %broadcast_in_dim3A : f32 to vector<1000x128xf32>
    %get3A_18 = arith.constant 0 : index
    %get3A_19 = arith.constant 0 : index
    %get3A_20 = arith.constant 0 : index
    %get3A_21 = vector.load %arg1[%get3A_18, %get3A_19, %get3A_20] : memref<12x1000x128xf32, #tpu.memory_space<vmem>>, vector<1x1000x128xf32>
    %get3A_22 = vector.shape_cast %get3A_21 : vector<1x1000x128xf32> to vector<1000x128xf32>
    %mul3A = vector.broadcast %get3A_1 : vector<1000x1xf32> to vector<1000x128xf32>
    %mul3A_23 = arith.mulf %get3A_22, %mul3A : vector<1000x128xf32>
    %add3A = vector.broadcast %get3A_4 : vector<1x128xf32> to vector<1000x128xf32>
    %add3A_24 = arith.addf %mul3A_23, %add3A : vector<1000x128xf32>
    %convert_element_type3A = arith.truncf %add3A_24 : vector<1000x128xf32> to vector<1000x128xbf16>
    %dot_general3A = arith.constant dense<0.000000e+00> : vector<1000x384xf32>
    %dot_general3A_25 = tpu.matmul %convert_element_type3A, %get3A_7, %dot_general3A {dimension_numbers = #tpu.dot_dimension_numbers<[1], [1], [0], [0], [0, 0, 1, 0], [], []>, transpose_lhs_hint = false} : vector<1000x128xbf16>, vector<384x128xbf16>, vector<1000x384xf32> -> vector<1000x384xf32>
    %add3A_26 = vector.broadcast %get3A_13 : vector<1x384xf32> to vector<1000x384xf32>
    %add3A_27 = arith.addf %dot_general3A_25, %add3A_26 : vector<1000x384xf32>
    %convert_element_type3A_28 = arith.truncf %broadcast_in_dim3A_17 : vector<1000x128xf32> to vector<1000x128xbf16>
    %dot_general3A_29 = arith.constant dense<0.000000e+00> : vector<1000x384xf32>
    %dot_general3A_30 = tpu.matmul %convert_element_type3A_28, %get3A_10, %dot_general3A_29 {dimension_numbers = #tpu.dot_dimension_numbers<[1], [1], [0], [0], [0, 0, 1, 0], [], []>, transpose_lhs_hint = false} : vector<1000x128xbf16>, vector<384x128xbf16>, vector<1000x384xf32> -> vector<1000x384xf32>
    %add3A_31 = vector.broadcast %get3A_16 : vector<1x384xf32> to vector<1000x384xf32>
    %add3A_32 = arith.addf %dot_general3A_30, %add3A_31 : vector<1000x384xf32>
    %slice3A = vector.extract_strided_slice %add3A_27 {offsets = [0, 0], sizes = [1000, 128], strides = [1, 1]} : vector<1000x384xf32> to vector<1000x128xf32>
    %slice3A_33 = vector.extract_strided_slice %add3A_32 {offsets = [0, 0], sizes = [1000, 128], strides = [1, 1]} : vector<1000x384xf32> to vector<1000x128xf32>
    %add3A_34 = arith.addf %slice3A, %slice3A_33 : vector<1000x128xf32>
    %logistic3A = arith.negf %add3A_34 : vector<1000x128xf32>
    %logistic3A_35 = math.exp %logistic3A : vector<1000x128xf32>
    %logistic3A_36 = arith.constant 1.000000e+00 : f32
    %logistic3A_37 = vector.broadcast %logistic3A_36 : f32 to vector<1000x128xf32>
    %logistic3A_38 = arith.addf %logistic3A_37, %logistic3A_35 : vector<1000x128xf32>
    %logistic3A_39 = arith.divf %logistic3A_37, %logistic3A_38 : vector<1000x128xf32>
    %slice3A_40 = vector.extract_strided_slice %add3A_27 {offsets = [0, 128], sizes = [1000, 128], strides = [1, 1]} : vector<1000x384xf32> to vector<1000x128xf32>
    %slice3A_41 = vector.extract_strided_slice %add3A_32 {offsets = [0, 128], sizes = [1000, 128], strides = [1, 1]} : vector<1000x384xf32> to vector<1000x128xf32>
    %add3A_42 = arith.addf %slice3A_40, %slice3A_41 : vector<1000x128xf32>
    %logistic3A_43 = arith.negf %add3A_42 : vector<1000x128xf32>
    %logistic3A_44 = math.exp %logistic3A_43 : vector<1000x128xf32>
    %logistic3A_45 = arith.constant 1.000000e+00 : f32
    %logistic3A_46 = vector.broadcast %logistic3A_45 : f32 to vector<1000x128xf32>
    %logistic3A_47 = arith.addf %logistic3A_46, %logistic3A_44 : vector<1000x128xf32>
    %logistic3A_48 = arith.divf %logistic3A_46, %logistic3A_47 : vector<1000x128xf32>
    %slice3A_49 = vector.extract_strided_slice %add3A_27 {offsets = [0, 256], sizes = [1000, 128], strides = [1, 1]} : vector<1000x384xf32> to vector<1000x128xf32>
    %slice3A_50 = vector.extract_strided_slice %add3A_32 {offsets = [0, 256], sizes = [1000, 128], strides = [1, 1]} : vector<1000x384xf32> to vector<1000x128xf32>
    %mul3A_51 = arith.mulf %logistic3A_39, %slice3A_50 : vector<1000x128xf32>
    %add3A_52 = arith.addf %slice3A_49, %mul3A_51 : vector<1000x128xf32>
    %tanh3A = math.tanh %add3A_52 : vector<1000x128xf32>
    %sub3A = arith.constant 1.000000e+00 : f32
    %sub3A_53 = vector.broadcast %sub3A : f32 to vector<1000x128xf32>
    %sub3A_54 = arith.subf %sub3A_53, %logistic3A_48 : vector<1000x128xf32>
    %mul3A_55 = arith.mulf %sub3A_54, %tanh3A : vector<1000x128xf32>
    %mul3A_56 = arith.mulf %logistic3A_48, %broadcast_in_dim3A_17 : vector<1000x128xf32>
    %add3A_57 = arith.addf %mul3A_55, %mul3A_56 : vector<1000x128xf32>
    %get3A_58 = arith.constant 1 : index
    %get3A_59 = arith.constant 0 : index
    %get3A_60 = arith.constant 0 : index
    %get3A_61 = vector.load %arg1[%get3A_58, %get3A_59, %get3A_60] : memref<12x1000x128xf32, #tpu.memory_space<vmem>>, vector<1x1000x128xf32>
    %get3A_62 = vector.shape_cast %get3A_61 : vector<1x1000x128xf32> to vector<1000x128xf32>
    %mul3A_63 = vector.broadcast %get3A_1 : vector<1000x1xf32> to vector<1000x128xf32>
    %mul3A_64 = arith.mulf %get3A_62, %mul3A_63 : vector<1000x128xf32>
    %add3A_65 = vector.broadcast %get3A_4 : vector<1x128xf32> to vector<1000x128xf32>
    %add3A_66 = arith.addf %mul3A_64, %add3A_65 : vector<1000x128xf32>
    %convert_element_type3A_67 = arith.truncf %add3A_66 : vector<1000x128xf32> to vector<1000x128xbf16>
    %dot_general3A_68 = arith.constant dense<0.000000e+00> : vector<1000x384xf32>
    %dot_general3A_69 = tpu.matmul %convert_element_type3A_67, %get3A_7, %dot_general3A_68 {dimension_numbers = #tpu.dot_dimension_numbers<[1], [1], [0], [0], [0, 0, 1, 0], [], []>, transpose_lhs_hint = false} : vector<1000x128xbf16>, vector<384x128xbf16>, vector<1000x384xf32> -> vector<1000x384xf32>
    %add3A_70 = vector.broadcast %get3A_13 : vector<1x384xf32> to vector<1000x384xf32>
    %add3A_71 = arith.addf %dot_general3A_69, %add3A_70 : vector<1000x384xf32>
    %convert_element_type3A_72 = arith.truncf %add3A_57 : vector<1000x128xf32> to vector<1000x128xbf16>
    %dot_general3A_73 = arith.constant dense<0.000000e+00> : vector<1000x384xf32>
    %dot_general3A_74 = tpu.matmul %convert_element_type3A_72, %get3A_10, %dot_general3A_73 {dimension_numbers = #tpu.dot_dimension_numbers<[1], [1], [0], [0], [0, 0, 1, 0], [], []>, transpose_lhs_hint = false} : vector<1000x128xbf16>, vector<384x128xbf16>, vector<1000x384xf32> -> vector<1000x384xf32>
    %add3A_75 = vector.broadcast %get3A_16 : vector<1x384xf32> to vector<1000x384xf32>
    %add3A_76 = arith.addf %dot_general3A_74, %add3A_75 : vector<1000x384xf32>
    %slice3A_77 = vector.extract_strided_slice %add3A_71 {offsets = [0, 0], sizes = [1000, 128], strides = [1, 1]} : vector<1000x384xf32> to vector<1000x128xf32>
    %slice3A_78 = vector.extract_strided_slice %add3A_76 {offsets = [0, 0], sizes = [1000, 128], strides = [1, 1]} : vector<1000x384xf32> to vector<1000x128xf32>
    %add3A_79 = arith.addf %slice3A_77, %slice3A_78 : vector<1000x128xf32>
    %logistic3A_80 = arith.negf %add3A_79 : vector<1000x128xf32>
    %logistic3A_81 = math.exp %logistic3A_80 : vector<1000x128xf32>
    %logistic3A_82 = arith.constant 1.000000e+00 : f32
    %logistic3A_83 = vector.broadcast %logistic3A_82 : f32 to vector<1000x128xf32>
    %logistic3A_84 = arith.addf %logistic3A_83, %logistic3A_81 : vector<1000x128xf32>
    %logistic3A_85 = arith.divf %logistic3A_83, %logistic3A_84 : vector<1000x128xf32>
    %slice3A_86 = vector.extract_strided_slice %add3A_71 {offsets = [0, 128], sizes = [1000, 128], strides = [1, 1]} : vector<1000x384xf32> to vector<1000x128xf32>
    %slice3A_87 = vector.extract_strided_slice %add3A_76 {offsets = [0, 128], sizes = [1000, 128], strides = [1, 1]} : vector<1000x384xf32> to vector<1000x128xf32>
    %add3A_88 = arith.addf %slice3A_86, %slice3A_87 : vector<1000x128xf32>
    %logistic3A_89 = arith.negf %add3A_88 : vector<1000x128xf32>
    %logistic3A_90 = math.exp %logistic3A_89 : vector<1000x128xf32>
    %logistic3A_91 = arith.constant 1.000000e+00 : f32
    %logistic3A_92 = vector.broadcast %logistic3A_91 : f32 to vector<1000x128xf32>
    %logistic3A_93 = arith.addf %logistic3A_92, %logistic3A_90 : vector<1000x128xf32>
    %logistic3A_94 = arith.divf %logistic3A_92, %logistic3A_93 : vector<1000x128xf32>
    %slice3A_95 = vector.extract_strided_slice %add3A_71 {offsets = [0, 256], sizes = [1000, 128], strides = [1, 1]} : vector<1000x384xf32> to vector<1000x128xf32>
    %slice3A_96 = vector.extract_strided_slice %add3A_76 {offsets = [0, 256], sizes = [1000, 128], strides = [1, 1]} : vector<1000x384xf32> to vector<1000x128xf32>
    %mul3A_97 = arith.mulf %logistic3A_85, %slice3A_96 : vector<1000x128xf32>
    %add3A_98 = arith.addf %slice3A_95, %mul3A_97 : vector<1000x128xf32>
    %tanh3A_99 = math.tanh %add3A_98 : vector<1000x128xf32>
    %sub3A_100 = arith.constant 1.000000e+00 : f32
    %sub3A_101 = vector.broadcast %sub3A_100 : f32 to vector<1000x128xf32>
    %sub3A_102 = arith.subf %sub3A_101, %logistic3A_94 : vector<1000x128xf32>
    %mul3A_103 = arith.mulf %sub3A_102, %tanh3A_99 : vector<1000x128xf32>
    %mul3A_104 = arith.mulf %logistic3A_94, %add3A_57 : vector<1000x128xf32>
    %add3A_105 = arith.addf %mul3A_103, %mul3A_104 : vector<1000x128xf32>
    %get3A_106 = arith.constant 2 : index
    %get3A_107 = arith.constant 0 : index
    %get3A_108 = arith.constant 0 : index
    %get3A_109 = vector.load %arg1[%get3A_106, %get3A_107, %get3A_108] : memref<12x1000x128xf32, #tpu.memory_space<vmem>>, vector<1x1000x128xf32>
    %get3A_110 = vector.shape_cast %get3A_109 : vector<1x1000x128xf32> to vector<1000x128xf32>
    %mul3A_111 = vector.broadcast %get3A_1 : vector<1000x1xf32> to vector<1000x128xf32>
    %mul3A_112 = arith.mulf %get3A_110, %mul3A_111 : vector<1000x128xf32>
    %add3A_113 = vector.broadcast %get3A_4 : vector<1x128xf32> to vector<1000x128xf32>
    %add3A_114 = arith.addf %mul3A_112, %add3A_113 : vector<1000x128xf32>
    %convert_element_type3A_115 = arith.truncf %add3A_114 : vector<1000x128xf32> to vector<1000x128xbf16>
    %dot_general3A_116 = arith.constant dense<0.000000e+00> : vector<1000x384xf32>
    %dot_general3A_117 = tpu.matmul %convert_element_type3A_115, %get3A_7, %dot_general3A_116 {dimension_numbers = #tpu.dot_dimension_numbers<[1], [1], [0], [0], [0, 0, 1, 0], [], []>, transpose_lhs_hint = false} : vector<1000x128xbf16>, vector<384x128xbf16>, vector<1000x384xf32> -> vector<1000x384xf32>
    %add3A_118 = vector.broadcast %get3A_13 : vector<1x384xf32> to vector<1000x384xf32>
    %add3A_119 = arith.addf %dot_general3A_117, %add3A_118 : vector<1000x384xf32>
    %convert_element_type3A_120 = arith.truncf %add3A_105 : vector<1000x128xf32> to vector<1000x128xbf16>
    %dot_general3A_121 = arith.constant dense<0.000000e+00> : vector<1000x384xf32>
    %dot_general3A_122 = tpu.matmul %convert_element_type3A_120, %get3A_10, %dot_general3A_121 {dimension_numbers = #tpu.dot_dimension_numbers<[1], [1], [0], [0], [0, 0, 1, 0], [], []>, transpose_lhs_hint = false} : vector<1000x128xbf16>, vector<384x128xbf16>, vector<1000x384xf32> -> vector<1000x384xf32>
    %add3A_123 = vector.broadcast %get3A_16 : vector<1x384xf32> to vector<1000x384xf32>
    %add3A_124 = arith.addf %dot_general3A_122, %add3A_123 : vector<1000x384xf32>
    %slice3A_125 = vector.extract_strided_slice %add3A_119 {offsets = [0, 0], sizes = [1000, 128], strides = [1, 1]} : vector<1000x384xf32> to vector<1000x128xf32>
    %slice3A_126 = vector.extract_strided_slice %add3A_124 {offsets = [0, 0], sizes = [1000, 128], strides = [1, 1]} : vector<1000x384xf32> to vector<1000x128xf32>
    %add3A_127 = arith.addf %slice3A_125, %slice3A_126 : vector<1000x128xf32>
    %logistic3A_128 = arith.negf %add3A_127 : vector<1000x128xf32>
    %logistic3A_129 = math.exp %logistic3A_128 : vector<1000x128xf32>
    %logistic3A_130 = arith.constant 1.000000e+00 : f32
    %logistic3A_131 = vector.broadcast %logistic3A_130 : f32 to vector<1000x128xf32>
    %logistic3A_132 = arith.addf %logistic3A_131, %logistic3A_129 : vector<1000x128xf32>
    %logistic3A_133 = arith.divf %logistic3A_131, %logistic3A_132 : vector<1000x128xf32>
    %slice3A_134 = vector.extract_strided_slice %add3A_119 {offsets = [0, 128], sizes = [1000, 128], strides = [1, 1]} : vector<1000x384xf32> to vector<1000x128xf32>
    %slice3A_135 = vector.extract_strided_slice %add3A_124 {offsets = [0, 128], sizes = [1000, 128], strides = [1, 1]} : vector<1000x384xf32> to vector<1000x128xf32>
    %add3A_136 = arith.addf %slice3A_134, %slice3A_135 : vector<1000x128xf32>
    %logistic3A_137 = arith.negf %add3A_136 : vector<1000x128xf32>
    %logistic3A_138 = math.exp %logistic3A_137 : vector<1000x128xf32>
    %logistic3A_139 = arith.constant 1.000000e+00 : f32
    %logistic3A_140 = vector.broadcast %logistic3A_139 : f32 to vector<1000x128xf32>
    %logistic3A_141 = arith.addf %logistic3A_140, %logistic3A_138 : vector<1000x128xf32>
    %logistic3A_142 = arith.divf %logistic3A_140, %logistic3A_141 : vector<1000x128xf32>
    %slice3A_143 = vector.extract_strided_slice %add3A_119 {offsets = [0, 256], sizes = [1000, 128], strides = [1, 1]} : vector<1000x384xf32> to vector<1000x128xf32>
    %slice3A_144 = vector.extract_strided_slice %add3A_124 {offsets = [0, 256], sizes = [1000, 128], strides = [1, 1]} : vector<1000x384xf32> to vector<1000x128xf32>
    %mul3A_145 = arith.mulf %logistic3A_133, %slice3A_144 : vector<1000x128xf32>
    %add3A_146 = arith.addf %slice3A_143, %mul3A_145 : vector<1000x128xf32>
    %tanh3A_147 = math.tanh %add3A_146 : vector<1000x128xf32>
    %sub3A_148 = arith.constant 1.000000e+00 : f32
    %sub3A_149 = vector.broadcast %sub3A_148 : f32 to vector<1000x128xf32>
    %sub3A_150 = arith.subf %sub3A_149, %logistic3A_142 : vector<1000x128xf32>
    %mul3A_151 = arith.mulf %sub3A_150, %tanh3A_147 : vector<1000x128xf32>
    %mul3A_152 = arith.mulf %logistic3A_142, %add3A_105 : vector<1000x128xf32>
    %add3A_153 = arith.addf %mul3A_151, %mul3A_152 : vector<1000x128xf32>
    %get3A_154 = arith.constant 3 : index
    %get3A_155 = arith.constant 0 : index
    %get3A_156 = arith.constant 0 : index
    %get3A_157 = vector.load %arg1[%get3A_154, %get3A_155, %get3A_156] : memref<12x1000x128xf32, #tpu.memory_space<vmem>>, vector<1x1000x128xf32>
    %get3A_158 = vector.shape_cast %get3A_157 : vector<1x1000x128xf32> to vector<1000x128xf32>
    %mul3A_159 = vector.broadcast %get3A_1 : vector<1000x1xf32> to vector<1000x128xf32>
    %mul3A_160 = arith.mulf %get3A_158, %mul3A_159 : vector<1000x128xf32>
    %add3A_161 = vector.broadcast %get3A_4 : vector<1x128xf32> to vector<1000x128xf32>
    %add3A_162 = arith.addf %mul3A_160, %add3A_161 : vector<1000x128xf32>
    %convert_element_type3A_163 = arith.truncf %add3A_162 : vector<1000x128xf32> to vector<1000x128xbf16>
    %dot_general3A_164 = arith.constant dense<0.000000e+00> : vector<1000x384xf32>
    %dot_general3A_165 = tpu.matmul %convert_element_type3A_163, %get3A_7, %dot_general3A_164 {dimension_numbers = #tpu.dot_dimension_numbers<[1], [1], [0], [0], [0, 0, 1, 0], [], []>, transpose_lhs_hint = false} : vector<1000x128xbf16>, vector<384x128xbf16>, vector<1000x384xf32> -> vector<1000x384xf32>
    %add3A_166 = vector.broadcast %get3A_13 : vector<1x384xf32> to vector<1000x384xf32>
    %add3A_167 = arith.addf %dot_general3A_165, %add3A_166 : vector<1000x384xf32>
    %convert_element_type3A_168 = arith.truncf %add3A_153 : vector<1000x128xf32> to vector<1000x128xbf16>
    %dot_general3A_169 = arith.constant dense<0.000000e+00> : vector<1000x384xf32>
    %dot_general3A_170 = tpu.matmul %convert_element_type3A_168, %get3A_10, %dot_general3A_169 {dimension_numbers = #tpu.dot_dimension_numbers<[1], [1], [0], [0], [0, 0, 1, 0], [], []>, transpose_lhs_hint = false} : vector<1000x128xbf16>, vector<384x128xbf16>, vector<1000x384xf32> -> vector<1000x384xf32>
    %add3A_171 = vector.broadcast %get3A_16 : vector<1x384xf32> to vector<1000x384xf32>
    %add3A_172 = arith.addf %dot_general3A_170, %add3A_171 : vector<1000x384xf32>
    %slice3A_173 = vector.extract_strided_slice %add3A_167 {offsets = [0, 0], sizes = [1000, 128], strides = [1, 1]} : vector<1000x384xf32> to vector<1000x128xf32>
    %slice3A_174 = vector.extract_strided_slice %add3A_172 {offsets = [0, 0], sizes = [1000, 128], strides = [1, 1]} : vector<1000x384xf32> to vector<1000x128xf32>
    %add3A_175 = arith.addf %slice3A_173, %slice3A_174 : vector<1000x128xf32>
    %logistic3A_176 = arith.negf %add3A_175 : vector<1000x128xf32>
    %logistic3A_177 = math.exp %logistic3A_176 : vector<1000x128xf32>
    %logistic3A_178 = arith.constant 1.000000e+00 : f32
    %logistic3A_179 = vector.broadcast %logistic3A_178 : f32 to vector<1000x128xf32>
    %logistic3A_180 = arith.addf %logistic3A_179, %logistic3A_177 : vector<1000x128xf32>
    %logistic3A_181 = arith.divf %logistic3A_179, %logistic3A_180 : vector<1000x128xf32>
    %slice3A_182 = vector.extract_strided_slice %add3A_167 {offsets = [0, 128], sizes = [1000, 128], strides = [1, 1]} : vector<1000x384xf32> to vector<1000x128xf32>
    %slice3A_183 = vector.extract_strided_slice %add3A_172 {offsets = [0, 128], sizes = [1000, 128], strides = [1, 1]} : vector<1000x384xf32> to vector<1000x128xf32>
    %add3A_184 = arith.addf %slice3A_182, %slice3A_183 : vector<1000x128xf32>
    %logistic3A_185 = arith.negf %add3A_184 : vector<1000x128xf32>
    %logistic3A_186 = math.exp %logistic3A_185 : vector<1000x128xf32>
    %logistic3A_187 = arith.constant 1.000000e+00 : f32
    %logistic3A_188 = vector.broadcast %logistic3A_187 : f32 to vector<1000x128xf32>
    %logistic3A_189 = arith.addf %logistic3A_188, %logistic3A_186 : vector<1000x128xf32>
    %logistic3A_190 = arith.divf %logistic3A_188, %logistic3A_189 : vector<1000x128xf32>
    %slice3A_191 = vector.extract_strided_slice %add3A_167 {offsets = [0, 256], sizes = [1000, 128], strides = [1, 1]} : vector<1000x384xf32> to vector<1000x128xf32>
    %slice3A_192 = vector.extract_strided_slice %add3A_172 {offsets = [0, 256], sizes = [1000, 128], strides = [1, 1]} : vector<1000x384xf32> to vector<1000x128xf32>
    %mul3A_193 = arith.mulf %logistic3A_181, %slice3A_192 : vector<1000x128xf32>
    %add3A_194 = arith.addf %slice3A_191, %mul3A_193 : vector<1000x128xf32>
    %tanh3A_195 = math.tanh %add3A_194 : vector<1000x128xf32>
    %sub3A_196 = arith.constant 1.000000e+00 : f32
    %sub3A_197 = vector.broadcast %sub3A_196 : f32 to vector<1000x128xf32>
    %sub3A_198 = arith.subf %sub3A_197, %logistic3A_190 : vector<1000x128xf32>
    %mul3A_199 = arith.mulf %sub3A_198, %tanh3A_195 : vector<1000x128xf32>
    %mul3A_200 = arith.mulf %logistic3A_190, %add3A_153 : vector<1000x128xf32>
    %add3A_201 = arith.addf %mul3A_199, %mul3A_200 : vector<1000x128xf32>
    %get3A_202 = arith.constant 4 : index
    %get3A_203 = arith.constant 0 : index
    %get3A_204 = arith.constant 0 : index
    %get3A_205 = vector.load %arg1[%get3A_202, %get3A_203, %get3A_204] : memref<12x1000x128xf32, #tpu.memory_space<vmem>>, vector<1x1000x128xf32>
    %get3A_206 = vector.shape_cast %get3A_205 : vector<1x1000x128xf32> to vector<1000x128xf32>
    %mul3A_207 = vector.broadcast %get3A_1 : vector<1000x1xf32> to vector<1000x128xf32>
    %mul3A_208 = arith.mulf %get3A_206, %mul3A_207 : vector<1000x128xf32>
    %add3A_209 = vector.broadcast %get3A_4 : vector<1x128xf32> to vector<1000x128xf32>
    %add3A_210 = arith.addf %mul3A_208, %add3A_209 : vector<1000x128xf32>
    %convert_element_type3A_211 = arith.truncf %add3A_210 : vector<1000x128xf32> to vector<1000x128xbf16>
    %dot_general3A_212 = arith.constant dense<0.000000e+00> : vector<1000x384xf32>
    %dot_general3A_213 = tpu.matmul %convert_element_type3A_211, %get3A_7, %dot_general3A_212 {dimension_numbers = #tpu.dot_dimension_numbers<[1], [1], [0], [0], [0, 0, 1, 0], [], []>, transpose_lhs_hint = false} : vector<1000x128xbf16>, vector<384x128xbf16>, vector<1000x384xf32> -> vector<1000x384xf32>
    %add3A_214 = vector.broadcast %get3A_13 : vector<1x384xf32> to vector<1000x384xf32>
    %add3A_215 = arith.addf %dot_general3A_213, %add3A_214 : vector<1000x384xf32>
    %convert_element_type3A_216 = arith.truncf %add3A_201 : vector<1000x128xf32> to vector<1000x128xbf16>
    %dot_general3A_217 = arith.constant dense<0.000000e+00> : vector<1000x384xf32>
    %dot_general3A_218 = tpu.matmul %convert_element_type3A_216, %get3A_10, %dot_general3A_217 {dimension_numbers = #tpu.dot_dimension_numbers<[1], [1], [0], [0], [0, 0, 1, 0], [], []>, transpose_lhs_hint = false} : vector<1000x128xbf16>, vector<384x128xbf16>, vector<1000x384xf32> -> vector<1000x384xf32>
    %add3A_219 = vector.broadcast %get3A_16 : vector<1x384xf32> to vector<1000x384xf32>
    %add3A_220 = arith.addf %dot_general3A_218, %add3A_219 : vector<1000x384xf32>
    %slice3A_221 = vector.extract_strided_slice %add3A_215 {offsets = [0, 0], sizes = [1000, 128], strides = [1, 1]} : vector<1000x384xf32> to vector<1000x128xf32>
    %slice3A_222 = vector.extract_strided_slice %add3A_220 {offsets = [0, 0], sizes = [1000, 128], strides = [1, 1]} : vector<1000x384xf32> to vector<1000x128xf32>
    %add3A_223 = arith.addf %slice3A_221, %slice3A_222 : vector<1000x128xf32>
    %logistic3A_224 = arith.negf %add3A_223 : vector<1000x128xf32>
    %logistic3A_225 = math.exp %logistic3A_224 : vector<1000x128xf32>
    %logistic3A_226 = arith.constant 1.000000e+00 : f32
    %logistic3A_227 = vector.broadcast %logistic3A_226 : f32 to vector<1000x128xf32>
    %logistic3A_228 = arith.addf %logistic3A_227, %logistic3A_225 : vector<1000x128xf32>
    %logistic3A_229 = arith.divf %logistic3A_227, %logistic3A_228 : vector<1000x128xf32>
    %slice3A_230 = vector.extract_strided_slice %add3A_215 {offsets = [0, 128], sizes = [1000, 128], strides = [1, 1]} : vector<1000x384xf32> to vector<1000x128xf32>
    %slice3A_231 = vector.extract_strided_slice %add3A_220 {offsets = [0, 128], sizes = [1000, 128], strides = [1, 1]} : vector<1000x384xf32> to vector<1000x128xf32>
    %add3A_232 = arith.addf %slice3A_230, %slice3A_231 : vector<1000x128xf32>
    %logistic3A_233 = arith.negf %add3A_232 : vector<1000x128xf32>
    %logistic3A_234 = math.exp %logistic3A_233 : vector<1000x128xf32>
    %logistic3A_235 = arith.constant 1.000000e+00 : f32
    %logistic3A_236 = vector.broadcast %logistic3A_235 : f32 to vector<1000x128xf32>
    %logistic3A_237 = arith.addf %logistic3A_236, %logistic3A_234 : vector<1000x128xf32>
    %logistic3A_238 = arith.divf %logistic3A_236, %logistic3A_237 : vector<1000x128xf32>
    %slice3A_239 = vector.extract_strided_slice %add3A_215 {offsets = [0, 256], sizes = [1000, 128], strides = [1, 1]} : vector<1000x384xf32> to vector<1000x128xf32>
    %slice3A_240 = vector.extract_strided_slice %add3A_220 {offsets = [0, 256], sizes = [1000, 128], strides = [1, 1]} : vector<1000x384xf32> to vector<1000x128xf32>
    %mul3A_241 = arith.mulf %logistic3A_229, %slice3A_240 : vector<1000x128xf32>
    %add3A_242 = arith.addf %slice3A_239, %mul3A_241 : vector<1000x128xf32>
    %tanh3A_243 = math.tanh %add3A_242 : vector<1000x128xf32>
    %sub3A_244 = arith.constant 1.000000e+00 : f32
    %sub3A_245 = vector.broadcast %sub3A_244 : f32 to vector<1000x128xf32>
    %sub3A_246 = arith.subf %sub3A_245, %logistic3A_238 : vector<1000x128xf32>
    %mul3A_247 = arith.mulf %sub3A_246, %tanh3A_243 : vector<1000x128xf32>
    %mul3A_248 = arith.mulf %logistic3A_238, %add3A_201 : vector<1000x128xf32>
    %add3A_249 = arith.addf %mul3A_247, %mul3A_248 : vector<1000x128xf32>
    %get3A_250 = arith.constant 5 : index
    %get3A_251 = arith.constant 0 : index
    %get3A_252 = arith.constant 0 : index
    %get3A_253 = vector.load %arg1[%get3A_250, %get3A_251, %get3A_252] : memref<12x1000x128xf32, #tpu.memory_space<vmem>>, vector<1x1000x128xf32>
    %get3A_254 = vector.shape_cast %get3A_253 : vector<1x1000x128xf32> to vector<1000x128xf32>
    %mul3A_255 = vector.broadcast %get3A_1 : vector<1000x1xf32> to vector<1000x128xf32>
    %mul3A_256 = arith.mulf %get3A_254, %mul3A_255 : vector<1000x128xf32>
    %add3A_257 = vector.broadcast %get3A_4 : vector<1x128xf32> to vector<1000x128xf32>
    %add3A_258 = arith.addf %mul3A_256, %add3A_257 : vector<1000x128xf32>
    %convert_element_type3A_259 = arith.truncf %add3A_258 : vector<1000x128xf32> to vector<1000x128xbf16>
    %dot_general3A_260 = arith.constant dense<0.000000e+00> : vector<1000x384xf32>
    %dot_general3A_261 = tpu.matmul %convert_element_type3A_259, %get3A_7, %dot_general3A_260 {dimension_numbers = #tpu.dot_dimension_numbers<[1], [1], [0], [0], [0, 0, 1, 0], [], []>, transpose_lhs_hint = false} : vector<1000x128xbf16>, vector<384x128xbf16>, vector<1000x384xf32> -> vector<1000x384xf32>
    %add3A_262 = vector.broadcast %get3A_13 : vector<1x384xf32> to vector<1000x384xf32>
    %add3A_263 = arith.addf %dot_general3A_261, %add3A_262 : vector<1000x384xf32>
    %convert_element_type3A_264 = arith.truncf %add3A_249 : vector<1000x128xf32> to vector<1000x128xbf16>
    %dot_general3A_265 = arith.constant dense<0.000000e+00> : vector<1000x384xf32>
    %dot_general3A_266 = tpu.matmul %convert_element_type3A_264, %get3A_10, %dot_general3A_265 {dimension_numbers = #tpu.dot_dimension_numbers<[1], [1], [0], [0], [0, 0, 1, 0], [], []>, transpose_lhs_hint = false} : vector<1000x128xbf16>, vector<384x128xbf16>, vector<1000x384xf32> -> vector<1000x384xf32>
    %add3A_267 = vector.broadcast %get3A_16 : vector<1x384xf32> to vector<1000x384xf32>
    %add3A_268 = arith.addf %dot_general3A_266, %add3A_267 : vector<1000x384xf32>
    %slice3A_269 = vector.extract_strided_slice %add3A_263 {offsets = [0, 0], sizes = [1000, 128], strides = [1, 1]} : vector<1000x384xf32> to vector<1000x128xf32>
    %slice3A_270 = vector.extract_strided_slice %add3A_268 {offsets = [0, 0], sizes = [1000, 128], strides = [1, 1]} : vector<1000x384xf32> to vector<1000x128xf32>
    %add3A_271 = arith.addf %slice3A_269, %slice3A_270 : vector<1000x128xf32>
    %logistic3A_272 = arith.negf %add3A_271 : vector<1000x128xf32>
    %logistic3A_273 = math.exp %logistic3A_272 : vector<1000x128xf32>
    %logistic3A_274 = arith.constant 1.000000e+00 : f32
    %logistic3A_275 = vector.broadcast %logistic3A_274 : f32 to vector<1000x128xf32>
    %logistic3A_276 = arith.addf %logistic3A_275, %logistic3A_273 : vector<1000x128xf32>
    %logistic3A_277 = arith.divf %logistic3A_275, %logistic3A_276 : vector<1000x128xf32>
    %slice3A_278 = vector.extract_strided_slice %add3A_263 {offsets = [0, 128], sizes = [1000, 128], strides = [1, 1]} : vector<1000x384xf32> to vector<1000x128xf32>
    %slice3A_279 = vector.extract_strided_slice %add3A_268 {offsets = [0, 128], sizes = [1000, 128], strides = [1, 1]} : vector<1000x384xf32> to vector<1000x128xf32>
    %add3A_280 = arith.addf %slice3A_278, %slice3A_279 : vector<1000x128xf32>
    %logistic3A_281 = arith.negf %add3A_280 : vector<1000x128xf32>
    %logistic3A_282 = math.exp %logistic3A_281 : vector<1000x128xf32>
    %logistic3A_283 = arith.constant 1.000000e+00 : f32
    %logistic3A_284 = vector.broadcast %logistic3A_283 : f32 to vector<1000x128xf32>
    %logistic3A_285 = arith.addf %logistic3A_284, %logistic3A_282 : vector<1000x128xf32>
    %logistic3A_286 = arith.divf %logistic3A_284, %logistic3A_285 : vector<1000x128xf32>
    %slice3A_287 = vector.extract_strided_slice %add3A_263 {offsets = [0, 256], sizes = [1000, 128], strides = [1, 1]} : vector<1000x384xf32> to vector<1000x128xf32>
    %slice3A_288 = vector.extract_strided_slice %add3A_268 {offsets = [0, 256], sizes = [1000, 128], strides = [1, 1]} : vector<1000x384xf32> to vector<1000x128xf32>
    %mul3A_289 = arith.mulf %logistic3A_277, %slice3A_288 : vector<1000x128xf32>
    %add3A_290 = arith.addf %slice3A_287, %mul3A_289 : vector<1000x128xf32>
    %tanh3A_291 = math.tanh %add3A_290 : vector<1000x128xf32>
    %sub3A_292 = arith.constant 1.000000e+00 : f32
    %sub3A_293 = vector.broadcast %sub3A_292 : f32 to vector<1000x128xf32>
    %sub3A_294 = arith.subf %sub3A_293, %logistic3A_286 : vector<1000x128xf32>
    %mul3A_295 = arith.mulf %sub3A_294, %tanh3A_291 : vector<1000x128xf32>
    %mul3A_296 = arith.mulf %logistic3A_286, %add3A_249 : vector<1000x128xf32>
    %add3A_297 = arith.addf %mul3A_295, %mul3A_296 : vector<1000x128xf32>
    %get3A_298 = arith.constant 6 : index
    %get3A_299 = arith.constant 0 : index
    %get3A_300 = arith.constant 0 : index
    %get3A_301 = vector.load %arg1[%get3A_298, %get3A_299, %get3A_300] : memref<12x1000x128xf32, #tpu.memory_space<vmem>>, vector<1x1000x128xf32>
    %get3A_302 = vector.shape_cast %get3A_301 : vector<1x1000x128xf32> to vector<1000x128xf32>
    %mul3A_303 = vector.broadcast %get3A_1 : vector<1000x1xf32> to vector<1000x128xf32>
    %mul3A_304 = arith.mulf %get3A_302, %mul3A_303 : vector<1000x128xf32>
    %add3A_305 = vector.broadcast %get3A_4 : vector<1x128xf32> to vector<1000x128xf32>
    %add3A_306 = arith.addf %mul3A_304, %add3A_305 : vector<1000x128xf32>
    %convert_element_type3A_307 = arith.truncf %add3A_306 : vector<1000x128xf32> to vector<1000x128xbf16>
    %dot_general3A_308 = arith.constant dense<0.000000e+00> : vector<1000x384xf32>
    %dot_general3A_309 = tpu.matmul %convert_element_type3A_307, %get3A_7, %dot_general3A_308 {dimension_numbers = #tpu.dot_dimension_numbers<[1], [1], [0], [0], [0, 0, 1, 0], [], []>, transpose_lhs_hint = false} : vector<1000x128xbf16>, vector<384x128xbf16>, vector<1000x384xf32> -> vector<1000x384xf32>
    %add3A_310 = vector.broadcast %get3A_13 : vector<1x384xf32> to vector<1000x384xf32>
    %add3A_311 = arith.addf %dot_general3A_309, %add3A_310 : vector<1000x384xf32>
    %convert_element_type3A_312 = arith.truncf %add3A_297 : vector<1000x128xf32> to vector<1000x128xbf16>
    %dot_general3A_313 = arith.constant dense<0.000000e+00> : vector<1000x384xf32>
    %dot_general3A_314 = tpu.matmul %convert_element_type3A_312, %get3A_10, %dot_general3A_313 {dimension_numbers = #tpu.dot_dimension_numbers<[1], [1], [0], [0], [0, 0, 1, 0], [], []>, transpose_lhs_hint = false} : vector<1000x128xbf16>, vector<384x128xbf16>, vector<1000x384xf32> -> vector<1000x384xf32>
    %add3A_315 = vector.broadcast %get3A_16 : vector<1x384xf32> to vector<1000x384xf32>
    %add3A_316 = arith.addf %dot_general3A_314, %add3A_315 : vector<1000x384xf32>
    %slice3A_317 = vector.extract_strided_slice %add3A_311 {offsets = [0, 0], sizes = [1000, 128], strides = [1, 1]} : vector<1000x384xf32> to vector<1000x128xf32>
    %slice3A_318 = vector.extract_strided_slice %add3A_316 {offsets = [0, 0], sizes = [1000, 128], strides = [1, 1]} : vector<1000x384xf32> to vector<1000x128xf32>
    %add3A_319 = arith.addf %slice3A_317, %slice3A_318 : vector<1000x128xf32>
    %logistic3A_320 = arith.negf %add3A_319 : vector<1000x128xf32>
    %logistic3A_321 = math.exp %logistic3A_320 : vector<1000x128xf32>
    %logistic3A_322 = arith.constant 1.000000e+00 : f32
    %logistic3A_323 = vector.broadcast %logistic3A_322 : f32 to vector<1000x128xf32>
    %logistic3A_324 = arith.addf %logistic3A_323, %logistic3A_321 : vector<1000x128xf32>
    %logistic3A_325 = arith.divf %logistic3A_323, %logistic3A_324 : vector<1000x128xf32>
    %slice3A_326 = vector.extract_strided_slice %add3A_311 {offsets = [0, 128], sizes = [1000, 128], strides = [1, 1]} : vector<1000x384xf32> to vector<1000x128xf32>
    %slice3A_327 = vector.extract_strided_slice %add3A_316 {offsets = [0, 128], sizes = [1000, 128], strides = [1, 1]} : vector<1000x384xf32> to vector<1000x128xf32>
    %add3A_328 = arith.addf %slice3A_326, %slice3A_327 : vector<1000x128xf32>
    %logistic3A_329 = arith.negf %add3A_328 : vector<1000x128xf32>
    %logistic3A_330 = math.exp %logistic3A_329 : vector<1000x128xf32>
    %logistic3A_331 = arith.constant 1.000000e+00 : f32
    %logistic3A_332 = vector.broadcast %logistic3A_331 : f32 to vector<1000x128xf32>
    %logistic3A_333 = arith.addf %logistic3A_332, %logistic3A_330 : vector<1000x128xf32>
    %logistic3A_334 = arith.divf %logistic3A_332, %logistic3A_333 : vector<1000x128xf32>
    %slice3A_335 = vector.extract_strided_slice %add3A_311 {offsets = [0, 256], sizes = [1000, 128], strides = [1, 1]} : vector<1000x384xf32> to vector<1000x128xf32>
    %slice3A_336 = vector.extract_strided_slice %add3A_316 {offsets = [0, 256], sizes = [1000, 128], strides = [1, 1]} : vector<1000x384xf32> to vector<1000x128xf32>
    %mul3A_337 = arith.mulf %logistic3A_325, %slice3A_336 : vector<1000x128xf32>
    %add3A_338 = arith.addf %slice3A_335, %mul3A_337 : vector<1000x128xf32>
    %tanh3A_339 = math.tanh %add3A_338 : vector<1000x128xf32>
    %sub3A_340 = arith.constant 1.000000e+00 : f32
    %sub3A_341 = vector.broadcast %sub3A_340 : f32 to vector<1000x128xf32>
    %sub3A_342 = arith.subf %sub3A_341, %logistic3A_334 : vector<1000x128xf32>
    %mul3A_343 = arith.mulf %sub3A_342, %tanh3A_339 : vector<1000x128xf32>
    %mul3A_344 = arith.mulf %logistic3A_334, %add3A_297 : vector<1000x128xf32>
    %add3A_345 = arith.addf %mul3A_343, %mul3A_344 : vector<1000x128xf32>
    %get3A_346 = arith.constant 7 : index
    %get3A_347 = arith.constant 0 : index
    %get3A_348 = arith.constant 0 : index
    %get3A_349 = vector.load %arg1[%get3A_346, %get3A_347, %get3A_348] : memref<12x1000x128xf32, #tpu.memory_space<vmem>>, vector<1x1000x128xf32>
    %get3A_350 = vector.shape_cast %get3A_349 : vector<1x1000x128xf32> to vector<1000x128xf32>
    %mul3A_351 = vector.broadcast %get3A_1 : vector<1000x1xf32> to vector<1000x128xf32>
    %mul3A_352 = arith.mulf %get3A_350, %mul3A_351 : vector<1000x128xf32>
    %add3A_353 = vector.broadcast %get3A_4 : vector<1x128xf32> to vector<1000x128xf32>
    %add3A_354 = arith.addf %mul3A_352, %add3A_353 : vector<1000x128xf32>
    %convert_element_type3A_355 = arith.truncf %add3A_354 : vector<1000x128xf32> to vector<1000x128xbf16>
    %dot_general3A_356 = arith.constant dense<0.000000e+00> : vector<1000x384xf32>
    %dot_general3A_357 = tpu.matmul %convert_element_type3A_355, %get3A_7, %dot_general3A_356 {dimension_numbers = #tpu.dot_dimension_numbers<[1], [1], [0], [0], [0, 0, 1, 0], [], []>, transpose_lhs_hint = false} : vector<1000x128xbf16>, vector<384x128xbf16>, vector<1000x384xf32> -> vector<1000x384xf32>
    %add3A_358 = vector.broadcast %get3A_13 : vector<1x384xf32> to vector<1000x384xf32>
    %add3A_359 = arith.addf %dot_general3A_357, %add3A_358 : vector<1000x384xf32>
    %convert_element_type3A_360 = arith.truncf %add3A_345 : vector<1000x128xf32> to vector<1000x128xbf16>
    %dot_general3A_361 = arith.constant dense<0.000000e+00> : vector<1000x384xf32>
    %dot_general3A_362 = tpu.matmul %convert_element_type3A_360, %get3A_10, %dot_general3A_361 {dimension_numbers = #tpu.dot_dimension_numbers<[1], [1], [0], [0], [0, 0, 1, 0], [], []>, transpose_lhs_hint = false} : vector<1000x128xbf16>, vector<384x128xbf16>, vector<1000x384xf32> -> vector<1000x384xf32>
    %add3A_363 = vector.broadcast %get3A_16 : vector<1x384xf32> to vector<1000x384xf32>
    %add3A_364 = arith.addf %dot_general3A_362, %add3A_363 : vector<1000x384xf32>
    %slice3A_365 = vector.extract_strided_slice %add3A_359 {offsets = [0, 0], sizes = [1000, 128], strides = [1, 1]} : vector<1000x384xf32> to vector<1000x128xf32>
    %slice3A_366 = vector.extract_strided_slice %add3A_364 {offsets = [0, 0], sizes = [1000, 128], strides = [1, 1]} : vector<1000x384xf32> to vector<1000x128xf32>
    %add3A_367 = arith.addf %slice3A_365, %slice3A_366 : vector<1000x128xf32>
    %logistic3A_368 = arith.negf %add3A_367 : vector<1000x128xf32>
    %logistic3A_369 = math.exp %logistic3A_368 : vector<1000x128xf32>
    %logistic3A_370 = arith.constant 1.000000e+00 : f32
    %logistic3A_371 = vector.broadcast %logistic3A_370 : f32 to vector<1000x128xf32>
    %logistic3A_372 = arith.addf %logistic3A_371, %logistic3A_369 : vector<1000x128xf32>
    %logistic3A_373 = arith.divf %logistic3A_371, %logistic3A_372 : vector<1000x128xf32>
    %slice3A_374 = vector.extract_strided_slice %add3A_359 {offsets = [0, 128], sizes = [1000, 128], strides = [1, 1]} : vector<1000x384xf32> to vector<1000x128xf32>
    %slice3A_375 = vector.extract_strided_slice %add3A_364 {offsets = [0, 128], sizes = [1000, 128], strides = [1, 1]} : vector<1000x384xf32> to vector<1000x128xf32>
    %add3A_376 = arith.addf %slice3A_374, %slice3A_375 : vector<1000x128xf32>
    %logistic3A_377 = arith.negf %add3A_376 : vector<1000x128xf32>
    %logistic3A_378 = math.exp %logistic3A_377 : vector<1000x128xf32>
    %logistic3A_379 = arith.constant 1.000000e+00 : f32
    %logistic3A_380 = vector.broadcast %logistic3A_379 : f32 to vector<1000x128xf32>
    %logistic3A_381 = arith.addf %logistic3A_380, %logistic3A_378 : vector<1000x128xf32>
    %logistic3A_382 = arith.divf %logistic3A_380, %logistic3A_381 : vector<1000x128xf32>
    %slice3A_383 = vector.extract_strided_slice %add3A_359 {offsets = [0, 256], sizes = [1000, 128], strides = [1, 1]} : vector<1000x384xf32> to vector<1000x128xf32>
    %slice3A_384 = vector.extract_strided_slice %add3A_364 {offsets = [0, 256], sizes = [1000, 128], strides = [1, 1]} : vector<1000x384xf32> to vector<1000x128xf32>
    %mul3A_385 = arith.mulf %logistic3A_373, %slice3A_384 : vector<1000x128xf32>
    %add3A_386 = arith.addf %slice3A_383, %mul3A_385 : vector<1000x128xf32>
    %tanh3A_387 = math.tanh %add3A_386 : vector<1000x128xf32>
    %sub3A_388 = arith.constant 1.000000e+00 : f32
    %sub3A_389 = vector.broadcast %sub3A_388 : f32 to vector<1000x128xf32>
    %sub3A_390 = arith.subf %sub3A_389, %logistic3A_382 : vector<1000x128xf32>
    %mul3A_391 = arith.mulf %sub3A_390, %tanh3A_387 : vector<1000x128xf32>
    %mul3A_392 = arith.mulf %logistic3A_382, %add3A_345 : vector<1000x128xf32>
    %add3A_393 = arith.addf %mul3A_391, %mul3A_392 : vector<1000x128xf32>
    %get3A_394 = arith.constant 8 : index
    %get3A_395 = arith.constant 0 : index
    %get3A_396 = arith.constant 0 : index
    %get3A_397 = vector.load %arg1[%get3A_394, %get3A_395, %get3A_396] : memref<12x1000x128xf32, #tpu.memory_space<vmem>>, vector<1x1000x128xf32>
    %get3A_398 = vector.shape_cast %get3A_397 : vector<1x1000x128xf32> to vector<1000x128xf32>
    %mul3A_399 = vector.broadcast %get3A_1 : vector<1000x1xf32> to vector<1000x128xf32>
    %mul3A_400 = arith.mulf %get3A_398, %mul3A_399 : vector<1000x128xf32>
    %add3A_401 = vector.broadcast %get3A_4 : vector<1x128xf32> to vector<1000x128xf32>
    %add3A_402 = arith.addf %mul3A_400, %add3A_401 : vector<1000x128xf32>
    %convert_element_type3A_403 = arith.truncf %add3A_402 : vector<1000x128xf32> to vector<1000x128xbf16>
    %dot_general3A_404 = arith.constant dense<0.000000e+00> : vector<1000x384xf32>
    %dot_general3A_405 = tpu.matmul %convert_element_type3A_403, %get3A_7, %dot_general3A_404 {dimension_numbers = #tpu.dot_dimension_numbers<[1], [1], [0], [0], [0, 0, 1, 0], [], []>, transpose_lhs_hint = false} : vector<1000x128xbf16>, vector<384x128xbf16>, vector<1000x384xf32> -> vector<1000x384xf32>
    %add3A_406 = vector.broadcast %get3A_13 : vector<1x384xf32> to vector<1000x384xf32>
    %add3A_407 = arith.addf %dot_general3A_405, %add3A_406 : vector<1000x384xf32>
    %convert_element_type3A_408 = arith.truncf %add3A_393 : vector<1000x128xf32> to vector<1000x128xbf16>
    %dot_general3A_409 = arith.constant dense<0.000000e+00> : vector<1000x384xf32>
    %dot_general3A_410 = tpu.matmul %convert_element_type3A_408, %get3A_10, %dot_general3A_409 {dimension_numbers = #tpu.dot_dimension_numbers<[1], [1], [0], [0], [0, 0, 1, 0], [], []>, transpose_lhs_hint = false} : vector<1000x128xbf16>, vector<384x128xbf16>, vector<1000x384xf32> -> vector<1000x384xf32>
    %add3A_411 = vector.broadcast %get3A_16 : vector<1x384xf32> to vector<1000x384xf32>
    %add3A_412 = arith.addf %dot_general3A_410, %add3A_411 : vector<1000x384xf32>
    %slice3A_413 = vector.extract_strided_slice %add3A_407 {offsets = [0, 0], sizes = [1000, 128], strides = [1, 1]} : vector<1000x384xf32> to vector<1000x128xf32>
    %slice3A_414 = vector.extract_strided_slice %add3A_412 {offsets = [0, 0], sizes = [1000, 128], strides = [1, 1]} : vector<1000x384xf32> to vector<1000x128xf32>
    %add3A_415 = arith.addf %slice3A_413, %slice3A_414 : vector<1000x128xf32>
    %logistic3A_416 = arith.negf %add3A_415 : vector<1000x128xf32>
    %logistic3A_417 = math.exp %logistic3A_416 : vector<1000x128xf32>
    %logistic3A_418 = arith.constant 1.000000e+00 : f32
    %logistic3A_419 = vector.broadcast %logistic3A_418 : f32 to vector<1000x128xf32>
    %logistic3A_420 = arith.addf %logistic3A_419, %logistic3A_417 : vector<1000x128xf32>
    %logistic3A_421 = arith.divf %logistic3A_419, %logistic3A_420 : vector<1000x128xf32>
    %slice3A_422 = vector.extract_strided_slice %add3A_407 {offsets = [0, 128], sizes = [1000, 128], strides = [1, 1]} : vector<1000x384xf32> to vector<1000x128xf32>
    %slice3A_423 = vector.extract_strided_slice %add3A_412 {offsets = [0, 128], sizes = [1000, 128], strides = [1, 1]} : vector<1000x384xf32> to vector<1000x128xf32>
    %add3A_424 = arith.addf %slice3A_422, %slice3A_423 : vector<1000x128xf32>
    %logistic3A_425 = arith.negf %add3A_424 : vector<1000x128xf32>
    %logistic3A_426 = math.exp %logistic3A_425 : vector<1000x128xf32>
    %logistic3A_427 = arith.constant 1.000000e+00 : f32
    %logistic3A_428 = vector.broadcast %logistic3A_427 : f32 to vector<1000x128xf32>
    %logistic3A_429 = arith.addf %logistic3A_428, %logistic3A_426 : vector<1000x128xf32>
    %logistic3A_430 = arith.divf %logistic3A_428, %logistic3A_429 : vector<1000x128xf32>
    %slice3A_431 = vector.extract_strided_slice %add3A_407 {offsets = [0, 256], sizes = [1000, 128], strides = [1, 1]} : vector<1000x384xf32> to vector<1000x128xf32>
    %slice3A_432 = vector.extract_strided_slice %add3A_412 {offsets = [0, 256], sizes = [1000, 128], strides = [1, 1]} : vector<1000x384xf32> to vector<1000x128xf32>
    %mul3A_433 = arith.mulf %logistic3A_421, %slice3A_432 : vector<1000x128xf32>
    %add3A_434 = arith.addf %slice3A_431, %mul3A_433 : vector<1000x128xf32>
    %tanh3A_435 = math.tanh %add3A_434 : vector<1000x128xf32>
    %sub3A_436 = arith.constant 1.000000e+00 : f32
    %sub3A_437 = vector.broadcast %sub3A_436 : f32 to vector<1000x128xf32>
    %sub3A_438 = arith.subf %sub3A_437, %logistic3A_430 : vector<1000x128xf32>
    %mul3A_439 = arith.mulf %sub3A_438, %tanh3A_435 : vector<1000x128xf32>
    %mul3A_440 = arith.mulf %logistic3A_430, %add3A_393 : vector<1000x128xf32>
    %add3A_441 = arith.addf %mul3A_439, %mul3A_440 : vector<1000x128xf32>
    %get3A_442 = arith.constant 9 : index
    %get3A_443 = arith.constant 0 : index
    %get3A_444 = arith.constant 0 : index
    %get3A_445 = vector.load %arg1[%get3A_442, %get3A_443, %get3A_444] : memref<12x1000x128xf32, #tpu.memory_space<vmem>>, vector<1x1000x128xf32>
    %get3A_446 = vector.shape_cast %get3A_445 : vector<1x1000x128xf32> to vector<1000x128xf32>
    %mul3A_447 = vector.broadcast %get3A_1 : vector<1000x1xf32> to vector<1000x128xf32>
    %mul3A_448 = arith.mulf %get3A_446, %mul3A_447 : vector<1000x128xf32>
    %add3A_449 = vector.broadcast %get3A_4 : vector<1x128xf32> to vector<1000x128xf32>
    %add3A_450 = arith.addf %mul3A_448, %add3A_449 : vector<1000x128xf32>
    %convert_element_type3A_451 = arith.truncf %add3A_450 : vector<1000x128xf32> to vector<1000x128xbf16>
    %dot_general3A_452 = arith.constant dense<0.000000e+00> : vector<1000x384xf32>
    %dot_general3A_453 = tpu.matmul %convert_element_type3A_451, %get3A_7, %dot_general3A_452 {dimension_numbers = #tpu.dot_dimension_numbers<[1], [1], [0], [0], [0, 0, 1, 0], [], []>, transpose_lhs_hint = false} : vector<1000x128xbf16>, vector<384x128xbf16>, vector<1000x384xf32> -> vector<1000x384xf32>
    %add3A_454 = vector.broadcast %get3A_13 : vector<1x384xf32> to vector<1000x384xf32>
    %add3A_455 = arith.addf %dot_general3A_453, %add3A_454 : vector<1000x384xf32>
    %convert_element_type3A_456 = arith.truncf %add3A_441 : vector<1000x128xf32> to vector<1000x128xbf16>
    %dot_general3A_457 = arith.constant dense<0.000000e+00> : vector<1000x384xf32>
    %dot_general3A_458 = tpu.matmul %convert_element_type3A_456, %get3A_10, %dot_general3A_457 {dimension_numbers = #tpu.dot_dimension_numbers<[1], [1], [0], [0], [0, 0, 1, 0], [], []>, transpose_lhs_hint = false} : vector<1000x128xbf16>, vector<384x128xbf16>, vector<1000x384xf32> -> vector<1000x384xf32>
    %add3A_459 = vector.broadcast %get3A_16 : vector<1x384xf32> to vector<1000x384xf32>
    %add3A_460 = arith.addf %dot_general3A_458, %add3A_459 : vector<1000x384xf32>
    %slice3A_461 = vector.extract_strided_slice %add3A_455 {offsets = [0, 0], sizes = [1000, 128], strides = [1, 1]} : vector<1000x384xf32> to vector<1000x128xf32>
    %slice3A_462 = vector.extract_strided_slice %add3A_460 {offsets = [0, 0], sizes = [1000, 128], strides = [1, 1]} : vector<1000x384xf32> to vector<1000x128xf32>
    %add3A_463 = arith.addf %slice3A_461, %slice3A_462 : vector<1000x128xf32>
    %logistic3A_464 = arith.negf %add3A_463 : vector<1000x128xf32>
    %logistic3A_465 = math.exp %logistic3A_464 : vector<1000x128xf32>
    %logistic3A_466 = arith.constant 1.000000e+00 : f32
    %logistic3A_467 = vector.broadcast %logistic3A_466 : f32 to vector<1000x128xf32>
    %logistic3A_468 = arith.addf %logistic3A_467, %logistic3A_465 : vector<1000x128xf32>
    %logistic3A_469 = arith.divf %logistic3A_467, %logistic3A_468 : vector<1000x128xf32>
    %slice3A_470 = vector.extract_strided_slice %add3A_455 {offsets = [0, 128], sizes = [1000, 128], strides = [1, 1]} : vector<1000x384xf32> to vector<1000x128xf32>
    %slice3A_471 = vector.extract_strided_slice %add3A_460 {offsets = [0, 128], sizes = [1000, 128], strides = [1, 1]} : vector<1000x384xf32> to vector<1000x128xf32>
    %add3A_472 = arith.addf %slice3A_470, %slice3A_471 : vector<1000x128xf32>
    %logistic3A_473 = arith.negf %add3A_472 : vector<1000x128xf32>
    %logistic3A_474 = math.exp %logistic3A_473 : vector<1000x128xf32>
    %logistic3A_475 = arith.constant 1.000000e+00 : f32
    %logistic3A_476 = vector.broadcast %logistic3A_475 : f32 to vector<1000x128xf32>
    %logistic3A_477 = arith.addf %logistic3A_476, %logistic3A_474 : vector<1000x128xf32>
    %logistic3A_478 = arith.divf %logistic3A_476, %logistic3A_477 : vector<1000x128xf32>
    %slice3A_479 = vector.extract_strided_slice %add3A_455 {offsets = [0, 256], sizes = [1000, 128], strides = [1, 1]} : vector<1000x384xf32> to vector<1000x128xf32>
    %slice3A_480 = vector.extract_strided_slice %add3A_460 {offsets = [0, 256], sizes = [1000, 128], strides = [1, 1]} : vector<1000x384xf32> to vector<1000x128xf32>
    %mul3A_481 = arith.mulf %logistic3A_469, %slice3A_480 : vector<1000x128xf32>
    %add3A_482 = arith.addf %slice3A_479, %mul3A_481 : vector<1000x128xf32>
    %tanh3A_483 = math.tanh %add3A_482 : vector<1000x128xf32>
    %sub3A_484 = arith.constant 1.000000e+00 : f32
    %sub3A_485 = vector.broadcast %sub3A_484 : f32 to vector<1000x128xf32>
    %sub3A_486 = arith.subf %sub3A_485, %logistic3A_478 : vector<1000x128xf32>
    %mul3A_487 = arith.mulf %sub3A_486, %tanh3A_483 : vector<1000x128xf32>
    %mul3A_488 = arith.mulf %logistic3A_478, %add3A_441 : vector<1000x128xf32>
    %add3A_489 = arith.addf %mul3A_487, %mul3A_488 : vector<1000x128xf32>
    %get3A_490 = arith.constant 10 : index
    %get3A_491 = arith.constant 0 : index
    %get3A_492 = arith.constant 0 : index
    %get3A_493 = vector.load %arg1[%get3A_490, %get3A_491, %get3A_492] : memref<12x1000x128xf32, #tpu.memory_space<vmem>>, vector<1x1000x128xf32>
    %get3A_494 = vector.shape_cast %get3A_493 : vector<1x1000x128xf32> to vector<1000x128xf32>
    %mul3A_495 = vector.broadcast %get3A_1 : vector<1000x1xf32> to vector<1000x128xf32>
    %mul3A_496 = arith.mulf %get3A_494, %mul3A_495 : vector<1000x128xf32>
    %add3A_497 = vector.broadcast %get3A_4 : vector<1x128xf32> to vector<1000x128xf32>
    %add3A_498 = arith.addf %mul3A_496, %add3A_497 : vector<1000x128xf32>
    %convert_element_type3A_499 = arith.truncf %add3A_498 : vector<1000x128xf32> to vector<1000x128xbf16>
    %dot_general3A_500 = arith.constant dense<0.000000e+00> : vector<1000x384xf32>
    %dot_general3A_501 = tpu.matmul %convert_element_type3A_499, %get3A_7, %dot_general3A_500 {dimension_numbers = #tpu.dot_dimension_numbers<[1], [1], [0], [0], [0, 0, 1, 0], [], []>, transpose_lhs_hint = false} : vector<1000x128xbf16>, vector<384x128xbf16>, vector<1000x384xf32> -> vector<1000x384xf32>
    %add3A_502 = vector.broadcast %get3A_13 : vector<1x384xf32> to vector<1000x384xf32>
    %add3A_503 = arith.addf %dot_general3A_501, %add3A_502 : vector<1000x384xf32>
    %convert_element_type3A_504 = arith.truncf %add3A_489 : vector<1000x128xf32> to vector<1000x128xbf16>
    %dot_general3A_505 = arith.constant dense<0.000000e+00> : vector<1000x384xf32>
    %dot_general3A_506 = tpu.matmul %convert_element_type3A_504, %get3A_10, %dot_general3A_505 {dimension_numbers = #tpu.dot_dimension_numbers<[1], [1], [0], [0], [0, 0, 1, 0], [], []>, transpose_lhs_hint = false} : vector<1000x128xbf16>, vector<384x128xbf16>, vector<1000x384xf32> -> vector<1000x384xf32>
    %add3A_507 = vector.broadcast %get3A_16 : vector<1x384xf32> to vector<1000x384xf32>
    %add3A_508 = arith.addf %dot_general3A_506, %add3A_507 : vector<1000x384xf32>
    %slice3A_509 = vector.extract_strided_slice %add3A_503 {offsets = [0, 0], sizes = [1000, 128], strides = [1, 1]} : vector<1000x384xf32> to vector<1000x128xf32>
    %slice3A_510 = vector.extract_strided_slice %add3A_508 {offsets = [0, 0], sizes = [1000, 128], strides = [1, 1]} : vector<1000x384xf32> to vector<1000x128xf32>
    %add3A_511 = arith.addf %slice3A_509, %slice3A_510 : vector<1000x128xf32>
    %logistic3A_512 = arith.negf %add3A_511 : vector<1000x128xf32>
    %logistic3A_513 = math.exp %logistic3A_512 : vector<1000x128xf32>
    %logistic3A_514 = arith.constant 1.000000e+00 : f32
    %logistic3A_515 = vector.broadcast %logistic3A_514 : f32 to vector<1000x128xf32>
    %logistic3A_516 = arith.addf %logistic3A_515, %logistic3A_513 : vector<1000x128xf32>
    %logistic3A_517 = arith.divf %logistic3A_515, %logistic3A_516 : vector<1000x128xf32>
    %slice3A_518 = vector.extract_strided_slice %add3A_503 {offsets = [0, 128], sizes = [1000, 128], strides = [1, 1]} : vector<1000x384xf32> to vector<1000x128xf32>
    %slice3A_519 = vector.extract_strided_slice %add3A_508 {offsets = [0, 128], sizes = [1000, 128], strides = [1, 1]} : vector<1000x384xf32> to vector<1000x128xf32>
    %add3A_520 = arith.addf %slice3A_518, %slice3A_519 : vector<1000x128xf32>
    %logistic3A_521 = arith.negf %add3A_520 : vector<1000x128xf32>
    %logistic3A_522 = math.exp %logistic3A_521 : vector<1000x128xf32>
    %logistic3A_523 = arith.constant 1.000000e+00 : f32
    %logistic3A_524 = vector.broadcast %logistic3A_523 : f32 to vector<1000x128xf32>
    %logistic3A_525 = arith.addf %logistic3A_524, %logistic3A_522 : vector<1000x128xf32>
    %logistic3A_526 = arith.divf %logistic3A_524, %logistic3A_525 : vector<1000x128xf32>
    %slice3A_527 = vector.extract_strided_slice %add3A_503 {offsets = [0, 256], sizes = [1000, 128], strides = [1, 1]} : vector<1000x384xf32> to vector<1000x128xf32>
    %slice3A_528 = vector.extract_strided_slice %add3A_508 {offsets = [0, 256], sizes = [1000, 128], strides = [1, 1]} : vector<1000x384xf32> to vector<1000x128xf32>
    %mul3A_529 = arith.mulf %logistic3A_517, %slice3A_528 : vector<1000x128xf32>
    %add3A_530 = arith.addf %slice3A_527, %mul3A_529 : vector<1000x128xf32>
    %tanh3A_531 = math.tanh %add3A_530 : vector<1000x128xf32>
    %sub3A_532 = arith.constant 1.000000e+00 : f32
    %sub3A_533 = vector.broadcast %sub3A_532 : f32 to vector<1000x128xf32>
    %sub3A_534 = arith.subf %sub3A_533, %logistic3A_526 : vector<1000x128xf32>
    %mul3A_535 = arith.mulf %sub3A_534, %tanh3A_531 : vector<1000x128xf32>
    %mul3A_536 = arith.mulf %logistic3A_526, %add3A_489 : vector<1000x128xf32>
    %add3A_537 = arith.addf %mul3A_535, %mul3A_536 : vector<1000x128xf32>
    %get3A_538 = arith.constant 11 : index
    %get3A_539 = arith.constant 0 : index
    %get3A_540 = arith.constant 0 : index
    %get3A_541 = vector.load %arg1[%get3A_538, %get3A_539, %get3A_540] : memref<12x1000x128xf32, #tpu.memory_space<vmem>>, vector<1x1000x128xf32>
    %get3A_542 = vector.shape_cast %get3A_541 : vector<1x1000x128xf32> to vector<1000x128xf32>
    %mul3A_543 = vector.broadcast %get3A_1 : vector<1000x1xf32> to vector<1000x128xf32>
    %mul3A_544 = arith.mulf %get3A_542, %mul3A_543 : vector<1000x128xf32>
    %add3A_545 = vector.broadcast %get3A_4 : vector<1x128xf32> to vector<1000x128xf32>
    %add3A_546 = arith.addf %mul3A_544, %add3A_545 : vector<1000x128xf32>
    %convert_element_type3A_547 = arith.truncf %add3A_546 : vector<1000x128xf32> to vector<1000x128xbf16>
    %dot_general3A_548 = arith.constant dense<0.000000e+00> : vector<1000x384xf32>
    %dot_general3A_549 = tpu.matmul %convert_element_type3A_547, %get3A_7, %dot_general3A_548 {dimension_numbers = #tpu.dot_dimension_numbers<[1], [1], [0], [0], [0, 0, 1, 0], [], []>, transpose_lhs_hint = false} : vector<1000x128xbf16>, vector<384x128xbf16>, vector<1000x384xf32> -> vector<1000x384xf32>
    %add3A_550 = vector.broadcast %get3A_13 : vector<1x384xf32> to vector<1000x384xf32>
    %add3A_551 = arith.addf %dot_general3A_549, %add3A_550 : vector<1000x384xf32>
    %convert_element_type3A_552 = arith.truncf %add3A_537 : vector<1000x128xf32> to vector<1000x128xbf16>
    %dot_general3A_553 = arith.constant dense<0.000000e+00> : vector<1000x384xf32>
    %dot_general3A_554 = tpu.matmul %convert_element_type3A_552, %get3A_10, %dot_general3A_553 {dimension_numbers = #tpu.dot_dimension_numbers<[1], [1], [0], [0], [0, 0, 1, 0], [], []>, transpose_lhs_hint = false} : vector<1000x128xbf16>, vector<384x128xbf16>, vector<1000x384xf32> -> vector<1000x384xf32>
    %add3A_555 = vector.broadcast %get3A_16 : vector<1x384xf32> to vector<1000x384xf32>
    %add3A_556 = arith.addf %dot_general3A_554, %add3A_555 : vector<1000x384xf32>
    %slice3A_557 = vector.extract_strided_slice %add3A_551 {offsets = [0, 0], sizes = [1000, 128], strides = [1, 1]} : vector<1000x384xf32> to vector<1000x128xf32>
    %slice3A_558 = vector.extract_strided_slice %add3A_556 {offsets = [0, 0], sizes = [1000, 128], strides = [1, 1]} : vector<1000x384xf32> to vector<1000x128xf32>
    %add3A_559 = arith.addf %slice3A_557, %slice3A_558 : vector<1000x128xf32>
    %logistic3A_560 = arith.negf %add3A_559 : vector<1000x128xf32>
    %logistic3A_561 = math.exp %logistic3A_560 : vector<1000x128xf32>
    %logistic3A_562 = arith.constant 1.000000e+00 : f32
    %logistic3A_563 = vector.broadcast %logistic3A_562 : f32 to vector<1000x128xf32>
    %logistic3A_564 = arith.addf %logistic3A_563, %logistic3A_561 : vector<1000x128xf32>
    %logistic3A_565 = arith.divf %logistic3A_563, %logistic3A_564 : vector<1000x128xf32>
    %slice3A_566 = vector.extract_strided_slice %add3A_551 {offsets = [0, 128], sizes = [1000, 128], strides = [1, 1]} : vector<1000x384xf32> to vector<1000x128xf32>
    %slice3A_567 = vector.extract_strided_slice %add3A_556 {offsets = [0, 128], sizes = [1000, 128], strides = [1, 1]} : vector<1000x384xf32> to vector<1000x128xf32>
    %add3A_568 = arith.addf %slice3A_566, %slice3A_567 : vector<1000x128xf32>
    %logistic3A_569 = arith.negf %add3A_568 : vector<1000x128xf32>
    %logistic3A_570 = math.exp %logistic3A_569 : vector<1000x128xf32>
    %logistic3A_571 = arith.constant 1.000000e+00 : f32
    %logistic3A_572 = vector.broadcast %logistic3A_571 : f32 to vector<1000x128xf32>
    %logistic3A_573 = arith.addf %logistic3A_572, %logistic3A_570 : vector<1000x128xf32>
    %logistic3A_574 = arith.divf %logistic3A_572, %logistic3A_573 : vector<1000x128xf32>
    %slice3A_575 = vector.extract_strided_slice %add3A_551 {offsets = [0, 256], sizes = [1000, 128], strides = [1, 1]} : vector<1000x384xf32> to vector<1000x128xf32>
    %slice3A_576 = vector.extract_strided_slice %add3A_556 {offsets = [0, 256], sizes = [1000, 128], strides = [1, 1]} : vector<1000x384xf32> to vector<1000x128xf32>
    %mul3A_577 = arith.mulf %logistic3A_565, %slice3A_576 : vector<1000x128xf32>
    %add3A_578 = arith.addf %slice3A_575, %mul3A_577 : vector<1000x128xf32>
    %tanh3A_579 = math.tanh %add3A_578 : vector<1000x128xf32>
    %sub3A_580 = arith.constant 1.000000e+00 : f32
    %sub3A_581 = vector.broadcast %sub3A_580 : f32 to vector<1000x128xf32>
    %sub3A_582 = arith.subf %sub3A_581, %logistic3A_574 : vector<1000x128xf32>
    %mul3A_583 = arith.mulf %sub3A_582, %tanh3A_579 : vector<1000x128xf32>
    %mul3A_584 = arith.mulf %logistic3A_574, %add3A_537 : vector<1000x128xf32>
    %add3A_585 = arith.addf %mul3A_583, %mul3A_584 : vector<1000x128xf32>
    %get3A_586 = arith.constant 0 : index
    %get3A_587 = arith.constant 0 : index
    %get3A_588 = vector.load %arg8[%get3A_586, %get3A_587] : memref<128x8xf32, #tpu.memory_space<vmem>>, vector<128x8xf32>
    %dot_general3A_589 = arith.constant dense<0.000000e+00> : vector<1000x8xf32>
    %dot_general3A_590 = tpu.matmul %add3A_585, %get3A_588, %dot_general3A_589 {dimension_numbers = #tpu.dot_dimension_numbers<[1], [0], [0], [1], [0, 0, 1, 1], [], []>, transpose_lhs_hint = false} : vector<1000x128xf32>, vector<128x8xf32>, vector<1000x8xf32> -> vector<1000x8xf32>
    %get3A_591 = arith.constant 0 : index
    %get3A_592 = arith.constant 0 : index
    %get3A_593 = vector.load %arg9[%get3A_591, %get3A_592] : memref<1x8xf32, #tpu.memory_space<vmem>>, vector<1x8xf32>
    %add3A_594 = vector.broadcast %get3A_593 : vector<1x8xf32> to vector<1000x8xf32>
    %add3A_595 = arith.addf %dot_general3A_590, %add3A_594 : vector<1000x8xf32>
    %swap3A = arith.constant 0 : index
    %swap3A_596 = arith.constant 0 : index
    %swap3A_597 = vector.load %arg10[%swap3A, %swap3A_596] : memref<1000x8xf32, #tpu.memory_space<vmem>>, vector<1000x8xf32>
    tpu.vector_store %arg10[%swap3A, %swap3A_596], %add3A_595 {strides = array<i32>} : memref<1000x8xf32, #tpu.memory_space<vmem>>, vector<1000x8xf32>,
    return
  }
  func.func @transform_0(%arg0: i32) -> (i32, i32, i32) {
    %add3A = arith.constant 10 : i32
    %add3A_0 = arith.addi %add3A, %arg0 : i32
    %c0_i32 = arith.constant 0 : i32
    %c0_i32_1 = arith.constant 0 : i32
    %c0_i32_2 = arith.constant 0 : i32
    return %c0_i32, %add3A_0, %c0_i32_1 : i32, i32, i32
  }
  func.func @transform_1(%arg0: i32) -> (i32, i32) {
    %add3A = arith.constant 10 : i32
    %add3A_0 = arith.addi %add3A, %arg0 : i32
    %c0_i32 = arith.constant 0 : i32
    %c0_i32_1 = arith.constant 0 : i32
    return %add3A_0, %c0_i32 : i32, i32
  }
  func.func @transform_2(%arg0: i32) -> (i32, i32) {
    %c0_i32 = arith.constant 0 : i32
    %c0_i32_0 = arith.constant 0 : i32
    %c0_i32_1 = arith.constant 0 : i32
    return %c0_i32, %c0_i32_0 : i32, i32
  }
  func.func @transform_3(%arg0: i32) -> (i32, i32) {
    %c0_i32 = arith.constant 0 : i32
    %c0_i32_0 = arith.constant 0 : i32
    %c0_i32_1 = arith.constant 0 : i32
    return %c0_i32, %c0_i32_0 : i32, i32
  }
  func.func @transform_4(%arg0: i32) -> (i32, i32) {
    %c0_i32 = arith.constant 0 : i32
    %c0_i32_0 = arith.constant 0 : i32
    %c0_i32_1 = arith.constant 0 : i32
    return %c0_i32, %c0_i32_0 : i32, i32
  }
  func.func @transform_5(%arg0: i32) -> (i32, i32) {
    %c0_i32 = arith.constant 0 : i32
    %c0_i32_0 = arith.constant 0 : i32
    %c0_i32_1 = arith.constant 0 : i32
    return %c0_i32, %c0_i32_0 : i32, i32
  }
  func.func @transform_6(%arg0: i32) -> (i32, i32) {
    %c0_i32 = arith.constant 0 : i32
    %c0_i32_0 = arith.constant 0 : i32
    %c0_i32_1 = arith.constant 0 : i32
    return %c0_i32, %c0_i32_0 : i32, i32
  }
  func.func @transform_7(%arg0: i32) -> (i32, i32) {
    %c0_i32 = arith.constant 0 : i32
    %c0_i32_0 = arith.constant 0 : i32
    %c0_i32_1 = arith.constant 0 : i32
    return %c0_i32, %c0_i32_0 : i32, i32
  }
  func.func @transform_8(%arg0: i32) -> (i32, i32) {
    %c0_i32 = arith.constant 0 : i32
    %c0_i32_0 = arith.constant 0 : i32
    %c0_i32_1 = arith.constant 0 : i32
    return %c0_i32, %c0_i32_0 : i32, i32
  }
  func.func @transform_9(%arg0: i32) -> (i32, i32) {
    %c0_i32 = arith.constant 0 : i32
    %c0_i32_0 = arith.constant 0 : i32
    return %arg0, %c0_i32 : i32, i32
  }
}

module attributes {stable_mosaic.version = 14 : i64} {
  func.func @_head_body(%arg0: i32, %arg1: memref<12x1000x128xf32, #tpu.memory_space<vmem>>, %arg2: memref<1000x1xf32, #tpu.memory_space<vmem>>, %arg3: memref<1x128xf32, #tpu.memory_space<vmem>>, %arg4: memref<384x128xbf16, #tpu.memory_space<vmem>>, %arg5: memref<384x128xbf16, #tpu.memory_space<vmem>>, %arg6: memref<1x384xf32, #tpu.memory_space<vmem>>, %arg7: memref<1x384xf32, #tpu.memory_space<vmem>>, %arg8: memref<128x8xf32, #tpu.memory_space<vmem>>, %arg9: memref<1x8xf32, #tpu.memory_space<vmem>>, %arg10: memref<1000x8xf32, #tpu.memory_space<vmem>>) attributes {dimension_semantics = [#tpu.dimension_semantics<arbitrary>], iteration_bounds = array<i64: 10>, scalar_prefetch = 0 : i64, scratch_operands = 0 : i64, tpu.core_type = #tpu.core_type<tc>, window_params = [{transform_indices = @transform_0, window_bounds = array<i64: 12, 1000, 128>}, {transform_indices = @transform_1, window_bounds = array<i64: 1000, 1>}, {pipeline_mode = #tpu.pipeline_mode<synchronous>, transform_indices = @transform_2, window_bounds = array<i64: 1, 128>}, {pipeline_mode = #tpu.pipeline_mode<synchronous>, transform_indices = @transform_3, window_bounds = array<i64: 384, 128>}, {pipeline_mode = #tpu.pipeline_mode<synchronous>, transform_indices = @transform_4, window_bounds = array<i64: 384, 128>}, {pipeline_mode = #tpu.pipeline_mode<synchronous>, transform_indices = @transform_5, window_bounds = array<i64: 1, 384>}, {pipeline_mode = #tpu.pipeline_mode<synchronous>, transform_indices = @transform_6, window_bounds = array<i64: 1, 384>}, {pipeline_mode = #tpu.pipeline_mode<synchronous>, transform_indices = @transform_7, window_bounds = array<i64: 128, 8>}, {pipeline_mode = #tpu.pipeline_mode<synchronous>, transform_indices = @transform_8, window_bounds = array<i64: 1, 8>}, {transform_indices = @transform_9, window_bounds = array<i64: 1000, 8>}]} {
    %get3A = arith.constant 0 : index
    %get3A_0 = arith.constant 0 : index
    %get3A_1 = vector.load %arg2[%get3A, %get3A_0] : memref<1000x1xf32, #tpu.memory_space<vmem>>, vector<1000x1xf32>
    %get3A_2 = arith.constant 0 : index
    %get3A_3 = arith.constant 0 : index
    %get3A_4 = vector.load %arg3[%get3A_2, %get3A_3] : memref<1x128xf32, #tpu.memory_space<vmem>>, vector<1x128xf32>
    %get3A_5 = arith.constant 0 : index
    %get3A_6 = arith.constant 0 : index
    %get3A_7 = vector.load %arg4[%get3A_5, %get3A_6] : memref<384x128xbf16, #tpu.memory_space<vmem>>, vector<384x128xbf16>
    %get3A_8 = arith.constant 0 : index
    %get3A_9 = arith.constant 0 : index
    %get3A_10 = vector.load %arg5[%get3A_8, %get3A_9] : memref<384x128xbf16, #tpu.memory_space<vmem>>, vector<384x128xbf16>
    %get3A_11 = arith.constant 0 : index
    %get3A_12 = arith.constant 0 : index
    %get3A_13 = vector.load %arg6[%get3A_11, %get3A_12] : memref<1x384xf32, #tpu.memory_space<vmem>>, vector<1x384xf32>
    %get3A_14 = arith.constant 0 : index
    %get3A_15 = arith.constant 0 : index
    %get3A_16 = vector.load %arg7[%get3A_14, %get3A_15] : memref<1x384xf32, #tpu.memory_space<vmem>>, vector<1x384xf32>
    %broadcast_in_dim3A = arith.constant 0.000000e+00 : f32
    %broadcast_in_dim3A_17 = vector.broadcast %broadcast_in_dim3A : f32 to vector<1000x128xf32>
    %get3A_18 = arith.constant 0 : index
    %get3A_19 = arith.constant 0 : index
    %get3A_20 = arith.constant 0 : index
    %get3A_21 = vector.load %arg1[%get3A_18, %get3A_19, %get3A_20] : memref<12x1000x128xf32, #tpu.memory_space<vmem>>, vector<1x1000x128xf32>
    %get3A_22 = vector.shape_cast %get3A_21 : vector<1x1000x128xf32> to vector<1000x128xf32>
    %mul3A = vector.broadcast %get3A_1 : vector<1000x1xf32> to vector<1000x128xf32>
    %mul3A_23 = arith.mulf %get3A_22, %mul3A : vector<1000x128xf32>
    %add3A = vector.broadcast %get3A_4 : vector<1x128xf32> to vector<1000x128xf32>
    %add3A_24 = arith.addf %mul3A_23, %add3A : vector<1000x128xf32>
    %convert_element_type3A = arith.truncf %add3A_24 : vector<1000x128xf32> to vector<1000x128xbf16>
    %dot_general3A = arith.constant dense<0.000000e+00> : vector<1000x384xf32>
    %dot_general3A_25 = tpu.matmul %convert_element_type3A, %get3A_7, %dot_general3A {dimension_numbers = #tpu.dot_dimension_numbers<[1], [1], [0], [0], [0, 0, 1, 0], [], []>, transpose_lhs_hint = false} : vector<1000x128xbf16>, vector<384x128xbf16>, vector<1000x384xf32> -> vector<1000x384xf32>
    %add3A_26 = vector.broadcast %get3A_13 : vector<1x384xf32> to vector<1000x384xf32>
    %add3A_27 = arith.addf %dot_general3A_25, %add3A_26 : vector<1000x384xf32>
    %convert_element_type3A_28 = arith.truncf %broadcast_in_dim3A_17 : vector<1000x128xf32> to vector<1000x128xbf16>
    %dot_general3A_29 = arith.constant dense<0.000000e+00> : vector<1000x384xf32>
    %dot_general3A_30 = tpu.matmul %convert_element_type3A_28, %get3A_10, %dot_general3A_29 {dimension_numbers = #tpu.dot_dimension_numbers<[1], [1], [0], [0], [0, 0, 1, 0], [], []>, transpose_lhs_hint = false} : vector<1000x128xbf16>, vector<384x128xbf16>, vector<1000x384xf32> -> vector<1000x384xf32>
    %add3A_31 = vector.broadcast %get3A_16 : vector<1x384xf32> to vector<1000x384xf32>
    %add3A_32 = arith.addf %dot_general3A_30, %add3A_31 : vector<1000x384xf32>
    %slice3A = vector.extract_strided_slice %add3A_27 {offsets = [0, 0], sizes = [1000, 128], strides = [1, 1]} : vector<1000x384xf32> to vector<1000x128xf32>
    %slice3A_33 = vector.extract_strided_slice %add3A_32 {offsets = [0, 0], sizes = [1000, 128], strides = [1, 1]} : vector<1000x384xf32> to vector<1000x128xf32>
    %add3A_34 = arith.addf %slice3A, %slice3A_33 : vector<1000x128xf32>
    %logistic3A = arith.negf %add3A_34 : vector<1000x128xf32>
    %logistic3A_35 = math.exp %logistic3A : vector<1000x128xf32>
    %logistic3A_36 = arith.constant 1.000000e+00 : f32
    %logistic3A_37 = vector.broadcast %logistic3A_36 : f32 to vector<1000x128xf32>
    %logistic3A_38 = arith.addf %logistic3A_37, %logistic3A_35 : vector<1000x128xf32>
    %logistic3A_39 = arith.divf %logistic3A_37, %logistic3A_38 : vector<1000x128xf32>
    %slice3A_40 = vector.extract_strided_slice %add3A_27 {offsets = [0, 128], sizes = [1000, 128], strides = [1, 1]} : vector<1000x384xf32> to vector<1000x128xf32>
    %slice3A_41 = vector.extract_strided_slice %add3A_32 {offsets = [0, 128], sizes = [1000, 128], strides = [1, 1]} : vector<1000x384xf32> to vector<1000x128xf32>
    %add3A_42 = arith.addf %slice3A_40, %slice3A_41 : vector<1000x128xf32>
    %logistic3A_43 = arith.negf %add3A_42 : vector<1000x128xf32>
    %logistic3A_44 = math.exp %logistic3A_43 : vector<1000x128xf32>
    %logistic3A_45 = arith.constant 1.000000e+00 : f32
    %logistic3A_46 = vector.broadcast %logistic3A_45 : f32 to vector<1000x128xf32>
    %logistic3A_47 = arith.addf %logistic3A_46, %logistic3A_44 : vector<1000x128xf32>
    %logistic3A_48 = arith.divf %logistic3A_46, %logistic3A_47 : vector<1000x128xf32>
    %slice3A_49 = vector.extract_strided_slice %add3A_27 {offsets = [0, 256], sizes = [1000, 128], strides = [1, 1]} : vector<1000x384xf32> to vector<1000x128xf32>
    %slice3A_50 = vector.extract_strided_slice %add3A_32 {offsets = [0, 256], sizes = [1000, 128], strides = [1, 1]} : vector<1000x384xf32> to vector<1000x128xf32>
    %mul3A_51 = arith.mulf %logistic3A_39, %slice3A_50 : vector<1000x128xf32>
    %add3A_52 = arith.addf %slice3A_49, %mul3A_51 : vector<1000x128xf32>
    %tanh3A = math.tanh %add3A_52 : vector<1000x128xf32>
    %sub3A = arith.constant 1.000000e+00 : f32
    %sub3A_53 = vector.broadcast %sub3A : f32 to vector<1000x128xf32>
    %sub3A_54 = arith.subf %sub3A_53, %logistic3A_48 : vector<1000x128xf32>
    %mul3A_55 = arith.mulf %sub3A_54, %tanh3A : vector<1000x128xf32>
    %mul3A_56 = arith.mulf %logistic3A_48, %broadcast_in_dim3A_17 : vector<1000x128xf32>
    %add3A_57 = arith.addf %mul3A_55, %mul3A_56 : vector<1000x128xf32>
    %get3A_58 = arith.constant 1 : index
    %get3A_59 = arith.constant 0 : index
    %get3A_60 = arith.constant 0 : index
    %get3A_61 = vector.load %arg1[%get3A_58, %get3A_59, %get3A_60] : memref<12x1000x128xf32, #tpu.memory_space<vmem>>, vector<1x1000x128xf32>
    %get3A_62 = vector.shape_cast %get3A_61 : vector<1x1000x128xf32> to vector<1000x128xf32>
    %mul3A_63 = vector.broadcast %get3A_1 : vector<1000x1xf32> to vector<1000x128xf32>
    %mul3A_64 = arith.mulf %get3A_62, %mul3A_63 : vector<1000x128xf32>
    %add3A_65 = vector.broadcast %get3A_4 : vector<1x128xf32> to vector<1000x128xf32>
    %add3A_66 = arith.addf %mul3A_64, %add3A_65 : vector<1000x128xf32>
    %convert_element_type3A_67 = arith.truncf %add3A_66 : vector<1000x128xf32> to vector<1000x128xbf16>
    %dot_general3A_68 = arith.constant dense<0.000000e+00> : vector<1000x384xf32>
    %dot_general3A_69 = tpu.matmul %convert_element_type3A_67, %get3A_7, %dot_general3A_68 {dimension_numbers = #tpu.dot_dimension_numbers<[1], [1], [0], [0], [0, 0, 1, 0], [], []>, transpose_lhs_hint = false} : vector<1000x128xbf16>, vector<384x128xbf16>, vector<1000x384xf32> -> vector<1000x384xf32>
    %add3A_70 = vector.broadcast %get3A_13 : vector<1x384xf32> to vector<1000x384xf32>
    %add3A_71 = arith.addf %dot_general3A_69, %add3A_70 : vector<1000x384xf32>
    %convert_element_type3A_72 = arith.truncf %add3A_57 : vector<1000x128xf32> to vector<1000x128xbf16>
    %dot_general3A_73 = arith.constant dense<0.000000e+00> : vector<1000x384xf32>
    %dot_general3A_74 = tpu.matmul %convert_element_type3A_72, %get3A_10, %dot_general3A_73 {dimension_numbers = #tpu.dot_dimension_numbers<[1], [1], [0], [0], [0, 0, 1, 0], [], []>, transpose_lhs_hint = false} : vector<1000x128xbf16>, vector<384x128xbf16>, vector<1000x384xf32> -> vector<1000x384xf32>
    %add3A_75 = vector.broadcast %get3A_16 : vector<1x384xf32> to vector<1000x384xf32>
    %add3A_76 = arith.addf %dot_general3A_74, %add3A_75 : vector<1000x384xf32>
    %slice3A_77 = vector.extract_strided_slice %add3A_71 {offsets = [0, 0], sizes = [1000, 128], strides = [1, 1]} : vector<1000x384xf32> to vector<1000x128xf32>
    %slice3A_78 = vector.extract_strided_slice %add3A_76 {offsets = [0, 0], sizes = [1000, 128], strides = [1, 1]} : vector<1000x384xf32> to vector<1000x128xf32>
    %add3A_79 = arith.addf %slice3A_77, %slice3A_78 : vector<1000x128xf32>
    %logistic3A_80 = arith.negf %add3A_79 : vector<1000x128xf32>
    %logistic3A_81 = math.exp %logistic3A_80 : vector<1000x128xf32>
    %logistic3A_82 = arith.constant 1.000000e+00 : f32
    %logistic3A_83 = vector.broadcast %logistic3A_82 : f32 to vector<1000x128xf32>
    %logistic3A_84 = arith.addf %logistic3A_83, %logistic3A_81 : vector<1000x128xf32>
    %logistic3A_85 = arith.divf %logistic3A_83, %logistic3A_84 : vector<1000x128xf32>
    %slice3A_86 = vector.extract_strided_slice %add3A_71 {offsets = [0, 128], sizes = [1000, 128], strides = [1, 1]} : vector<1000x384xf32> to vector<1000x128xf32>
    %slice3A_87 = vector.extract_strided_slice %add3A_76 {offsets = [0, 128], sizes = [1000, 128], strides = [1, 1]} : vector<1000x384xf32> to vector<1000x128xf32>
    %add3A_88 = arith.addf %slice3A_86, %slice3A_87 : vector<1000x128xf32>
    %logistic3A_89 = arith.negf %add3A_88 : vector<1000x128xf32>
    %logistic3A_90 = math.exp %logistic3A_89 : vector<1000x128xf32>
    %logistic3A_91 = arith.constant 1.000000e+00 : f32
    %logistic3A_92 = vector.broadcast %logistic3A_91 : f32 to vector<1000x128xf32>
    %logistic3A_93 = arith.addf %logistic3A_92, %logistic3A_90 : vector<1000x128xf32>
    %logistic3A_94 = arith.divf %logistic3A_92, %logistic3A_93 : vector<1000x128xf32>
    %slice3A_95 = vector.extract_strided_slice %add3A_71 {offsets = [0, 256], sizes = [1000, 128], strides = [1, 1]} : vector<1000x384xf32> to vector<1000x128xf32>
    %slice3A_96 = vector.extract_strided_slice %add3A_76 {offsets = [0, 256], sizes = [1000, 128], strides = [1, 1]} : vector<1000x384xf32> to vector<1000x128xf32>
    %mul3A_97 = arith.mulf %logistic3A_85, %slice3A_96 : vector<1000x128xf32>
    %add3A_98 = arith.addf %slice3A_95, %mul3A_97 : vector<1000x128xf32>
    %tanh3A_99 = math.tanh %add3A_98 : vector<1000x128xf32>
    %sub3A_100 = arith.constant 1.000000e+00 : f32
    %sub3A_101 = vector.broadcast %sub3A_100 : f32 to vector<1000x128xf32>
    %sub3A_102 = arith.subf %sub3A_101, %logistic3A_94 : vector<1000x128xf32>
    %mul3A_103 = arith.mulf %sub3A_102, %tanh3A_99 : vector<1000x128xf32>
    %mul3A_104 = arith.mulf %logistic3A_94, %add3A_57 : vector<1000x128xf32>
    %add3A_105 = arith.addf %mul3A_103, %mul3A_104 : vector<1000x128xf32>
    %get3A_106 = arith.constant 2 : index
    %get3A_107 = arith.constant 0 : index
    %get3A_108 = arith.constant 0 : index
    %get3A_109 = vector.load %arg1[%get3A_106, %get3A_107, %get3A_108] : memref<12x1000x128xf32, #tpu.memory_space<vmem>>, vector<1x1000x128xf32>
    %get3A_110 = vector.shape_cast %get3A_109 : vector<1x1000x128xf32> to vector<1000x128xf32>
    %mul3A_111 = vector.broadcast %get3A_1 : vector<1000x1xf32> to vector<1000x128xf32>
    %mul3A_112 = arith.mulf %get3A_110, %mul3A_111 : vector<1000x128xf32>
    %add3A_113 = vector.broadcast %get3A_4 : vector<1x128xf32> to vector<1000x128xf32>
    %add3A_114 = arith.addf %mul3A_112, %add3A_113 : vector<1000x128xf32>
    %convert_element_type3A_115 = arith.truncf %add3A_114 : vector<1000x128xf32> to vector<1000x128xbf16>
    %dot_general3A_116 = arith.constant dense<0.000000e+00> : vector<1000x384xf32>
    %dot_general3A_117 = tpu.matmul %convert_element_type3A_115, %get3A_7, %dot_general3A_116 {dimension_numbers = #tpu.dot_dimension_numbers<[1], [1], [0], [0], [0, 0, 1, 0], [], []>, transpose_lhs_hint = false} : vector<1000x128xbf16>, vector<384x128xbf16>, vector<1000x384xf32> -> vector<1000x384xf32>
    %add3A_118 = vector.broadcast %get3A_13 : vector<1x384xf32> to vector<1000x384xf32>
    %add3A_119 = arith.addf %dot_general3A_117, %add3A_118 : vector<1000x384xf32>
    %convert_element_type3A_120 = arith.truncf %add3A_105 : vector<1000x128xf32> to vector<1000x128xbf16>
    %dot_general3A_121 = arith.constant dense<0.000000e+00> : vector<1000x384xf32>
    %dot_general3A_122 = tpu.matmul %convert_element_type3A_120, %get3A_10, %dot_general3A_121 {dimension_numbers = #tpu.dot_dimension_numbers<[1], [1], [0], [0], [0, 0, 1, 0], [], []>, transpose_lhs_hint = false} : vector<1000x128xbf16>, vector<384x128xbf16>, vector<1000x384xf32> -> vector<1000x384xf32>
    %add3A_123 = vector.broadcast %get3A_16 : vector<1x384xf32> to vector<1000x384xf32>
    %add3A_124 = arith.addf %dot_general3A_122, %add3A_123 : vector<1000x384xf32>
    %slice3A_125 = vector.extract_strided_slice %add3A_119 {offsets = [0, 0], sizes = [1000, 128], strides = [1, 1]} : vector<1000x384xf32> to vector<1000x128xf32>
    %slice3A_126 = vector.extract_strided_slice %add3A_124 {offsets = [0, 0], sizes = [1000, 128], strides = [1, 1]} : vector<1000x384xf32> to vector<1000x128xf32>
    %add3A_127 = arith.addf %slice3A_125, %slice3A_126 : vector<1000x128xf32>
    %logistic3A_128 = arith.negf %add3A_127 : vector<1000x128xf32>
    %logistic3A_129 = math.exp %logistic3A_128 : vector<1000x128xf32>
    %logistic3A_130 = arith.constant 1.000000e+00 : f32
    %logistic3A_131 = vector.broadcast %logistic3A_130 : f32 to vector<1000x128xf32>
    %logistic3A_132 = arith.addf %logistic3A_131, %logistic3A_129 : vector<1000x128xf32>
    %logistic3A_133 = arith.divf %logistic3A_131, %logistic3A_132 : vector<1000x128xf32>
    %slice3A_134 = vector.extract_strided_slice %add3A_119 {offsets = [0, 128], sizes = [1000, 128], strides = [1, 1]} : vector<1000x384xf32> to vector<1000x128xf32>
    %slice3A_135 = vector.extract_strided_slice %add3A_124 {offsets = [0, 128], sizes = [1000, 128], strides = [1, 1]} : vector<1000x384xf32> to vector<1000x128xf32>
    %add3A_136 = arith.addf %slice3A_134, %slice3A_135 : vector<1000x128xf32>
    %logistic3A_137 = arith.negf %add3A_136 : vector<1000x128xf32>
    %logistic3A_138 = math.exp %logistic3A_137 : vector<1000x128xf32>
    %logistic3A_139 = arith.constant 1.000000e+00 : f32
    %logistic3A_140 = vector.broadcast %logistic3A_139 : f32 to vector<1000x128xf32>
    %logistic3A_141 = arith.addf %logistic3A_140, %logistic3A_138 : vector<1000x128xf32>
    %logistic3A_142 = arith.divf %logistic3A_140, %logistic3A_141 : vector<1000x128xf32>
    %slice3A_143 = vector.extract_strided_slice %add3A_119 {offsets = [0, 256], sizes = [1000, 128], strides = [1, 1]} : vector<1000x384xf32> to vector<1000x128xf32>
    %slice3A_144 = vector.extract_strided_slice %add3A_124 {offsets = [0, 256], sizes = [1000, 128], strides = [1, 1]} : vector<1000x384xf32> to vector<1000x128xf32>
    %mul3A_145 = arith.mulf %logistic3A_133, %slice3A_144 : vector<1000x128xf32>
    %add3A_146 = arith.addf %slice3A_143, %mul3A_145 : vector<1000x128xf32>
    %tanh3A_147 = math.tanh %add3A_146 : vector<1000x128xf32>
    %sub3A_148 = arith.constant 1.000000e+00 : f32
    %sub3A_149 = vector.broadcast %sub3A_148 : f32 to vector<1000x128xf32>
    %sub3A_150 = arith.subf %sub3A_149, %logistic3A_142 : vector<1000x128xf32>
    %mul3A_151 = arith.mulf %sub3A_150, %tanh3A_147 : vector<1000x128xf32>
    %mul3A_152 = arith.mulf %logistic3A_142, %add3A_105 : vector<1000x128xf32>
    %add3A_153 = arith.addf %mul3A_151, %mul3A_152 : vector<1000x128xf32>
    %get3A_154 = arith.constant 3 : index
    %get3A_155 = arith.constant 0 : index
    %get3A_156 = arith.constant 0 : index
    %get3A_157 = vector.load %arg1[%get3A_154, %get3A_155, %get3A_156] : memref<12x1000x128xf32, #tpu.memory_space<vmem>>, vector<1x1000x128xf32>
    %get3A_158 = vector.shape_cast %get3A_157 : vector<1x1000x128xf32> to vector<1000x128xf32>
    %mul3A_159 = vector.broadcast %get3A_1 : vector<1000x1xf32> to vector<1000x128xf32>
    %mul3A_160 = arith.mulf %get3A_158, %mul3A_159 : vector<1000x128xf32>
    %add3A_161 = vector.broadcast %get3A_4 : vector<1x128xf32> to vector<1000x128xf32>
    %add3A_162 = arith.addf %mul3A_160, %add3A_161 : vector<1000x128xf32>
    %convert_element_type3A_163 = arith.truncf %add3A_162 : vector<1000x128xf32> to vector<1000x128xbf16>
    %dot_general3A_164 = arith.constant dense<0.000000e+00> : vector<1000x384xf32>
    %dot_general3A_165 = tpu.matmul %convert_element_type3A_163, %get3A_7, %dot_general3A_164 {dimension_numbers = #tpu.dot_dimension_numbers<[1], [1], [0], [0], [0, 0, 1, 0], [], []>, transpose_lhs_hint = false} : vector<1000x128xbf16>, vector<384x128xbf16>, vector<1000x384xf32> -> vector<1000x384xf32>
    %add3A_166 = vector.broadcast %get3A_13 : vector<1x384xf32> to vector<1000x384xf32>
    %add3A_167 = arith.addf %dot_general3A_165, %add3A_166 : vector<1000x384xf32>
    %convert_element_type3A_168 = arith.truncf %add3A_153 : vector<1000x128xf32> to vector<1000x128xbf16>
    %dot_general3A_169 = arith.constant dense<0.000000e+00> : vector<1000x384xf32>
    %dot_general3A_170 = tpu.matmul %convert_element_type3A_168, %get3A_10, %dot_general3A_169 {dimension_numbers = #tpu.dot_dimension_numbers<[1], [1], [0], [0], [0, 0, 1, 0], [], []>, transpose_lhs_hint = false} : vector<1000x128xbf16>, vector<384x128xbf16>, vector<1000x384xf32> -> vector<1000x384xf32>
    %add3A_171 = vector.broadcast %get3A_16 : vector<1x384xf32> to vector<1000x384xf32>
    %add3A_172 = arith.addf %dot_general3A_170, %add3A_171 : vector<1000x384xf32>
    %slice3A_173 = vector.extract_strided_slice %add3A_167 {offsets = [0, 0], sizes = [1000, 128], strides = [1, 1]} : vector<1000x384xf32> to vector<1000x128xf32>
    %slice3A_174 = vector.extract_strided_slice %add3A_172 {offsets = [0, 0], sizes = [1000, 128], strides = [1, 1]} : vector<1000x384xf32> to vector<1000x128xf32>
    %add3A_175 = arith.addf %slice3A_173, %slice3A_174 : vector<1000x128xf32>
    %logistic3A_176 = arith.negf %add3A_175 : vector<1000x128xf32>
    %logistic3A_177 = math.exp %logistic3A_176 : vector<1000x128xf32>
    %logistic3A_178 = arith.constant 1.000000e+00 : f32
    %logistic3A_179 = vector.broadcast %logistic3A_178 : f32 to vector<1000x128xf32>
    %logistic3A_180 = arith.addf %logistic3A_179, %logistic3A_177 : vector<1000x128xf32>
    %logistic3A_181 = arith.divf %logistic3A_179, %logistic3A_180 : vector<1000x128xf32>
    %slice3A_182 = vector.extract_strided_slice %add3A_167 {offsets = [0, 128], sizes = [1000, 128], strides = [1, 1]} : vector<1000x384xf32> to vector<1000x128xf32>
    %slice3A_183 = vector.extract_strided_slice %add3A_172 {offsets = [0, 128], sizes = [1000, 128], strides = [1, 1]} : vector<1000x384xf32> to vector<1000x128xf32>
    %add3A_184 = arith.addf %slice3A_182, %slice3A_183 : vector<1000x128xf32>
    %logistic3A_185 = arith.negf %add3A_184 : vector<1000x128xf32>
    %logistic3A_186 = math.exp %logistic3A_185 : vector<1000x128xf32>
    %logistic3A_187 = arith.constant 1.000000e+00 : f32
    %logistic3A_188 = vector.broadcast %logistic3A_187 : f32 to vector<1000x128xf32>
    %logistic3A_189 = arith.addf %logistic3A_188, %logistic3A_186 : vector<1000x128xf32>
    %logistic3A_190 = arith.divf %logistic3A_188, %logistic3A_189 : vector<1000x128xf32>
    %slice3A_191 = vector.extract_strided_slice %add3A_167 {offsets = [0, 256], sizes = [1000, 128], strides = [1, 1]} : vector<1000x384xf32> to vector<1000x128xf32>
    %slice3A_192 = vector.extract_strided_slice %add3A_172 {offsets = [0, 256], sizes = [1000, 128], strides = [1, 1]} : vector<1000x384xf32> to vector<1000x128xf32>
    %mul3A_193 = arith.mulf %logistic3A_181, %slice3A_192 : vector<1000x128xf32>
    %add3A_194 = arith.addf %slice3A_191, %mul3A_193 : vector<1000x128xf32>
    %tanh3A_195 = math.tanh %add3A_194 : vector<1000x128xf32>
    %sub3A_196 = arith.constant 1.000000e+00 : f32
    %sub3A_197 = vector.broadcast %sub3A_196 : f32 to vector<1000x128xf32>
    %sub3A_198 = arith.subf %sub3A_197, %logistic3A_190 : vector<1000x128xf32>
    %mul3A_199 = arith.mulf %sub3A_198, %tanh3A_195 : vector<1000x128xf32>
    %mul3A_200 = arith.mulf %logistic3A_190, %add3A_153 : vector<1000x128xf32>
    %add3A_201 = arith.addf %mul3A_199, %mul3A_200 : vector<1000x128xf32>
    %get3A_202 = arith.constant 4 : index
    %get3A_203 = arith.constant 0 : index
    %get3A_204 = arith.constant 0 : index
    %get3A_205 = vector.load %arg1[%get3A_202, %get3A_203, %get3A_204] : memref<12x1000x128xf32, #tpu.memory_space<vmem>>, vector<1x1000x128xf32>
    %get3A_206 = vector.shape_cast %get3A_205 : vector<1x1000x128xf32> to vector<1000x128xf32>
    %mul3A_207 = vector.broadcast %get3A_1 : vector<1000x1xf32> to vector<1000x128xf32>
    %mul3A_208 = arith.mulf %get3A_206, %mul3A_207 : vector<1000x128xf32>
    %add3A_209 = vector.broadcast %get3A_4 : vector<1x128xf32> to vector<1000x128xf32>
    %add3A_210 = arith.addf %mul3A_208, %add3A_209 : vector<1000x128xf32>
    %convert_element_type3A_211 = arith.truncf %add3A_210 : vector<1000x128xf32> to vector<1000x128xbf16>
    %dot_general3A_212 = arith.constant dense<0.000000e+00> : vector<1000x384xf32>
    %dot_general3A_213 = tpu.matmul %convert_element_type3A_211, %get3A_7, %dot_general3A_212 {dimension_numbers = #tpu.dot_dimension_numbers<[1], [1], [0], [0], [0, 0, 1, 0], [], []>, transpose_lhs_hint = false} : vector<1000x128xbf16>, vector<384x128xbf16>, vector<1000x384xf32> -> vector<1000x384xf32>
    %add3A_214 = vector.broadcast %get3A_13 : vector<1x384xf32> to vector<1000x384xf32>
    %add3A_215 = arith.addf %dot_general3A_213, %add3A_214 : vector<1000x384xf32>
    %convert_element_type3A_216 = arith.truncf %add3A_201 : vector<1000x128xf32> to vector<1000x128xbf16>
    %dot_general3A_217 = arith.constant dense<0.000000e+00> : vector<1000x384xf32>
    %dot_general3A_218 = tpu.matmul %convert_element_type3A_216, %get3A_10, %dot_general3A_217 {dimension_numbers = #tpu.dot_dimension_numbers<[1], [1], [0], [0], [0, 0, 1, 0], [], []>, transpose_lhs_hint = false} : vector<1000x128xbf16>, vector<384x128xbf16>, vector<1000x384xf32> -> vector<1000x384xf32>
    %add3A_219 = vector.broadcast %get3A_16 : vector<1x384xf32> to vector<1000x384xf32>
    %add3A_220 = arith.addf %dot_general3A_218, %add3A_219 : vector<1000x384xf32>
    %slice3A_221 = vector.extract_strided_slice %add3A_215 {offsets = [0, 0], sizes = [1000, 128], strides = [1, 1]} : vector<1000x384xf32> to vector<1000x128xf32>
    %slice3A_222 = vector.extract_strided_slice %add3A_220 {offsets = [0, 0], sizes = [1000, 128], strides = [1, 1]} : vector<1000x384xf32> to vector<1000x128xf32>
    %add3A_223 = arith.addf %slice3A_221, %slice3A_222 : vector<1000x128xf32>
    %logistic3A_224 = arith.negf %add3A_223 : vector<1000x128xf32>
    %logistic3A_225 = math.exp %logistic3A_224 : vector<1000x128xf32>
    %logistic3A_226 = arith.constant 1.000000e+00 : f32
    %logistic3A_227 = vector.broadcast %logistic3A_226 : f32 to vector<1000x128xf32>
    %logistic3A_228 = arith.addf %logistic3A_227, %logistic3A_225 : vector<1000x128xf32>
    %logistic3A_229 = arith.divf %logistic3A_227, %logistic3A_228 : vector<1000x128xf32>
    %slice3A_230 = vector.extract_strided_slice %add3A_215 {offsets = [0, 128], sizes = [1000, 128], strides = [1, 1]} : vector<1000x384xf32> to vector<1000x128xf32>
    %slice3A_231 = vector.extract_strided_slice %add3A_220 {offsets = [0, 128], sizes = [1000, 128], strides = [1, 1]} : vector<1000x384xf32> to vector<1000x128xf32>
    %add3A_232 = arith.addf %slice3A_230, %slice3A_231 : vector<1000x128xf32>
    %logistic3A_233 = arith.negf %add3A_232 : vector<1000x128xf32>
    %logistic3A_234 = math.exp %logistic3A_233 : vector<1000x128xf32>
    %logistic3A_235 = arith.constant 1.000000e+00 : f32
    %logistic3A_236 = vector.broadcast %logistic3A_235 : f32 to vector<1000x128xf32>
    %logistic3A_237 = arith.addf %logistic3A_236, %logistic3A_234 : vector<1000x128xf32>
    %logistic3A_238 = arith.divf %logistic3A_236, %logistic3A_237 : vector<1000x128xf32>
    %slice3A_239 = vector.extract_strided_slice %add3A_215 {offsets = [0, 256], sizes = [1000, 128], strides = [1, 1]} : vector<1000x384xf32> to vector<1000x128xf32>
    %slice3A_240 = vector.extract_strided_slice %add3A_220 {offsets = [0, 256], sizes = [1000, 128], strides = [1, 1]} : vector<1000x384xf32> to vector<1000x128xf32>
    %mul3A_241 = arith.mulf %logistic3A_229, %slice3A_240 : vector<1000x128xf32>
    %add3A_242 = arith.addf %slice3A_239, %mul3A_241 : vector<1000x128xf32>
    %tanh3A_243 = math.tanh %add3A_242 : vector<1000x128xf32>
    %sub3A_244 = arith.constant 1.000000e+00 : f32
    %sub3A_245 = vector.broadcast %sub3A_244 : f32 to vector<1000x128xf32>
    %sub3A_246 = arith.subf %sub3A_245, %logistic3A_238 : vector<1000x128xf32>
    %mul3A_247 = arith.mulf %sub3A_246, %tanh3A_243 : vector<1000x128xf32>
    %mul3A_248 = arith.mulf %logistic3A_238, %add3A_201 : vector<1000x128xf32>
    %add3A_249 = arith.addf %mul3A_247, %mul3A_248 : vector<1000x128xf32>
    %get3A_250 = arith.constant 5 : index
    %get3A_251 = arith.constant 0 : index
    %get3A_252 = arith.constant 0 : index
    %get3A_253 = vector.load %arg1[%get3A_250, %get3A_251, %get3A_252] : memref<12x1000x128xf32, #tpu.memory_space<vmem>>, vector<1x1000x128xf32>
    %get3A_254 = vector.shape_cast %get3A_253 : vector<1x1000x128xf32> to vector<1000x128xf32>
    %mul3A_255 = vector.broadcast %get3A_1 : vector<1000x1xf32> to vector<1000x128xf32>
    %mul3A_256 = arith.mulf %get3A_254, %mul3A_255 : vector<1000x128xf32>
    %add3A_257 = vector.broadcast %get3A_4 : vector<1x128xf32> to vector<1000x128xf32>
    %add3A_258 = arith.addf %mul3A_256, %add3A_257 : vector<1000x128xf32>
    %convert_element_type3A_259 = arith.truncf %add3A_258 : vector<1000x128xf32> to vector<1000x128xbf16>
    %dot_general3A_260 = arith.constant dense<0.000000e+00> : vector<1000x384xf32>
    %dot_general3A_261 = tpu.matmul %convert_element_type3A_259, %get3A_7, %dot_general3A_260 {dimension_numbers = #tpu.dot_dimension_numbers<[1], [1], [0], [0], [0, 0, 1, 0], [], []>, transpose_lhs_hint = false} : vector<1000x128xbf16>, vector<384x128xbf16>, vector<1000x384xf32> -> vector<1000x384xf32>
    %add3A_262 = vector.broadcast %get3A_13 : vector<1x384xf32> to vector<1000x384xf32>
    %add3A_263 = arith.addf %dot_general3A_261, %add3A_262 : vector<1000x384xf32>
    %convert_element_type3A_264 = arith.truncf %add3A_249 : vector<1000x128xf32> to vector<1000x128xbf16>
    %dot_general3A_265 = arith.constant dense<0.000000e+00> : vector<1000x384xf32>
    %dot_general3A_266 = tpu.matmul %convert_element_type3A_264, %get3A_10, %dot_general3A_265 {dimension_numbers = #tpu.dot_dimension_numbers<[1], [1], [0], [0], [0, 0, 1, 0], [], []>, transpose_lhs_hint = false} : vector<1000x128xbf16>, vector<384x128xbf16>, vector<1000x384xf32> -> vector<1000x384xf32>
    %add3A_267 = vector.broadcast %get3A_16 : vector<1x384xf32> to vector<1000x384xf32>
    %add3A_268 = arith.addf %dot_general3A_266, %add3A_267 : vector<1000x384xf32>
    %slice3A_269 = vector.extract_strided_slice %add3A_263 {offsets = [0, 0], sizes = [1000, 128], strides = [1, 1]} : vector<1000x384xf32> to vector<1000x128xf32>
    %slice3A_270 = vector.extract_strided_slice %add3A_268 {offsets = [0, 0], sizes = [1000, 128], strides = [1, 1]} : vector<1000x384xf32> to vector<1000x128xf32>
    %add3A_271 = arith.addf %slice3A_269, %slice3A_270 : vector<1000x128xf32>
    %logistic3A_272 = arith.negf %add3A_271 : vector<1000x128xf32>
    %logistic3A_273 = math.exp %logistic3A_272 : vector<1000x128xf32>
    %logistic3A_274 = arith.constant 1.000000e+00 : f32
    %logistic3A_275 = vector.broadcast %logistic3A_274 : f32 to vector<1000x128xf32>
    %logistic3A_276 = arith.addf %logistic3A_275, %logistic3A_273 : vector<1000x128xf32>
    %logistic3A_277 = arith.divf %logistic3A_275, %logistic3A_276 : vector<1000x128xf32>
    %slice3A_278 = vector.extract_strided_slice %add3A_263 {offsets = [0, 128], sizes = [1000, 128], strides = [1, 1]} : vector<1000x384xf32> to vector<1000x128xf32>
    %slice3A_279 = vector.extract_strided_slice %add3A_268 {offsets = [0, 128], sizes = [1000, 128], strides = [1, 1]} : vector<1000x384xf32> to vector<1000x128xf32>
    %add3A_280 = arith.addf %slice3A_278, %slice3A_279 : vector<1000x128xf32>
    %logistic3A_281 = arith.negf %add3A_280 : vector<1000x128xf32>
    %logistic3A_282 = math.exp %logistic3A_281 : vector<1000x128xf32>
    %logistic3A_283 = arith.constant 1.000000e+00 : f32
    %logistic3A_284 = vector.broadcast %logistic3A_283 : f32 to vector<1000x128xf32>
    %logistic3A_285 = arith.addf %logistic3A_284, %logistic3A_282 : vector<1000x128xf32>
    %logistic3A_286 = arith.divf %logistic3A_284, %logistic3A_285 : vector<1000x128xf32>
    %slice3A_287 = vector.extract_strided_slice %add3A_263 {offsets = [0, 256], sizes = [1000, 128], strides = [1, 1]} : vector<1000x384xf32> to vector<1000x128xf32>
    %slice3A_288 = vector.extract_strided_slice %add3A_268 {offsets = [0, 256], sizes = [1000, 128], strides = [1, 1]} : vector<1000x384xf32> to vector<1000x128xf32>
    %mul3A_289 = arith.mulf %logistic3A_277, %slice3A_288 : vector<1000x128xf32>
    %add3A_290 = arith.addf %slice3A_287, %mul3A_289 : vector<1000x128xf32>
    %tanh3A_291 = math.tanh %add3A_290 : vector<1000x128xf32>
    %sub3A_292 = arith.constant 1.000000e+00 : f32
    %sub3A_293 = vector.broadcast %sub3A_292 : f32 to vector<1000x128xf32>
    %sub3A_294 = arith.subf %sub3A_293, %logistic3A_286 : vector<1000x128xf32>
    %mul3A_295 = arith.mulf %sub3A_294, %tanh3A_291 : vector<1000x128xf32>
    %mul3A_296 = arith.mulf %logistic3A_286, %add3A_249 : vector<1000x128xf32>
    %add3A_297 = arith.addf %mul3A_295, %mul3A_296 : vector<1000x128xf32>
    %get3A_298 = arith.constant 6 : index
    %get3A_299 = arith.constant 0 : index
    %get3A_300 = arith.constant 0 : index
    %get3A_301 = vector.load %arg1[%get3A_298, %get3A_299, %get3A_300] : memref<12x1000x128xf32, #tpu.memory_space<vmem>>, vector<1x1000x128xf32>
    %get3A_302 = vector.shape_cast %get3A_301 : vector<1x1000x128xf32> to vector<1000x128xf32>
    %mul3A_303 = vector.broadcast %get3A_1 : vector<1000x1xf32> to vector<1000x128xf32>
    %mul3A_304 = arith.mulf %get3A_302, %mul3A_303 : vector<1000x128xf32>
    %add3A_305 = vector.broadcast %get3A_4 : vector<1x128xf32> to vector<1000x128xf32>
    %add3A_306 = arith.addf %mul3A_304, %add3A_305 : vector<1000x128xf32>
    %convert_element_type3A_307 = arith.truncf %add3A_306 : vector<1000x128xf32> to vector<1000x128xbf16>
    %dot_general3A_308 = arith.constant dense<0.000000e+00> : vector<1000x384xf32>
    %dot_general3A_309 = tpu.matmul %convert_element_type3A_307, %get3A_7, %dot_general3A_308 {dimension_numbers = #tpu.dot_dimension_numbers<[1], [1], [0], [0], [0, 0, 1, 0], [], []>, transpose_lhs_hint = false} : vector<1000x128xbf16>, vector<384x128xbf16>, vector<1000x384xf32> -> vector<1000x384xf32>
    %add3A_310 = vector.broadcast %get3A_13 : vector<1x384xf32> to vector<1000x384xf32>
    %add3A_311 = arith.addf %dot_general3A_309, %add3A_310 : vector<1000x384xf32>
    %convert_element_type3A_312 = arith.truncf %add3A_297 : vector<1000x128xf32> to vector<1000x128xbf16>
    %dot_general3A_313 = arith.constant dense<0.000000e+00> : vector<1000x384xf32>
    %dot_general3A_314 = tpu.matmul %convert_element_type3A_312, %get3A_10, %dot_general3A_313 {dimension_numbers = #tpu.dot_dimension_numbers<[1], [1], [0], [0], [0, 0, 1, 0], [], []>, transpose_lhs_hint = false} : vector<1000x128xbf16>, vector<384x128xbf16>, vector<1000x384xf32> -> vector<1000x384xf32>
    %add3A_315 = vector.broadcast %get3A_16 : vector<1x384xf32> to vector<1000x384xf32>
    %add3A_316 = arith.addf %dot_general3A_314, %add3A_315 : vector<1000x384xf32>
    %slice3A_317 = vector.extract_strided_slice %add3A_311 {offsets = [0, 0], sizes = [1000, 128], strides = [1, 1]} : vector<1000x384xf32> to vector<1000x128xf32>
    %slice3A_318 = vector.extract_strided_slice %add3A_316 {offsets = [0, 0], sizes = [1000, 128], strides = [1, 1]} : vector<1000x384xf32> to vector<1000x128xf32>
    %add3A_319 = arith.addf %slice3A_317, %slice3A_318 : vector<1000x128xf32>
    %logistic3A_320 = arith.negf %add3A_319 : vector<1000x128xf32>
    %logistic3A_321 = math.exp %logistic3A_320 : vector<1000x128xf32>
    %logistic3A_322 = arith.constant 1.000000e+00 : f32
    %logistic3A_323 = vector.broadcast %logistic3A_322 : f32 to vector<1000x128xf32>
    %logistic3A_324 = arith.addf %logistic3A_323, %logistic3A_321 : vector<1000x128xf32>
    %logistic3A_325 = arith.divf %logistic3A_323, %logistic3A_324 : vector<1000x128xf32>
    %slice3A_326 = vector.extract_strided_slice %add3A_311 {offsets = [0, 128], sizes = [1000, 128], strides = [1, 1]} : vector<1000x384xf32> to vector<1000x128xf32>
    %slice3A_327 = vector.extract_strided_slice %add3A_316 {offsets = [0, 128], sizes = [1000, 128], strides = [1, 1]} : vector<1000x384xf32> to vector<1000x128xf32>
    %add3A_328 = arith.addf %slice3A_326, %slice3A_327 : vector<1000x128xf32>
    %logistic3A_329 = arith.negf %add3A_328 : vector<1000x128xf32>
    %logistic3A_330 = math.exp %logistic3A_329 : vector<1000x128xf32>
    %logistic3A_331 = arith.constant 1.000000e+00 : f32
    %logistic3A_332 = vector.broadcast %logistic3A_331 : f32 to vector<1000x128xf32>
    %logistic3A_333 = arith.addf %logistic3A_332, %logistic3A_330 : vector<1000x128xf32>
    %logistic3A_334 = arith.divf %logistic3A_332, %logistic3A_333 : vector<1000x128xf32>
    %slice3A_335 = vector.extract_strided_slice %add3A_311 {offsets = [0, 256], sizes = [1000, 128], strides = [1, 1]} : vector<1000x384xf32> to vector<1000x128xf32>
    %slice3A_336 = vector.extract_strided_slice %add3A_316 {offsets = [0, 256], sizes = [1000, 128], strides = [1, 1]} : vector<1000x384xf32> to vector<1000x128xf32>
    %mul3A_337 = arith.mulf %logistic3A_325, %slice3A_336 : vector<1000x128xf32>
    %add3A_338 = arith.addf %slice3A_335, %mul3A_337 : vector<1000x128xf32>
    %tanh3A_339 = math.tanh %add3A_338 : vector<1000x128xf32>
    %sub3A_340 = arith.constant 1.000000e+00 : f32
    %sub3A_341 = vector.broadcast %sub3A_340 : f32 to vector<1000x128xf32>
    %sub3A_342 = arith.subf %sub3A_341, %logistic3A_334 : vector<1000x128xf32>
    %mul3A_343 = arith.mulf %sub3A_342, %tanh3A_339 : vector<1000x128xf32>
    %mul3A_344 = arith.mulf %logistic3A_334, %add3A_297 : vector<1000x128xf32>
    %add3A_345 = arith.addf %mul3A_343, %mul3A_344 : vector<1000x128xf32>
    %get3A_346 = arith.constant 7 : index
    %get3A_347 = arith.constant 0 : index
    %get3A_348 = arith.constant 0 : index
    %get3A_349 = vector.load %arg1[%get3A_346, %get3A_347, %get3A_348] : memref<12x1000x128xf32, #tpu.memory_space<vmem>>, vector<1x1000x128xf32>
    %get3A_350 = vector.shape_cast %get3A_349 : vector<1x1000x128xf32> to vector<1000x128xf32>
    %mul3A_351 = vector.broadcast %get3A_1 : vector<1000x1xf32> to vector<1000x128xf32>
    %mul3A_352 = arith.mulf %get3A_350, %mul3A_351 : vector<1000x128xf32>
    %add3A_353 = vector.broadcast %get3A_4 : vector<1x128xf32> to vector<1000x128xf32>
    %add3A_354 = arith.addf %mul3A_352, %add3A_353 : vector<1000x128xf32>
    %convert_element_type3A_355 = arith.truncf %add3A_354 : vector<1000x128xf32> to vector<1000x128xbf16>
    %dot_general3A_356 = arith.constant dense<0.000000e+00> : vector<1000x384xf32>
    %dot_general3A_357 = tpu.matmul %convert_element_type3A_355, %get3A_7, %dot_general3A_356 {dimension_numbers = #tpu.dot_dimension_numbers<[1], [1], [0], [0], [0, 0, 1, 0], [], []>, transpose_lhs_hint = false} : vector<1000x128xbf16>, vector<384x128xbf16>, vector<1000x384xf32> -> vector<1000x384xf32>
    %add3A_358 = vector.broadcast %get3A_13 : vector<1x384xf32> to vector<1000x384xf32>
    %add3A_359 = arith.addf %dot_general3A_357, %add3A_358 : vector<1000x384xf32>
    %convert_element_type3A_360 = arith.truncf %add3A_345 : vector<1000x128xf32> to vector<1000x128xbf16>
    %dot_general3A_361 = arith.constant dense<0.000000e+00> : vector<1000x384xf32>
    %dot_general3A_362 = tpu.matmul %convert_element_type3A_360, %get3A_10, %dot_general3A_361 {dimension_numbers = #tpu.dot_dimension_numbers<[1], [1], [0], [0], [0, 0, 1, 0], [], []>, transpose_lhs_hint = false} : vector<1000x128xbf16>, vector<384x128xbf16>, vector<1000x384xf32> -> vector<1000x384xf32>
    %add3A_363 = vector.broadcast %get3A_16 : vector<1x384xf32> to vector<1000x384xf32>
    %add3A_364 = arith.addf %dot_general3A_362, %add3A_363 : vector<1000x384xf32>
    %slice3A_365 = vector.extract_strided_slice %add3A_359 {offsets = [0, 0], sizes = [1000, 128], strides = [1, 1]} : vector<1000x384xf32> to vector<1000x128xf32>
    %slice3A_366 = vector.extract_strided_slice %add3A_364 {offsets = [0, 0], sizes = [1000, 128], strides = [1, 1]} : vector<1000x384xf32> to vector<1000x128xf32>
    %add3A_367 = arith.addf %slice3A_365, %slice3A_366 : vector<1000x128xf32>
    %logistic3A_368 = arith.negf %add3A_367 : vector<1000x128xf32>
    %logistic3A_369 = math.exp %logistic3A_368 : vector<1000x128xf32>
    %logistic3A_370 = arith.constant 1.000000e+00 : f32
    %logistic3A_371 = vector.broadcast %logistic3A_370 : f32 to vector<1000x128xf32>
    %logistic3A_372 = arith.addf %logistic3A_371, %logistic3A_369 : vector<1000x128xf32>
    %logistic3A_373 = arith.divf %logistic3A_371, %logistic3A_372 : vector<1000x128xf32>
    %slice3A_374 = vector.extract_strided_slice %add3A_359 {offsets = [0, 128], sizes = [1000, 128], strides = [1, 1]} : vector<1000x384xf32> to vector<1000x128xf32>
    %slice3A_375 = vector.extract_strided_slice %add3A_364 {offsets = [0, 128], sizes = [1000, 128], strides = [1, 1]} : vector<1000x384xf32> to vector<1000x128xf32>
    %add3A_376 = arith.addf %slice3A_374, %slice3A_375 : vector<1000x128xf32>
    %logistic3A_377 = arith.negf %add3A_376 : vector<1000x128xf32>
    %logistic3A_378 = math.exp %logistic3A_377 : vector<1000x128xf32>
    %logistic3A_379 = arith.constant 1.000000e+00 : f32
    %logistic3A_380 = vector.broadcast %logistic3A_379 : f32 to vector<1000x128xf32>
    %logistic3A_381 = arith.addf %logistic3A_380, %logistic3A_378 : vector<1000x128xf32>
    %logistic3A_382 = arith.divf %logistic3A_380, %logistic3A_381 : vector<1000x128xf32>
    %slice3A_383 = vector.extract_strided_slice %add3A_359 {offsets = [0, 256], sizes = [1000, 128], strides = [1, 1]} : vector<1000x384xf32> to vector<1000x128xf32>
    %slice3A_384 = vector.extract_strided_slice %add3A_364 {offsets = [0, 256], sizes = [1000, 128], strides = [1, 1]} : vector<1000x384xf32> to vector<1000x128xf32>
    %mul3A_385 = arith.mulf %logistic3A_373, %slice3A_384 : vector<1000x128xf32>
    %add3A_386 = arith.addf %slice3A_383, %mul3A_385 : vector<1000x128xf32>
    %tanh3A_387 = math.tanh %add3A_386 : vector<1000x128xf32>
    %sub3A_388 = arith.constant 1.000000e+00 : f32
    %sub3A_389 = vector.broadcast %sub3A_388 : f32 to vector<1000x128xf32>
    %sub3A_390 = arith.subf %sub3A_389, %logistic3A_382 : vector<1000x128xf32>
    %mul3A_391 = arith.mulf %sub3A_390, %tanh3A_387 : vector<1000x128xf32>
    %mul3A_392 = arith.mulf %logistic3A_382, %add3A_345 : vector<1000x128xf32>
    %add3A_393 = arith.addf %mul3A_391, %mul3A_392 : vector<1000x128xf32>
    %get3A_394 = arith.constant 8 : index
    %get3A_395 = arith.constant 0 : index
    %get3A_396 = arith.constant 0 : index
    %get3A_397 = vector.load %arg1[%get3A_394, %get3A_395, %get3A_396] : memref<12x1000x128xf32, #tpu.memory_space<vmem>>, vector<1x1000x128xf32>
    %get3A_398 = vector.shape_cast %get3A_397 : vector<1x1000x128xf32> to vector<1000x128xf32>
    %mul3A_399 = vector.broadcast %get3A_1 : vector<1000x1xf32> to vector<1000x128xf32>
    %mul3A_400 = arith.mulf %get3A_398, %mul3A_399 : vector<1000x128xf32>
    %add3A_401 = vector.broadcast %get3A_4 : vector<1x128xf32> to vector<1000x128xf32>
    %add3A_402 = arith.addf %mul3A_400, %add3A_401 : vector<1000x128xf32>
    %convert_element_type3A_403 = arith.truncf %add3A_402 : vector<1000x128xf32> to vector<1000x128xbf16>
    %dot_general3A_404 = arith.constant dense<0.000000e+00> : vector<1000x384xf32>
    %dot_general3A_405 = tpu.matmul %convert_element_type3A_403, %get3A_7, %dot_general3A_404 {dimension_numbers = #tpu.dot_dimension_numbers<[1], [1], [0], [0], [0, 0, 1, 0], [], []>, transpose_lhs_hint = false} : vector<1000x128xbf16>, vector<384x128xbf16>, vector<1000x384xf32> -> vector<1000x384xf32>
    %add3A_406 = vector.broadcast %get3A_13 : vector<1x384xf32> to vector<1000x384xf32>
    %add3A_407 = arith.addf %dot_general3A_405, %add3A_406 : vector<1000x384xf32>
    %convert_element_type3A_408 = arith.truncf %add3A_393 : vector<1000x128xf32> to vector<1000x128xbf16>
    %dot_general3A_409 = arith.constant dense<0.000000e+00> : vector<1000x384xf32>
    %dot_general3A_410 = tpu.matmul %convert_element_type3A_408, %get3A_10, %dot_general3A_409 {dimension_numbers = #tpu.dot_dimension_numbers<[1], [1], [0], [0], [0, 0, 1, 0], [], []>, transpose_lhs_hint = false} : vector<1000x128xbf16>, vector<384x128xbf16>, vector<1000x384xf32> -> vector<1000x384xf32>
    %add3A_411 = vector.broadcast %get3A_16 : vector<1x384xf32> to vector<1000x384xf32>
    %add3A_412 = arith.addf %dot_general3A_410, %add3A_411 : vector<1000x384xf32>
    %slice3A_413 = vector.extract_strided_slice %add3A_407 {offsets = [0, 0], sizes = [1000, 128], strides = [1, 1]} : vector<1000x384xf32> to vector<1000x128xf32>
    %slice3A_414 = vector.extract_strided_slice %add3A_412 {offsets = [0, 0], sizes = [1000, 128], strides = [1, 1]} : vector<1000x384xf32> to vector<1000x128xf32>
    %add3A_415 = arith.addf %slice3A_413, %slice3A_414 : vector<1000x128xf32>
    %logistic3A_416 = arith.negf %add3A_415 : vector<1000x128xf32>
    %logistic3A_417 = math.exp %logistic3A_416 : vector<1000x128xf32>
    %logistic3A_418 = arith.constant 1.000000e+00 : f32
    %logistic3A_419 = vector.broadcast %logistic3A_418 : f32 to vector<1000x128xf32>
    %logistic3A_420 = arith.addf %logistic3A_419, %logistic3A_417 : vector<1000x128xf32>
    %logistic3A_421 = arith.divf %logistic3A_419, %logistic3A_420 : vector<1000x128xf32>
    %slice3A_422 = vector.extract_strided_slice %add3A_407 {offsets = [0, 128], sizes = [1000, 128], strides = [1, 1]} : vector<1000x384xf32> to vector<1000x128xf32>
    %slice3A_423 = vector.extract_strided_slice %add3A_412 {offsets = [0, 128], sizes = [1000, 128], strides = [1, 1]} : vector<1000x384xf32> to vector<1000x128xf32>
    %add3A_424 = arith.addf %slice3A_422, %slice3A_423 : vector<1000x128xf32>
    %logistic3A_425 = arith.negf %add3A_424 : vector<1000x128xf32>
    %logistic3A_426 = math.exp %logistic3A_425 : vector<1000x128xf32>
    %logistic3A_427 = arith.constant 1.000000e+00 : f32
    %logistic3A_428 = vector.broadcast %logistic3A_427 : f32 to vector<1000x128xf32>
    %logistic3A_429 = arith.addf %logistic3A_428, %logistic3A_426 : vector<1000x128xf32>
    %logistic3A_430 = arith.divf %logistic3A_428, %logistic3A_429 : vector<1000x128xf32>
    %slice3A_431 = vector.extract_strided_slice %add3A_407 {offsets = [0, 256], sizes = [1000, 128], strides = [1, 1]} : vector<1000x384xf32> to vector<1000x128xf32>
    %slice3A_432 = vector.extract_strided_slice %add3A_412 {offsets = [0, 256], sizes = [1000, 128], strides = [1, 1]} : vector<1000x384xf32> to vector<1000x128xf32>
    %mul3A_433 = arith.mulf %logistic3A_421, %slice3A_432 : vector<1000x128xf32>
    %add3A_434 = arith.addf %slice3A_431, %mul3A_433 : vector<1000x128xf32>
    %tanh3A_435 = math.tanh %add3A_434 : vector<1000x128xf32>
    %sub3A_436 = arith.constant 1.000000e+00 : f32
    %sub3A_437 = vector.broadcast %sub3A_436 : f32 to vector<1000x128xf32>
    %sub3A_438 = arith.subf %sub3A_437, %logistic3A_430 : vector<1000x128xf32>
    %mul3A_439 = arith.mulf %sub3A_438, %tanh3A_435 : vector<1000x128xf32>
    %mul3A_440 = arith.mulf %logistic3A_430, %add3A_393 : vector<1000x128xf32>
    %add3A_441 = arith.addf %mul3A_439, %mul3A_440 : vector<1000x128xf32>
    %get3A_442 = arith.constant 9 : index
    %get3A_443 = arith.constant 0 : index
    %get3A_444 = arith.constant 0 : index
    %get3A_445 = vector.load %arg1[%get3A_442, %get3A_443, %get3A_444] : memref<12x1000x128xf32, #tpu.memory_space<vmem>>, vector<1x1000x128xf32>
    %get3A_446 = vector.shape_cast %get3A_445 : vector<1x1000x128xf32> to vector<1000x128xf32>
    %mul3A_447 = vector.broadcast %get3A_1 : vector<1000x1xf32> to vector<1000x128xf32>
    %mul3A_448 = arith.mulf %get3A_446, %mul3A_447 : vector<1000x128xf32>
    %add3A_449 = vector.broadcast %get3A_4 : vector<1x128xf32> to vector<1000x128xf32>
    %add3A_450 = arith.addf %mul3A_448, %add3A_449 : vector<1000x128xf32>
    %convert_element_type3A_451 = arith.truncf %add3A_450 : vector<1000x128xf32> to vector<1000x128xbf16>
    %dot_general3A_452 = arith.constant dense<0.000000e+00> : vector<1000x384xf32>
    %dot_general3A_453 = tpu.matmul %convert_element_type3A_451, %get3A_7, %dot_general3A_452 {dimension_numbers = #tpu.dot_dimension_numbers<[1], [1], [0], [0], [0, 0, 1, 0], [], []>, transpose_lhs_hint = false} : vector<1000x128xbf16>, vector<384x128xbf16>, vector<1000x384xf32> -> vector<1000x384xf32>
    %add3A_454 = vector.broadcast %get3A_13 : vector<1x384xf32> to vector<1000x384xf32>
    %add3A_455 = arith.addf %dot_general3A_453, %add3A_454 : vector<1000x384xf32>
    %convert_element_type3A_456 = arith.truncf %add3A_441 : vector<1000x128xf32> to vector<1000x128xbf16>
    %dot_general3A_457 = arith.constant dense<0.000000e+00> : vector<1000x384xf32>
    %dot_general3A_458 = tpu.matmul %convert_element_type3A_456, %get3A_10, %dot_general3A_457 {dimension_numbers = #tpu.dot_dimension_numbers<[1], [1], [0], [0], [0, 0, 1, 0], [], []>, transpose_lhs_hint = false} : vector<1000x128xbf16>, vector<384x128xbf16>, vector<1000x384xf32> -> vector<1000x384xf32>
    %add3A_459 = vector.broadcast %get3A_16 : vector<1x384xf32> to vector<1000x384xf32>
    %add3A_460 = arith.addf %dot_general3A_458, %add3A_459 : vector<1000x384xf32>
    %slice3A_461 = vector.extract_strided_slice %add3A_455 {offsets = [0, 0], sizes = [1000, 128], strides = [1, 1]} : vector<1000x384xf32> to vector<1000x128xf32>
    %slice3A_462 = vector.extract_strided_slice %add3A_460 {offsets = [0, 0], sizes = [1000, 128], strides = [1, 1]} : vector<1000x384xf32> to vector<1000x128xf32>
    %add3A_463 = arith.addf %slice3A_461, %slice3A_462 : vector<1000x128xf32>
    %logistic3A_464 = arith.negf %add3A_463 : vector<1000x128xf32>
    %logistic3A_465 = math.exp %logistic3A_464 : vector<1000x128xf32>
    %logistic3A_466 = arith.constant 1.000000e+00 : f32
    %logistic3A_467 = vector.broadcast %logistic3A_466 : f32 to vector<1000x128xf32>
    %logistic3A_468 = arith.addf %logistic3A_467, %logistic3A_465 : vector<1000x128xf32>
    %logistic3A_469 = arith.divf %logistic3A_467, %logistic3A_468 : vector<1000x128xf32>
    %slice3A_470 = vector.extract_strided_slice %add3A_455 {offsets = [0, 128], sizes = [1000, 128], strides = [1, 1]} : vector<1000x384xf32> to vector<1000x128xf32>
    %slice3A_471 = vector.extract_strided_slice %add3A_460 {offsets = [0, 128], sizes = [1000, 128], strides = [1, 1]} : vector<1000x384xf32> to vector<1000x128xf32>
    %add3A_472 = arith.addf %slice3A_470, %slice3A_471 : vector<1000x128xf32>
    %logistic3A_473 = arith.negf %add3A_472 : vector<1000x128xf32>
    %logistic3A_474 = math.exp %logistic3A_473 : vector<1000x128xf32>
    %logistic3A_475 = arith.constant 1.000000e+00 : f32
    %logistic3A_476 = vector.broadcast %logistic3A_475 : f32 to vector<1000x128xf32>
    %logistic3A_477 = arith.addf %logistic3A_476, %logistic3A_474 : vector<1000x128xf32>
    %logistic3A_478 = arith.divf %logistic3A_476, %logistic3A_477 : vector<1000x128xf32>
    %slice3A_479 = vector.extract_strided_slice %add3A_455 {offsets = [0, 256], sizes = [1000, 128], strides = [1, 1]} : vector<1000x384xf32> to vector<1000x128xf32>
    %slice3A_480 = vector.extract_strided_slice %add3A_460 {offsets = [0, 256], sizes = [1000, 128], strides = [1, 1]} : vector<1000x384xf32> to vector<1000x128xf32>
    %mul3A_481 = arith.mulf %logistic3A_469, %slice3A_480 : vector<1000x128xf32>
    %add3A_482 = arith.addf %slice3A_479, %mul3A_481 : vector<1000x128xf32>
    %tanh3A_483 = math.tanh %add3A_482 : vector<1000x128xf32>
    %sub3A_484 = arith.constant 1.000000e+00 : f32
    %sub3A_485 = vector.broadcast %sub3A_484 : f32 to vector<1000x128xf32>
    %sub3A_486 = arith.subf %sub3A_485, %logistic3A_478 : vector<1000x128xf32>
    %mul3A_487 = arith.mulf %sub3A_486, %tanh3A_483 : vector<1000x128xf32>
    %mul3A_488 = arith.mulf %logistic3A_478, %add3A_441 : vector<1000x128xf32>
    %add3A_489 = arith.addf %mul3A_487, %mul3A_488 : vector<1000x128xf32>
    %get3A_490 = arith.constant 10 : index
    %get3A_491 = arith.constant 0 : index
    %get3A_492 = arith.constant 0 : index
    %get3A_493 = vector.load %arg1[%get3A_490, %get3A_491, %get3A_492] : memref<12x1000x128xf32, #tpu.memory_space<vmem>>, vector<1x1000x128xf32>
    %get3A_494 = vector.shape_cast %get3A_493 : vector<1x1000x128xf32> to vector<1000x128xf32>
    %mul3A_495 = vector.broadcast %get3A_1 : vector<1000x1xf32> to vector<1000x128xf32>
    %mul3A_496 = arith.mulf %get3A_494, %mul3A_495 : vector<1000x128xf32>
    %add3A_497 = vector.broadcast %get3A_4 : vector<1x128xf32> to vector<1000x128xf32>
    %add3A_498 = arith.addf %mul3A_496, %add3A_497 : vector<1000x128xf32>
    %convert_element_type3A_499 = arith.truncf %add3A_498 : vector<1000x128xf32> to vector<1000x128xbf16>
    %dot_general3A_500 = arith.constant dense<0.000000e+00> : vector<1000x384xf32>
    %dot_general3A_501 = tpu.matmul %convert_element_type3A_499, %get3A_7, %dot_general3A_500 {dimension_numbers = #tpu.dot_dimension_numbers<[1], [1], [0], [0], [0, 0, 1, 0], [], []>, transpose_lhs_hint = false} : vector<1000x128xbf16>, vector<384x128xbf16>, vector<1000x384xf32> -> vector<1000x384xf32>
    %add3A_502 = vector.broadcast %get3A_13 : vector<1x384xf32> to vector<1000x384xf32>
    %add3A_503 = arith.addf %dot_general3A_501, %add3A_502 : vector<1000x384xf32>
    %convert_element_type3A_504 = arith.truncf %add3A_489 : vector<1000x128xf32> to vector<1000x128xbf16>
    %dot_general3A_505 = arith.constant dense<0.000000e+00> : vector<1000x384xf32>
    %dot_general3A_506 = tpu.matmul %convert_element_type3A_504, %get3A_10, %dot_general3A_505 {dimension_numbers = #tpu.dot_dimension_numbers<[1], [1], [0], [0], [0, 0, 1, 0], [], []>, transpose_lhs_hint = false} : vector<1000x128xbf16>, vector<384x128xbf16>, vector<1000x384xf32> -> vector<1000x384xf32>
    %add3A_507 = vector.broadcast %get3A_16 : vector<1x384xf32> to vector<1000x384xf32>
    %add3A_508 = arith.addf %dot_general3A_506, %add3A_507 : vector<1000x384xf32>
    %slice3A_509 = vector.extract_strided_slice %add3A_503 {offsets = [0, 0], sizes = [1000, 128], strides = [1, 1]} : vector<1000x384xf32> to vector<1000x128xf32>
    %slice3A_510 = vector.extract_strided_slice %add3A_508 {offsets = [0, 0], sizes = [1000, 128], strides = [1, 1]} : vector<1000x384xf32> to vector<1000x128xf32>
    %add3A_511 = arith.addf %slice3A_509, %slice3A_510 : vector<1000x128xf32>
    %logistic3A_512 = arith.negf %add3A_511 : vector<1000x128xf32>
    %logistic3A_513 = math.exp %logistic3A_512 : vector<1000x128xf32>
    %logistic3A_514 = arith.constant 1.000000e+00 : f32
    %logistic3A_515 = vector.broadcast %logistic3A_514 : f32 to vector<1000x128xf32>
    %logistic3A_516 = arith.addf %logistic3A_515, %logistic3A_513 : vector<1000x128xf32>
    %logistic3A_517 = arith.divf %logistic3A_515, %logistic3A_516 : vector<1000x128xf32>
    %slice3A_518 = vector.extract_strided_slice %add3A_503 {offsets = [0, 128], sizes = [1000, 128], strides = [1, 1]} : vector<1000x384xf32> to vector<1000x128xf32>
    %slice3A_519 = vector.extract_strided_slice %add3A_508 {offsets = [0, 128], sizes = [1000, 128], strides = [1, 1]} : vector<1000x384xf32> to vector<1000x128xf32>
    %add3A_520 = arith.addf %slice3A_518, %slice3A_519 : vector<1000x128xf32>
    %logistic3A_521 = arith.negf %add3A_520 : vector<1000x128xf32>
    %logistic3A_522 = math.exp %logistic3A_521 : vector<1000x128xf32>
    %logistic3A_523 = arith.constant 1.000000e+00 : f32
    %logistic3A_524 = vector.broadcast %logistic3A_523 : f32 to vector<1000x128xf32>
    %logistic3A_525 = arith.addf %logistic3A_524, %logistic3A_522 : vector<1000x128xf32>
    %logistic3A_526 = arith.divf %logistic3A_524, %logistic3A_525 : vector<1000x128xf32>
    %slice3A_527 = vector.extract_strided_slice %add3A_503 {offsets = [0, 256], sizes = [1000, 128], strides = [1, 1]} : vector<1000x384xf32> to vector<1000x128xf32>
    %slice3A_528 = vector.extract_strided_slice %add3A_508 {offsets = [0, 256], sizes = [1000, 128], strides = [1, 1]} : vector<1000x384xf32> to vector<1000x128xf32>
    %mul3A_529 = arith.mulf %logistic3A_517, %slice3A_528 : vector<1000x128xf32>
    %add3A_530 = arith.addf %slice3A_527, %mul3A_529 : vector<1000x128xf32>
    %tanh3A_531 = math.tanh %add3A_530 : vector<1000x128xf32>
    %sub3A_532 = arith.constant 1.000000e+00 : f32
    %sub3A_533 = vector.broadcast %sub3A_532 : f32 to vector<1000x128xf32>
    %sub3A_534 = arith.subf %sub3A_533, %logistic3A_526 : vector<1000x128xf32>
    %mul3A_535 = arith.mulf %sub3A_534, %tanh3A_531 : vector<1000x128xf32>
    %mul3A_536 = arith.mulf %logistic3A_526, %add3A_489 : vector<1000x128xf32>
    %add3A_537 = arith.addf %mul3A_535, %mul3A_536 : vector<1000x128xf32>
    %get3A_538 = arith.constant 11 : index
    %get3A_539 = arith.constant 0 : index
    %get3A_540 = arith.constant 0 : index
    %get3A_541 = vector.load %arg1[%get3A_538, %get3A_539, %get3A_540] : memref<12x1000x128xf32, #tpu.memory_space<vmem>>, vector<1x1000x128xf32>
    %get3A_542 = vector.shape_cast %get3A_541 : vector<1x1000x128xf32> to vector<1000x128xf32>
    %mul3A_543 = vector.broadcast %get3A_1 : vector<1000x1xf32> to vector<1000x128xf32>
    %mul3A_544 = arith.mulf %get3A_542, %mul3A_543 : vector<1000x128xf32>
    %add3A_545 = vector.broadcast %get3A_4 : vector<1x128xf32> to vector<1000x128xf32>
    %add3A_546 = arith.addf %mul3A_544, %add3A_545 : vector<1000x128xf32>
    %convert_element_type3A_547 = arith.truncf %add3A_546 : vector<1000x128xf32> to vector<1000x128xbf16>
    %dot_general3A_548 = arith.constant dense<0.000000e+00> : vector<1000x384xf32>
    %dot_general3A_549 = tpu.matmul %convert_element_type3A_547, %get3A_7, %dot_general3A_548 {dimension_numbers = #tpu.dot_dimension_numbers<[1], [1], [0], [0], [0, 0, 1, 0], [], []>, transpose_lhs_hint = false} : vector<1000x128xbf16>, vector<384x128xbf16>, vector<1000x384xf32> -> vector<1000x384xf32>
    %add3A_550 = vector.broadcast %get3A_13 : vector<1x384xf32> to vector<1000x384xf32>
    %add3A_551 = arith.addf %dot_general3A_549, %add3A_550 : vector<1000x384xf32>
    %convert_element_type3A_552 = arith.truncf %add3A_537 : vector<1000x128xf32> to vector<1000x128xbf16>
    %dot_general3A_553 = arith.constant dense<0.000000e+00> : vector<1000x384xf32>
    %dot_general3A_554 = tpu.matmul %convert_element_type3A_552, %get3A_10, %dot_general3A_553 {dimension_numbers = #tpu.dot_dimension_numbers<[1], [1], [0], [0], [0, 0, 1, 0], [], []>, transpose_lhs_hint = false} : vector<1000x128xbf16>, vector<384x128xbf16>, vector<1000x384xf32> -> vector<1000x384xf32>
    %add3A_555 = vector.broadcast %get3A_16 : vector<1x384xf32> to vector<1000x384xf32>
    %add3A_556 = arith.addf %dot_general3A_554, %add3A_555 : vector<1000x384xf32>
    %slice3A_557 = vector.extract_strided_slice %add3A_551 {offsets = [0, 0], sizes = [1000, 128], strides = [1, 1]} : vector<1000x384xf32> to vector<1000x128xf32>
    %slice3A_558 = vector.extract_strided_slice %add3A_556 {offsets = [0, 0], sizes = [1000, 128], strides = [1, 1]} : vector<1000x384xf32> to vector<1000x128xf32>
    %add3A_559 = arith.addf %slice3A_557, %slice3A_558 : vector<1000x128xf32>
    %logistic3A_560 = arith.negf %add3A_559 : vector<1000x128xf32>
    %logistic3A_561 = math.exp %logistic3A_560 : vector<1000x128xf32>
    %logistic3A_562 = arith.constant 1.000000e+00 : f32
    %logistic3A_563 = vector.broadcast %logistic3A_562 : f32 to vector<1000x128xf32>
    %logistic3A_564 = arith.addf %logistic3A_563, %logistic3A_561 : vector<1000x128xf32>
    %logistic3A_565 = arith.divf %logistic3A_563, %logistic3A_564 : vector<1000x128xf32>
    %slice3A_566 = vector.extract_strided_slice %add3A_551 {offsets = [0, 128], sizes = [1000, 128], strides = [1, 1]} : vector<1000x384xf32> to vector<1000x128xf32>
    %slice3A_567 = vector.extract_strided_slice %add3A_556 {offsets = [0, 128], sizes = [1000, 128], strides = [1, 1]} : vector<1000x384xf32> to vector<1000x128xf32>
    %add3A_568 = arith.addf %slice3A_566, %slice3A_567 : vector<1000x128xf32>
    %logistic3A_569 = arith.negf %add3A_568 : vector<1000x128xf32>
    %logistic3A_570 = math.exp %logistic3A_569 : vector<1000x128xf32>
    %logistic3A_571 = arith.constant 1.000000e+00 : f32
    %logistic3A_572 = vector.broadcast %logistic3A_571 : f32 to vector<1000x128xf32>
    %logistic3A_573 = arith.addf %logistic3A_572, %logistic3A_570 : vector<1000x128xf32>
    %logistic3A_574 = arith.divf %logistic3A_572, %logistic3A_573 : vector<1000x128xf32>
    %slice3A_575 = vector.extract_strided_slice %add3A_551 {offsets = [0, 256], sizes = [1000, 128], strides = [1, 1]} : vector<1000x384xf32> to vector<1000x128xf32>
    %slice3A_576 = vector.extract_strided_slice %add3A_556 {offsets = [0, 256], sizes = [1000, 128], strides = [1, 1]} : vector<1000x384xf32> to vector<1000x128xf32>
    %mul3A_577 = arith.mulf %logistic3A_565, %slice3A_576 : vector<1000x128xf32>
    %add3A_578 = arith.addf %slice3A_575, %mul3A_577 : vector<1000x128xf32>
    %tanh3A_579 = math.tanh %add3A_578 : vector<1000x128xf32>
    %sub3A_580 = arith.constant 1.000000e+00 : f32
    %sub3A_581 = vector.broadcast %sub3A_580 : f32 to vector<1000x128xf32>
    %sub3A_582 = arith.subf %sub3A_581, %logistic3A_574 : vector<1000x128xf32>
    %mul3A_583 = arith.mulf %sub3A_582, %tanh3A_579 : vector<1000x128xf32>
    %mul3A_584 = arith.mulf %logistic3A_574, %add3A_537 : vector<1000x128xf32>
    %add3A_585 = arith.addf %mul3A_583, %mul3A_584 : vector<1000x128xf32>
    %get3A_586 = arith.constant 0 : index
    %get3A_587 = arith.constant 0 : index
    %get3A_588 = vector.load %arg8[%get3A_586, %get3A_587] : memref<128x8xf32, #tpu.memory_space<vmem>>, vector<128x8xf32>
    %dot_general3A_589 = arith.constant dense<0.000000e+00> : vector<1000x8xf32>
    %dot_general3A_590 = tpu.matmul %add3A_585, %get3A_588, %dot_general3A_589 {dimension_numbers = #tpu.dot_dimension_numbers<[1], [0], [0], [1], [0, 0, 1, 1], [], []>, transpose_lhs_hint = false} : vector<1000x128xf32>, vector<128x8xf32>, vector<1000x8xf32> -> vector<1000x8xf32>
    %get3A_591 = arith.constant 0 : index
    %get3A_592 = arith.constant 0 : index
    %get3A_593 = vector.load %arg9[%get3A_591, %get3A_592] : memref<1x8xf32, #tpu.memory_space<vmem>>, vector<1x8xf32>
    %add3A_594 = vector.broadcast %get3A_593 : vector<1x8xf32> to vector<1000x8xf32>
    %add3A_595 = arith.addf %dot_general3A_590, %add3A_594 : vector<1000x8xf32>
    %swap3A = arith.constant 0 : index
    %swap3A_596 = arith.constant 0 : index
    %swap3A_597 = vector.load %arg10[%swap3A, %swap3A_596] : memref<1000x8xf32, #tpu.memory_space<vmem>>, vector<1000x8xf32>
    tpu.vector_store %arg10[%swap3A, %swap3A_596], %add3A_595 {strides = array<i32>} : memref<1000x8xf32, #tpu.memory_space<vmem>>, vector<1000x8xf32>,
    return
  }
  func.func @transform_0(%arg0: i32) -> (i32, i32, i32) {
    %c0_i32 = arith.constant 0 : i32
    %c0_i32_0 = arith.constant 0 : i32
    %c0_i32_1 = arith.constant 0 : i32
    return %c0_i32, %arg0, %c0_i32_0 : i32, i32, i32
  }
  func.func @transform_1(%arg0: i32) -> (i32, i32) {
    %c0_i32 = arith.constant 0 : i32
    %c0_i32_0 = arith.constant 0 : i32
    return %arg0, %c0_i32 : i32, i32
  }
  func.func @transform_2(%arg0: i32) -> (i32, i32) {
    %c0_i32 = arith.constant 0 : i32
    %c0_i32_0 = arith.constant 0 : i32
    %c0_i32_1 = arith.constant 0 : i32
    return %c0_i32, %c0_i32_0 : i32, i32
  }
  func.func @transform_3(%arg0: i32) -> (i32, i32) {
    %c0_i32 = arith.constant 0 : i32
    %c0_i32_0 = arith.constant 0 : i32
    %c0_i32_1 = arith.constant 0 : i32
    return %c0_i32, %c0_i32_0 : i32, i32
  }
  func.func @transform_4(%arg0: i32) -> (i32, i32) {
    %c0_i32 = arith.constant 0 : i32
    %c0_i32_0 = arith.constant 0 : i32
    %c0_i32_1 = arith.constant 0 : i32
    return %c0_i32, %c0_i32_0 : i32, i32
  }
  func.func @transform_5(%arg0: i32) -> (i32, i32) {
    %c0_i32 = arith.constant 0 : i32
    %c0_i32_0 = arith.constant 0 : i32
    %c0_i32_1 = arith.constant 0 : i32
    return %c0_i32, %c0_i32_0 : i32, i32
  }
  func.func @transform_6(%arg0: i32) -> (i32, i32) {
    %c0_i32 = arith.constant 0 : i32
    %c0_i32_0 = arith.constant 0 : i32
    %c0_i32_1 = arith.constant 0 : i32
    return %c0_i32, %c0_i32_0 : i32, i32
  }
  func.func @transform_7(%arg0: i32) -> (i32, i32) {
    %c0_i32 = arith.constant 0 : i32
    %c0_i32_0 = arith.constant 0 : i32
    %c0_i32_1 = arith.constant 0 : i32
    return %c0_i32, %c0_i32_0 : i32, i32
  }
  func.func @transform_8(%arg0: i32) -> (i32, i32) {
    %c0_i32 = arith.constant 0 : i32
    %c0_i32_0 = arith.constant 0 : i32
    %c0_i32_1 = arith.constant 0 : i32
    return %c0_i32, %c0_i32_0 : i32, i32
  }
  func.func @transform_9(%arg0: i32) -> (i32, i32) {
    %c0_i32 = arith.constant 0 : i32
    %c0_i32_0 = arith.constant 0 : i32
    return %arg0, %c0_i32 : i32, i32
  }
}

</mosaic_0001>

<sc_bundles>
// kernel: kernel.10.cloned.1.call-start
scs
__scs_entry_jumppad:
0x0: {  	(pc) =	sbr.rel $0x88, $3  }
0x1: {  	(tag) =	ssettag $0x0;
	lr =	simm.s32 $0x1  }
0x2: {  	[smem:$0x3F97] =	sst lr;
	_ =	strace $0xD0000000  }
0x3: {  	_ = 	snop  }
0x4: {  	_ = 	snop  }
0x5: {  	_ = 	snop  }
0x6: {  	_ = 	snop  }
0x7: {  	_ = 	snop  }
__scs_overlays_trampoline_lowered:
0x8: {  	[smem:$0x3FA6] =	sst s0  }
0x9: {  	[smem:$0x3FA7] =	sst s1  }
0xa: {  	[smem:$0x3FA8] =	sst s2  }
0xb: {  	[smem:$0x3FA9] =	sst s3  }
0xc: {  	[smem:$0x3FAA] =	sst s4  }
0xd: {  	[smem:$0x3FAB] =	sst s5  }
0xe: {  	[smem:$0x3FAC] =	sst s6  }
0xf: {  	[smem:$0x3FAD] =	sst s7  }
0x10: {  	[smem:$0x3FAE] =	sst s8  }
0x11: {  	[smem:$0x3FAF] =	sst s9;
	s0 =	simm.s32 @!p0 $0x0  }
0x12: {  	s1 =	sld [smem:$0x3F95];
	s0 =	simm.s32 @p0 $0x1  }
0x13: {  	[smem:$0x3FB0] =	sst s0;
	s0 =	simm.s32 @!p1 $0x0  }
0x14: {  	s2 =	sld [smem:$0x3F94];
	s0 =	simm.s32 @p1 $0x1  }
0x15: {  	[smem:$0x3FB1] =	sst s0;
	s0 =	simm.s32 @!p2 $0x0  }
0x16: {  	s3 =	sld [smem:$0x3FDB];
	s0 =	simm.s32 @p2 $0x1  }
0x17: {  	s4 =	simm.s32 $0x1BF5;
	[smem:$0x3FB3] =	sst s0  }
0x18: {  	s0 =	sld [smem:$0x3F96];
	_ =	swait.ge [sflag:s4], $0x0  }
0x19: {  	s7 =	sld [smem:$0x3F97]  }
0x1a: {  	s8 =	sadd.s32 $0xFFFFE003, lr  }
0x1b: {  	s9 =	sadd.s32 $0xFFFFFEF7, lr;
	s5 =	simm.s32 $0xFFFFFFFF;
	p2 =	slt.u32 s8, $0xFFFFF086  }
0x1c: {  	p1 =	slt.u32 s9, $0xF7A;
	s5 =	simm.s32 @!p2 $0x0  }
0x1d: {  	s5 =	simm.s32 @p1 $0x1;
	p0 =	seq.s32 s7, s2  }
0x1e: {  	s7 =	smul.u32 @!p0 $0xF7A, s2;
	p2 =	seq.s32 @!p0 s5, $0x0  }
0x1f: {  	s9 =	smul.u32 $0xF7A, s1;
	s8 =	simm.s32 @!p0 $0x1BF5;
	p2 =	por !p2, p0  }
0x20: {  	[sflag:s8] =	ssyncset.s32 @!p0 $0xFFFFF086;
	s6 =	sadd.s32 @!p0 s3, s7;
	s7 =	simm.s32 @!p0 $0x108  }
0x21: {  	s3 =	sadd.s32 s3, s9;
	s6 =	sadd.s32 @!p0 $0x88, s6;
	s7 =	simm.s32 @p2 $0x1082  }
0x22: {  	[simem:s7], [sflag:s8] =	dma.local @!p0 [hbm:s6], $0xF7A  }
0x23: {  	s9 =	sor.u32 $0xD0000000, s2;
	s6 =	simm.s32 $0x108;
	_ =	swait.ge @!p0 [sflag:s8], $0x0  }
0x24: {  	s3 =	sadd.s32 $0x88, s3;
	s6 =	simm.s32 @!p1 $0x1082;
	[sflag:s4] =	ssyncset.s32 $0xFFFFF086  }
0x25: {  	[simem:s6], [sflag:s4] =	dma.local [hbm:s3], $0xF7A  }
0x26: {  	[smem:$0x3F97] =	sst s1;
	(tag) =	ssettag s2;
	_ =	strace s9  }
0x27: {  	s1 =	sld [smem:$0x3FA7]  }
0x28: {  	s2 =	sld [smem:$0x3FA8]  }
0x29: {  	s4 =	sld [smem:$0x3FAA]  }
0x2a: {  	p0 =	seq.s32 s5, $0x0;
	s5 =	sld [smem:$0x3FAB]  }
0x2b: {  	s6 =	sld [smem:$0x3FAC]  }
0x2c: {  	s7 =	sld [smem:$0x3FAD]  }
0x2d: {  	s3 =	simm.s32 $0x108;
	s8 =	sld [smem:$0x3FAE]  }
0x2e: {  	s3 =	simm.s32 @!p0 $0x1082;
	s9 =	sld [smem:$0x3FAF]  }
0x2f: {  	lr =	sadd.s32 s0, s3;
	s0 =	sld [smem:$0x3FA6]  }
0x30: {  	s3 =	sld [smem:$0x3FA9]  }
0x31: {  	[smem:$0x3FB2] =	sst s10  }
0x32: {  	s10 =	sld [smem:$0x3FB0];
	_ =	sdelay $0x3  }
0x33: {  	p0 =	seq.s32 s10, $0x1;
	s10 =	sld [smem:$0x3FB2];
	_ =	sdelay $0x3  }
0x34: {  	[smem:$0x3FB2] =	sst s10  }
0x35: {  	s10 =	sld [smem:$0x3FB1];
	_ =	sdelay $0x3  }
0x36: {  	p1 =	seq.s32 s10, $0x1;
	s10 =	sld [smem:$0x3FB2];
	_ =	sdelay $0x3  }
0x37: {  	[smem:$0x3FB2] =	sst s10  }
0x38: {  	s10 =	sld [smem:$0x3FB3]  }
0x39: {  	_ = 	snop;
	(pc) =	sbr.ind lr, $3  }
0x3a: {  	_ = 	snop  }
0x3b: {  	_ = 	snop  }
0x3c: {  	p2 =	seq.s32 s10, $0x1;
	s10 =	sld [smem:$0x3FB2]  }
0x3d: {  	_ =	shalt  }
0x3e: {  	_ =	shalt  }
0x3f: {  	_ =	shalt  }
0x40: {  	_ =	shalt  }
0x41: {  	_ =	shalt  }
0x42: {  	_ =	shalt  }
0x43: {  	_ =	shalt  }
0x44: {  	_ =	shalt  }
0x45: {  	_ =	shalt  }
0x46: {  	_ =	shalt  }
0x47: {  	_ =	shalt  }
0x48: {  	_ =	shalt  }
0x49: {  	_ =	shalt  }
0x4a: {  	_ =	shalt  }
0x4b: {  	_ =	shalt  }
0x4c: {  	_ =	shalt  }
0x4d: {  	_ =	shalt  }
0x4e: {  	_ =	shalt  }
0x4f: {  	_ =	shalt  }
0x50: {  	_ =	shalt  }
0x51: {  	_ =	shalt  }
0x52: {  	_ =	shalt  }
0x53: {  	_ =	shalt  }
0x54: {  	_ =	shalt  }
0x55: {  	_ =	shalt  }
0x56: {  	_ =	shalt  }
0x57: {  	_ =	shalt  }
0x58: {  	_ =	shalt  }
0x59: {  	_ =	shalt  }
0x5a: {  	_ =	shalt  }
0x5b: {  	_ =	shalt  }
0x5c: {  	_ =	shalt  }
0x5d: {  	_ =	shalt  }
0x5e: {  	_ =	shalt  }
0x5f: {  	_ =	shalt  }
0x60: {  	_ =	shalt  }
0x61: {  	_ =	shalt  }
0x62: {  	_ =	shalt  }
0x63: {  	_ =	shalt  }
0x64: {  	_ =	shalt  }
0x65: {  	_ =	shalt  }
0x66: {  	_ =	shalt  }
0x67: {  	_ =	shalt  }
0x68: {  	_ =	shalt  }
0x69: {  	_ =	shalt  }
0x6a: {  	_ =	shalt  }
0x6b: {  	_ =	shalt  }
0x6c: {  	_ =	shalt  }
0x6d: {  	_ =	shalt  }
0x6e: {  	_ =	shalt  }
0x6f: {  	_ =	shalt  }
0x70: {  	_ =	shalt  }
0x71: {  	_ =	shalt  }
0x72: {  	_ =	shalt  }
0x73: {  	_ =	shalt  }
0x74: {  	_ =	shalt  }
0x75: {  	_ =	shalt  }
0x76: {  	_ =	shalt  }
0x77: {  	_ =	shalt  }
0x78: {  	_ =	shalt  }
0x79: {  	_ =	shalt  }
0x7a: {  	_ =	shalt  }
0x7b: {  	_ =	shalt  }
0x7c: {  	_ =	shalt  }
0x7d: {  	_ =	shalt  }
0x7e: {  	_ =	shalt  }
0x7f: {  	_ =	shalt  }
0x80: {  	_ =	shalt  }
0x81: {  	_ =	shalt  }
0x82: {  	_ =	shalt  }
0x83: {  	_ =	shalt  }
0x84: {  	_ =	shalt  }
0x85: {  	_ =	shalt  }
0x86: {  	_ =	shalt  }
0x87: {  	_ =	shalt  }
.Lfunc_end0:
.L_simem_size_0:
called_computation.1_lowered:
.L_overlay_start_0:
0x88: {  	s2 =	sld [smem:$0x3FD9]  }
0x89: {  	s3 =	sld [smem:$0x3FFE];
	_ =	sdelay $0x1  }
0x8a: {  	s1 =	srdreg.scid  }
0x8b: {  	s0 =	sand.u32 $0x1, s1  }
0x8c: {  	s16 =	sshll.u32 s0, $0xA;
	s2 =	sadd.s32 s3, s2  }
0x8d: {  	s2 =	sadd.s32 s2, s16  }
0x8e: {  	[smem:$0x3FBE] =	sst s2  }
0x8f: {  	_ = 	snop  }
0x90: {  	(tm) =	ssettm $0x1  }
0x91: {  	s17 =	sld [smem:$0x3FFB];
	_ =	sdelay $0x3  }
0x92: {  	_ =	strace s17  }
0x93: {  	s2 =	sld [smem:$0x3FFC];
	_ =	sdelay $0x3  }
0x94: {  	_ =	strace s2  }
0x95: {  	s2 =	sld [smem:$0x3FFD];
	_ =	sdelay $0x3  }
0x96: {  	_ =	strace s2  }
0x97: {  	_ =	strace $0x8FFFFFFF  }
0x98: {  	s18 =	sld [smem:$0x3FDB];
	_ =	sdelay $0x1  }
0x99: {  	s19 =	simm.s32 $_scs_section_size  }
0x9a: {  	s4 =	simm.s32 $_size__tile_overlayer_lowered;
	s5 =	simm.s32 $_tile_overlayer_lowered  }
0x9b: {  	s22 =	simm.s32 $0x1BFF;
	s21 =	sshll.u32 s5, $0x1;
	s2 =	sadd.s32 s19, s18  }
0x9c: {  	s6 =	simm.s32 $0x0;
	s20 =	sshll.u32 s4, $0x1;
	s4 =	sadd.s32 s21, s2  }
0x9d: {  	[timem:s6], [sflag:s22] =	dma.local [hbm:s4], s20  }
0x9e: {  	_ =	swait.ge [sflag:s22], s20  }
0x9f: {  	s3 =	ssub.s32 $0x0, s20;
	[sflag:s22] =	ssyncset.done $0x0  }
0xa0: {  	[sflag:s22] =	ssyncadd.s32 s3;
	_ =	sdelay $0x1  }
0xa1: {  	s23 =	simm.s32 $0x1B8B  }
0xa2: {  	_ =	swait.ge [sflag:s23], $0x1  }
0xa3: {  	[sflag:s23] =	ssyncset.done $0x0  }
0xa4: {  	s25 =	simm.s32 $0x1B8E;
	s24 =	sld [smem:$0x3FFE];
	[sflag:s23] =	ssyncadd.s32 $0xFFFFFFFF  }
0xa5: {  	s26 =	simm.s32 $execute0_lowered;
	[smem:$0x3FD2] =	sst s25  }
0xa6: {  	s4 =	sshll.u32 s26, $0x1;
	_ =	strace $0x80000049;
	[dreg:$0x1] =	wrdreg $0xFFFFFFFF  }
0xa7: {  	s28 =	simm.s32 $_size_execute0_lowered;
	s2 =	sadd.s32 s2, s4;
	[dreg:$0x0] =	wrdreg $0x0  }
0xa8: {  	s4 =	sshll.u32 s28, $0x1;
	[dreg:$0x2] =	wrdreg s2  }
0xa9: {  	[dreg:$0x3] =	wrdreg s4  }
0xaa: {  	[dreg:$0x4] =	wrdreg $0xC0  }
0xab: {  	_ =	task [dreg:s6], $0x5FFFF  }
0xac: {  	[dreg:$0x1] =	wrdreg $0xFFFFFFFF  }
0xad: {  	[dreg:$0x0] =	wrdreg $0x60  }
0xae: {  	[dreg:$0x2] =	wrdreg s24  }
0xaf: {  	[dreg:$0x3] =	wrdreg $0xA0000  }
0xb0: {  	[dreg:$0x4] =	wrdreg $0x9  }
0xb1: {  	_ =	task.clear_ibuf [dreg:s6], $0x5FFFF;
	_ =	strace $0x90000049  }
0xb2: {  	s29 =	simm.s32 $0x9;
	_ =	strace $0x8000004B  }
0xb3: {  	_ =	swait.ge [sflag:s29], $0x1  }
0xb4: {  	[sflag:s29] =	ssyncadd.s32 $0xFFFFFFFF  }
0xb5: {  	_ =	strace $0x9000004B  }
0xb6: {  	_ =	sfence  }
0xb7: {  	s30 =	sld [smem:$0x0];
	_ =	sdelay $0x2  }
0xb8: {  	s31 =	sshll.u32 s1, $0xD;
	s1 =	sshrl.u32 s1, $0x2  }
0xb9: {  	s3 =	sand.u32 $0x4000, s31;
	s1 =	sadd.s32 s1, s30  }
0xba: {  	s0 =	sor.u32 s3, s0;
	s1 =	sshll.u32 s1, $0x11  }
0xbb: {  	s0 =	sor.u32 s1, s0  }
0xbc: {  	s0 =	sadd.s32 $0x8F2B, s0  }
0xbd: {  	[sflag:s0] =	ssyncadd.remote.s32 $0x1  }
0xbe: {  	_ =	sfence.sel $0xFFFF  }
0xbf: {  	[dreg:$0x0] =	wrdreg $0xFFFFFFFF;
	(pc) =	sbr.abs _section_cstart, $3  }
0xc0: {  	[dreg:$0x1] =	wrdreg $0xFFFFFFFF  }
0xc1: {  	_ =	task.clear_ibuf [dreg:s6], $0x2FFFF;
	_ =	strace $0x9FFFFFFF  }
0xc2: {  	(tm) =	ssettm $0x7FFFFFFF  }
0xc3: {  	_ =	shalt  }
tec
execute0_lowered:
.L_overlay_start_1:
0x0: {  	(tag) =	ssettag $0x1  }
0x1: {  	s7 =	rddreg [dreg:$0x0]  }
0x2: {  	s1 =	rddreg [dreg:$0x1];
	s2 =	simm.s32 $0x0  }
0x3: {  	s4 =	srdreg.scid;
	s0 =	stileid.u32;
	s17 =	simm.s32 $0x7  }
0x4: {  	s18 =	simm.s32 $0x5;
	s19 =	simm.s32 $0x1000;
	s20 =	simm.s32 $0x80  }
0x5: {  	s21 =	simm.s32 $0x2000;
	s22 =	simm.s32 $0x4;
	s23 =	simm.s32 $0x3  }
0x6: {  	[smem:$0x7FF] =	sst s2;
	s9 =	sand.u32 $0x1, s4;
	s10 =	smul.u32 $0x4F000, s0  }
0x7: {  	s4 =	sadd.s32 $0x29400, s7;
	s5 =	smul.u32 $0x13C00, s0;
	s6 =	sadd.s32 $0x15400, s7  }
0x8: {  	s7 =	sadd.s32 $0x420E00, s7;
	s8 =	ssub.s32 $0x2, s9;
	s12 =	smul.u32 $0xEA6000, s9  }
0x9: {  	s30 =	sshll.u32 s0, $0x6;
	s9 =	smul.u32 $0x6, s9;
	s11 =	sshrl.u32 s8, $0x1  }
0xa: {  	_ =	strace $0x8000004A;
	s15 =	ssub.s32 s8, s11;
	s8 =	smul.u32 $0xA000, s0  }
.Ltmp0:
0xb: {  	s10 =	sshrl.u32 s10, $0x2;
	s14 =	sadd.s32 $0x271000, s5;
	(pc) =	sbr.rel .LBB2_1-.Ltmp0, $4  }
0xc: {  	s26 =	sadd.s32 s5, s12;
	s16 =	sadd.s32 s10, s1;
	s12 =	sor.u32 $0x1C07, s30  }
0xd: {  	s28 =	sshrl.u32 s26, $0x3;
	s31 =	smax.u32 s15, $0x1;
	s29 =	sshrl.u32 s8, $0x3  }
0xe: {  	s3 =	sadd.s32 s4, s28;
	[dreg:$0x5] =	wrdreg s31;
	s11 =	sadd.s32 s6, s29  }
0xf: {  	s16 =	sshrl.u32 s16, $0x3;
	[dreg:$0x4] =	wrdreg s3;
	s13 =	sadd.s32 $0x200, s11  }
.LBB2_7:
0x10: {  	[bflag:$0x0] =	sbarrier.arrive $0xFFFF  }
.LBB2_9:
0x11: {  	s2 =	rddreg [dreg:$0x3]  }
0x12: {  	s0 =	rddreg [dreg:$0x5];
	s2 =	sadd.s32 $0x1, s2  }
0x13: {  	p0 =	sne.s32 s2, s0  }
.Ltmp1:
0x14: {  	_ = 	snop;
	(pc) =	sbr.rel @!p0 .LBB2_10-.Ltmp1, $1  }
0x15: {  	_ =	sdelay $0x3  }
.LBB2_1:
0x16: {  	[dreg:$0x3] =	wrdreg s2  }
0x17: {  	s0 =	rddreg [dreg:$0x4]  }
0x18: {  	[spmem:s16], [sflag:s12] =	dma.local [hbm:s0], $0x2780  }
0x19: {  	_ =	swait.ge [sflag:s17], $0x2780  }
0x1a: {  	[sflag:s17] =	ssyncset.done $0x0  }
0x1b: {  	[sflag:s17] =	ssyncadd.s32 $0xFFFFD880  }
0x1c: {  	s24 =	simm.s32 $0x0;
	[bflag:$0x0] =	sbarrier.arrive $0xFFFF  }
.LBB2_2:
0x1d: {  	s26 =	simm.s32 $0x0  }
0x1e: {  	[tilespmem:s26], [sflag:$0x5] =	stream.linear.gather [hbm4b:s11+s26], $0x1000, $0x38;
	[tilespmem:$0x1DC00] =	vst v63  }
0x1f: {  	_ =	swait.ge [sflag:s18], $0x1000  }
.Ltmp2:
0x20: {  	s25 =	sadd.s32 s9, s24;
	[sflag:s18] =	ssyncset.done $0x0;
	(pc) =	sbr.rel .LBB2_3-.Ltmp2, $4  }
0x21: {  	s28 =	smul.u32 $0x4E200, s25;
	[sflag:s18] =	ssyncadd.s32 $0xFFFFF000  }
0x22: {  	[tilespmem:s19], [sflag:$0x6] =	stream.linear.gather [hbm4b:s13+s26], $0x1000, $0x38;
	[tilespmem:$0x1DC00] =	vst v63  }
0x23: {  	s29 =	simm.s32 $0x1;
	s28 =	sadd.s32 s4, s28  }
0x24: {  	[tilespmem:s21], [sflag:$0x1] =	stream.indirect.gather [hbm4b:s28+s20], $0x80, s26, s20, $0xb8;
	[tilespmem:$0x1DC00] =	vst v63  }
.LBB2_5:
0x25: {  	s29 =	sadd.s32 $0x1, s29  }
0x26: {  	s0 =	sand.u32 $0x1, s30;
	p0 =	sne.s32 s29, $0xA1  }
.Ltmp3:
0x27: {  	s10 =	sand.u32 $0x7C00, s26;
	s2 =	sadd.s32 $0x1, s0;
	(pc) =	sbr.rel @!p0 .LBB2_6-.Ltmp3, $4  }
0x28: {  	s26 =	sadd.s32 $0x400, s26;
	s3 =	sshll.u32 s0, $0xE;
	_ =	swait.ge [sflag:s2], $0x4000  }
0x29: {  	s10 =	sshrl.u32 s10, $0x2;
	s0 =	sadd.s32 $0x3, s0;
	[sflag:s2] =	ssyncset.done $0x0  }
0x2a: {  	s3 =	sor.u32 $0x2000, s3;
	s31 =	sor.u32 $0x80, s10;
	[sflag:s2] =	ssyncadd.s32 $0xFFFFC000  }
0x2b: {  	[spmem:s1] =	stream.indirect.scatter.add.f32 [tilespmem:s3], [sflag:s0], $0x80, s31, s20, $0xb8;
	[tilespmem:$0x1DC00] =	vst v63  }
.LBB2_3:
0x2c: {  	s30 =	sadd.s32 $0xFFFFFFFF, s29  }
0x2d: {  	p0 =	seq.s32 s30, $0x9F  }
.Ltmp4:
0x2e: {  	_ = 	snop;
	(pc) =	sbr.rel @p0 .LBB2_5-.Ltmp4, $1  }
0x2f: {  	_ =	sdelay $0x3  }
0x30: {  	p0 =	sne.s32 s30, $0x0  }
0x31: {  	s31 =	sand.u32 @p0 $0xF, s29  }
0x32: {  	p2 =	sne.s32 @p0 s31, $0x0  }
0x33: {  	p1 =	por !p2, !p0  }
0x34: {  	p3 =	sne.s32 @!p1 s31, $0x4  }
0x35: {  	s0 =	sshrl.u32 @!p1 s29, $0x4;
	p4 =	por @p0 p3, !p2  }
0x36: {  	s2 =	sadd.s32 @!p1 $0xFFFFFFFF, s0;
	p4 =	por p4, !p0  }
0x37: {  	p4 =	sgt.u32 @!p4 s2, $0x7  }
0x38: {  	p5 =	por @!p1 p4, p3  }
0x39: {  	s2 =	sxor.u32 @p0 $0xFFFFFFFF, s30;
	p5 =	por @p0 p5, !p2  }
0x3a: {  	s2 =	sand.u32 @p0 $0x1, s2;
	p5 =	por p5, !p0  }
0x3b: {  	s2 =	sadd.s32 @p0 $0x3, s2;
	s10 =	sadd.s32 @!p5 $0x1, s0  }
0x3c: {  	_ =	swait.ge @p0 [sflag:s2], $0x4000;
	s15 =	sshll.u32 @!p5 s10, $0xC  }
0x3d: {  	[sflag:s2] =	ssyncset.done @p0 $0x0;
	s3 =	simm.s32 @!p5 $0x0;
	s15 =	sadd.s32 @!p5 s8, s15  }
0x3e: {  	s10 =	sand.u32 @!p5 $0x1, s10;
	[sflag:s2] =	ssyncadd.s32 @p0 $0xFFFFC000;
	s15 =	sshrl.u32 @!p5 s15, $0x3  }
0x3f: {  	s2 =	sshll.u32 @!p5 s10, $0xC;
	s10 =	sadd.s32 @!p5 $0x5, s10;
	s15 =	sadd.s32 @!p5 s6, s15  }
0x40: {  	[tilespmem:s2], [sflag:s10] =	stream.linear.gather @!p5 [hbm4b:s15+s3], $0x1000, $0x38;
	[tilespmem:$0x1DC00] =	vst v63  }
0x41: {  	p5 =	por @!p1 !p4, p3;
	p4 =	por p2, !p0  }
0x42: {  	s3 =	smov.u32 s31;
	s15 =	sand.u32 $0x1, s29;
	p5 =	por @p0 !p5, !p2  }
0x43: {  	s2 =	sshrl.u32 @!p4 s29, $0x4;
	p2 =	por @p0 !p3, !p2;
	p5 =	por !p5, !p0  }
0x44: {  	s10 =	sand.u32 @!p4 $0x1, s2;
	p2 =	por !p2, !p0;
	s0 =	smov.u32 @p1 s2  }
0x45: {  	s2 =	sshrl.u32 @!p0 s29, $0x4;
	s3 =	simm.s32 @p5 $0x4;
	s10 =	sadd.s32 @!p4 $0x5, s10  }
0x46: {  	s2 =	smov.u32 @p0 s0;
	s0 =	sadd.s32 $0x1, s15;
	s3 =	smov.u32 @p2 s31  }
.Ltmp5:
0x47: {  	_ =	swait.ge @!p4 [sflag:s10], $0x1000;
	s3 =	simm.s32 @p1 $0x0;
	(pc) =	sbr.rel .LBB2_5-.Ltmp5, $4  }
0x48: {  	s2 =	sshll.u32 s2, $0xC;
	s31 =	sshll.u32 s15, $0xE;
	s3 =	simm.s32 @!p0 $0x1  }
0x49: {  	[sflag:s10] =	ssyncset.done @!p4 $0x0;
	s2 =	sand.u32 $0x1000, s2;
	s3 =	sshll.u32 s3, $0x8  }
0x4a: {  	[sflag:s10] =	ssyncadd.s32 @!p4 $0xFFFFF000;
	s10 =	sor.u32 $0x2000, s31;
	s2 =	sor.u32 s3, s2  }
0x4b: {  	[tilespmem:s10], [sflag:s0] =	stream.indirect.gather [hbm4b:s28+s20], $0x80, s2, s20, $0xb8;
	[tilespmem:$0x1DC00] =	vst v63  }
.LBB2_6:
0x4c: {  	_ =	swait.ge [sflag:s22], $0x4000  }
0x4d: {  	[sflag:s22] =	ssyncset.done $0x0  }
0x4e: {  	s0 =	smul.u32 $0x13C000, s25;
	[sflag:s22] =	ssyncadd.s32 $0xFFFFC000  }
0x4f: {  	_ =	swait.ge [sflag:s23], $0x4000  }
0x50: {  	s0 =	sadd.s32 s5, s0;
	[sflag:s23] =	ssyncset.done $0x0  }
0x51: {  	p0 =	sne.s32 s24, $0x5;
	s0 =	sshrl.u32 s0, $0x3;
	[sflag:s23] =	ssyncadd.s32 $0xFFFFC000  }
.Ltmp6:
0x52: {  	s0 =	sadd.s32 s7, s0;
	[bflag:$0x0] =	sbarrier.arrive $0xFFFF;
	(pc) =	sbr.rel @!p0 .LBB2_7-.Ltmp6, $4  }
0x53: {  	[hbm:s0], [sflag:s12] =	dma.local [spmem:s16], $0x2780  }
0x54: {  	_ =	swait.ge [sflag:s17], $0x2780  }
0x55: {  	[sflag:s17] =	ssyncset.done $0x0  }
0x56: {  	[sflag:s17] =	ssyncadd.s32 $0xFFFFD880  }
0x57: {  	s0 =	smul.u32 $0x271000, s25;
	_ =	sdelay $0x1  }
0x58: {  	s0 =	sadd.s32 s0, s14  }
0x59: {  	s24 =	sadd.s32 $0x1, s24;
	s0 =	sshrl.u32 s0, $0x3  }
0x5a: {  	p0 =	sne.s32 s24, $0x6;
	s0 =	sadd.s32 s4, s0  }
0x5b: {  	[spmem:s16], [sflag:s12] =	dma.local [hbm:s0], $0x2780  }
.Ltmp7:
0x5c: {  	_ =	swait.ge [sflag:s17], $0x2780;
	(pc) =	sbr.rel @p0 .LBB2_2-.Ltmp7, $4  }
.Ltmp8:
0x5d: {  	[sflag:s17] =	ssyncset.done $0x0;
	(pc) =	sbr.rel @!p0 .LBB2_9-.Ltmp8, $4  }
0x5e: {  	[sflag:s17] =	ssyncadd.s32 $0xFFFFD880  }
0x5f: {  	[bflag:$0x0] =	sbarrier.arrive $0xFFFF  }
0x60: {  	_ = 	snop  }
0x61: {  	_ = 	snop  }
.LBB2_10:
0x62: {  	_ =	sfence.sel $0x180000  }
0x63: {  	[bflag:$0x0] =	sbarrier.arrive $0xFFFF  }
0x64: {  	_ =	strace $0x9000004A  }
0x65: {  	s0 =	stileid.u32;
	[bflag:$0x2] =	sbarrier.arrive $0xFFFF  }
0x66: {  	p0 =	sne.s32 s0, $0x0;
	s0 =	rddreg [dreg:$0x2]  }
0x67: {  	s0 =	sadd.s32 @!p0 $0x100000, s0  }
0x68: {  	[sflag:s0] =	ssyncadd.tile.s32 @!p0 $0x1;
	_ =	shalt  }
.Lfunc_end2:
_tile_overlayer_lowered:
.L_overlay_start_2:
0x69: {  	(tag) =	ssettag $0x2  }
0x6a: {  	s0 =	rddreg [dreg:$0x0];
	s2 =	stileid.u32  }
0x6b: {  	s1 =	rddreg [dreg:$0x1];
	p0 =	sne.s32 s2, $0x0  }
0x6c: {  	s3 =	rddreg [dreg:$0x2];
	[bflag:$0x3] =	sbarrier.arrive $0xFFFF;
	s2 =	simm.s32 @!p0 $0x1C07  }
0x6d: {  	[timem:s3], [sflag:s2] =	dma.local @!p0 [hbm:s0], s1  }
0x6e: {  	s0 =	simm.s32 @!p0 $0x7  }
0x6f: {  	_ =	swait.ge @!p0 [sflag:s0], s1  }
0x70: {  	s1 =	ssub.s32 @!p0 $0x0, s1;
	[sflag:s0] =	ssyncset.done @!p0 $0x0  }
0x71: {  	[sflag:s0] =	ssyncadd.s32 @!p0 s1  }
0x72: {  	[bflag:$0x3] =	sbarrier.arrive $0xFFFF  }
0x73: {  	_ =	shalt  }

// kernel: kernel.7.cloned.1.call-start
scs
__scs_entry_jumppad:
0x0: {  	(pc) =	sbr.rel $0x88, $3  }
0x1: {  	(tag) =	ssettag $0x0;
	lr =	simm.s32 $0x1  }
0x2: {  	[smem:$0x3F97] =	sst lr;
	_ =	strace $0xD0000000  }
0x3: {  	_ = 	snop  }
0x4: {  	_ = 	snop  }
0x5: {  	_ = 	snop  }
0x6: {  	_ = 	snop  }
0x7: {  	_ = 	snop  }
__scs_overlays_trampoline_lowered:
0x8: {  	[smem:$0x3FA6] =	sst s0  }
0x9: {  	[smem:$0x3FA7] =	sst s1  }
0xa: {  	[smem:$0x3FA8] =	sst s2  }
0xb: {  	[smem:$0x3FA9] =	sst s3  }
0xc: {  	[smem:$0x3FAA] =	sst s4  }
0xd: {  	[smem:$0x3FAB] =	sst s5  }
0xe: {  	[smem:$0x3FAC] =	sst s6  }
0xf: {  	[smem:$0x3FAD] =	sst s7  }
0x10: {  	[smem:$0x3FAE] =	sst s8  }
0x11: {  	[smem:$0x3FAF] =	sst s9;
	s0 =	simm.s32 @!p0 $0x0  }
0x12: {  	s1 =	sld [smem:$0x3F95];
	s0 =	simm.s32 @p0 $0x1  }
0x13: {  	[smem:$0x3FB0] =	sst s0;
	s0 =	simm.s32 @!p1 $0x0  }
0x14: {  	s2 =	sld [smem:$0x3F94];
	s0 =	simm.s32 @p1 $0x1  }
0x15: {  	[smem:$0x3FB1] =	sst s0;
	s0 =	simm.s32 @!p2 $0x0  }
0x16: {  	s3 =	sld [smem:$0x3FDB];
	s0 =	simm.s32 @p2 $0x1  }
0x17: {  	s4 =	simm.s32 $0x1BF5;
	[smem:$0x3FB3] =	sst s0  }
0x18: {  	s0 =	sld [smem:$0x3F96];
	_ =	swait.ge [sflag:s4], $0x0  }
0x19: {  	s7 =	sld [smem:$0x3F97]  }
0x1a: {  	s8 =	sadd.s32 $0xFFFFE003, lr  }
0x1b: {  	s9 =	sadd.s32 $0xFFFFFEF7, lr;
	s5 =	simm.s32 $0xFFFFFFFF;
	p2 =	slt.u32 s8, $0xFFFFF086  }
0x1c: {  	p1 =	slt.u32 s9, $0xF7A;
	s5 =	simm.s32 @!p2 $0x0  }
0x1d: {  	s5 =	simm.s32 @p1 $0x1;
	p0 =	seq.s32 s7, s2  }
0x1e: {  	s7 =	smul.u32 @!p0 $0xF7A, s2;
	p2 =	seq.s32 @!p0 s5, $0x0  }
0x1f: {  	s9 =	smul.u32 $0xF7A, s1;
	s8 =	simm.s32 @!p0 $0x1BF5;
	p2 =	por !p2, p0  }
0x20: {  	[sflag:s8] =	ssyncset.s32 @!p0 $0xFFFFF086;
	s6 =	sadd.s32 @!p0 s3, s7;
	s7 =	simm.s32 @!p0 $0x108  }
0x21: {  	s3 =	sadd.s32 s3, s9;
	s6 =	sadd.s32 @!p0 $0x88, s6;
	s7 =	simm.s32 @p2 $0x1082  }
0x22: {  	[simem:s7], [sflag:s8] =	dma.local @!p0 [hbm:s6], $0xF7A  }
0x23: {  	s9 =	sor.u32 $0xD0000000, s2;
	s6 =	simm.s32 $0x108;
	_ =	swait.ge @!p0 [sflag:s8], $0x0  }
0x24: {  	s3 =	sadd.s32 $0x88, s3;
	s6 =	simm.s32 @!p1 $0x1082;
	[sflag:s4] =	ssyncset.s32 $0xFFFFF086  }
0x25: {  	[simem:s6], [sflag:s4] =	dma.local [hbm:s3], $0xF7A  }
0x26: {  	[smem:$0x3F97] =	sst s1;
	(tag) =	ssettag s2;
	_ =	strace s9  }
0x27: {  	s1 =	sld [smem:$0x3FA7]  }
0x28: {  	s2 =	sld [smem:$0x3FA8]  }
0x29: {  	s4 =	sld [smem:$0x3FAA]  }
0x2a: {  	p0 =	seq.s32 s5, $0x0;
	s5 =	sld [smem:$0x3FAB]  }
0x2b: {  	s6 =	sld [smem:$0x3FAC]  }
0x2c: {  	s7 =	sld [smem:$0x3FAD]  }
0x2d: {  	s3 =	simm.s32 $0x108;
	s8 =	sld [smem:$0x3FAE]  }
0x2e: {  	s3 =	simm.s32 @!p0 $0x1082;
	s9 =	sld [smem:$0x3FAF]  }
0x2f: {  	lr =	sadd.s32 s0, s3;
	s0 =	sld [smem:$0x3FA6]  }
0x30: {  	s3 =	sld [smem:$0x3FA9]  }
0x31: {  	[smem:$0x3FB2] =	sst s10  }
0x32: {  	s10 =	sld [smem:$0x3FB0];
	_ =	sdelay $0x3  }
0x33: {  	p0 =	seq.s32 s10, $0x1;
	s10 =	sld [smem:$0x3FB2];
	_ =	sdelay $0x3  }
0x34: {  	[smem:$0x3FB2] =	sst s10  }
0x35: {  	s10 =	sld [smem:$0x3FB1];
	_ =	sdelay $0x3  }
0x36: {  	p1 =	seq.s32 s10, $0x1;
	s10 =	sld [smem:$0x3FB2];
	_ =	sdelay $0x3  }
0x37: {  	[smem:$0x3FB2] =	sst s10  }
0x38: {  	s10 =	sld [smem:$0x3FB3]  }
0x39: {  	_ = 	snop;
	(pc) =	sbr.ind lr, $3  }
0x3a: {  	_ = 	snop  }
0x3b: {  	_ = 	snop  }
0x3c: {  	p2 =	seq.s32 s10, $0x1;
	s10 =	sld [smem:$0x3FB2]  }
0x3d: {  	_ =	shalt  }
0x3e: {  	_ =	shalt  }
0x3f: {  	_ =	shalt  }
0x40: {  	_ =	shalt  }
0x41: {  	_ =	shalt  }
0x42: {  	_ =	shalt  }
0x43: {  	_ =	shalt  }
0x44: {  	_ =	shalt  }
0x45: {  	_ =	shalt  }
0x46: {  	_ =	shalt  }
0x47: {  	_ =	shalt  }
0x48: {  	_ =	shalt  }
0x49: {  	_ =	shalt  }
0x4a: {  	_ =	shalt  }
0x4b: {  	_ =	shalt  }
0x4c: {  	_ =	shalt  }
0x4d: {  	_ =	shalt  }
0x4e: {  	_ =	shalt  }
0x4f: {  	_ =	shalt  }
0x50: {  	_ =	shalt  }
0x51: {  	_ =	shalt  }
0x52: {  	_ =	shalt  }
0x53: {  	_ =	shalt  }
0x54: {  	_ =	shalt  }
0x55: {  	_ =	shalt  }
0x56: {  	_ =	shalt  }
0x57: {  	_ =	shalt  }
0x58: {  	_ =	shalt  }
0x59: {  	_ =	shalt  }
0x5a: {  	_ =	shalt  }
0x5b: {  	_ =	shalt  }
0x5c: {  	_ =	shalt  }
0x5d: {  	_ =	shalt  }
0x5e: {  	_ =	shalt  }
0x5f: {  	_ =	shalt  }
0x60: {  	_ =	shalt  }
0x61: {  	_ =	shalt  }
0x62: {  	_ =	shalt  }
0x63: {  	_ =	shalt  }
0x64: {  	_ =	shalt  }
0x65: {  	_ =	shalt  }
0x66: {  	_ =	shalt  }
0x67: {  	_ =	shalt  }
0x68: {  	_ =	shalt  }
0x69: {  	_ =	shalt  }
0x6a: {  	_ =	shalt  }
0x6b: {  	_ =	shalt  }
0x6c: {  	_ =	shalt  }
0x6d: {  	_ =	shalt  }
0x6e: {  	_ =	shalt  }
0x6f: {  	_ =	shalt  }
0x70: {  	_ =	shalt  }
0x71: {  	_ =	shalt  }
0x72: {  	_ =	shalt  }
0x73: {  	_ =	shalt  }
0x74: {  	_ =	shalt  }
0x75: {  	_ =	shalt  }
0x76: {  	_ =	shalt  }
0x77: {  	_ =	shalt  }
0x78: {  	_ =	shalt  }
0x79: {  	_ =	shalt  }
0x7a: {  	_ =	shalt  }
0x7b: {  	_ =	shalt  }
0x7c: {  	_ =	shalt  }
0x7d: {  	_ =	shalt  }
0x7e: {  	_ =	shalt  }
0x7f: {  	_ =	shalt  }
0x80: {  	_ =	shalt  }
0x81: {  	_ =	shalt  }
0x82: {  	_ =	shalt  }
0x83: {  	_ =	shalt  }
0x84: {  	_ =	shalt  }
0x85: {  	_ =	shalt  }
0x86: {  	_ =	shalt  }
0x87: {  	_ =	shalt  }
.Lfunc_end0:
.L_simem_size_0:
called_computation_lowered:
.L_overlay_start_0:
0x88: {  	s2 =	sld [smem:$0x3FD9]  }
0x89: {  	s3 =	sld [smem:$0x3FFE];
	_ =	sdelay $0x1  }
0x8a: {  	s1 =	srdreg.scid  }
0x8b: {  	s0 =	sand.u32 $0x1, s1  }
0x8c: {  	s16 =	sshll.u32 s0, $0xA;
	s2 =	sadd.s32 s3, s2  }
0x8d: {  	s2 =	sadd.s32 s2, s16  }
0x8e: {  	[smem:$0x3FBE] =	sst s2  }
0x8f: {  	_ = 	snop  }
0x90: {  	(tm) =	ssettm $0x1  }
0x91: {  	s17 =	sld [smem:$0x3FFB];
	_ =	sdelay $0x3  }
0x92: {  	_ =	strace s17  }
0x93: {  	s2 =	sld [smem:$0x3FFC];
	_ =	sdelay $0x3  }
0x94: {  	_ =	strace s2  }
0x95: {  	s2 =	sld [smem:$0x3FFD];
	_ =	sdelay $0x3  }
0x96: {  	_ =	strace s2  }
0x97: {  	_ =	strace $0x8FFFFFFF  }
0x98: {  	s18 =	sld [smem:$0x3FDB];
	_ =	sdelay $0x1  }
0x99: {  	s19 =	simm.s32 $_scs_section_size  }
0x9a: {  	s4 =	simm.s32 $_size__tile_overlayer_lowered;
	s5 =	simm.s32 $_tile_overlayer_lowered  }
0x9b: {  	s22 =	simm.s32 $0x1BFF;
	s21 =	sshll.u32 s5, $0x1;
	s2 =	sadd.s32 s19, s18  }
0x9c: {  	s6 =	simm.s32 $0x0;
	s20 =	sshll.u32 s4, $0x1;
	s4 =	sadd.s32 s21, s2  }
0x9d: {  	[timem:s6], [sflag:s22] =	dma.local [hbm:s4], s20  }
0x9e: {  	_ =	swait.ge [sflag:s22], s20  }
0x9f: {  	s3 =	ssub.s32 $0x0, s20;
	[sflag:s22] =	ssyncset.done $0x0  }
0xa0: {  	[sflag:s22] =	ssyncadd.s32 s3;
	_ =	sdelay $0x1  }
0xa1: {  	s23 =	simm.s32 $0x1B8B  }
0xa2: {  	_ =	swait.ge [sflag:s23], $0x1  }
0xa3: {  	[sflag:s23] =	ssyncset.done $0x0  }
0xa4: {  	s25 =	simm.s32 $0x1B8E;
	s24 =	sld [smem:$0x3FFE];
	[sflag:s23] =	ssyncadd.s32 $0xFFFFFFFF  }
0xa5: {  	s26 =	simm.s32 $execute0_lowered;
	[smem:$0x3FD2] =	sst s25  }
0xa6: {  	s4 =	sshll.u32 s26, $0x1;
	_ =	strace $0x80000046;
	[dreg:$0x1] =	wrdreg $0xFFFFFFFF  }
0xa7: {  	s28 =	simm.s32 $_size_execute0_lowered;
	s2 =	sadd.s32 s2, s4;
	[dreg:$0x0] =	wrdreg $0x0  }
0xa8: {  	s4 =	sshll.u32 s28, $0x1;
	[dreg:$0x2] =	wrdreg s2  }
0xa9: {  	[dreg:$0x3] =	wrdreg s4  }
0xaa: {  	[dreg:$0x4] =	wrdreg $0xC0  }
0xab: {  	_ =	task [dreg:s6], $0x5FFFF  }
0xac: {  	[dreg:$0x1] =	wrdreg $0xFFFFFFFF  }
0xad: {  	[dreg:$0x0] =	wrdreg $0x60  }
0xae: {  	[dreg:$0x2] =	wrdreg s24  }
0xaf: {  	[dreg:$0x3] =	wrdreg $0x9  }
0xb0: {  	_ =	task.clear_ibuf [dreg:s6], $0x4FFFF;
	_ =	strace $0x90000046  }
0xb1: {  	s29 =	simm.s32 $0x9;
	_ =	strace $0x80000048  }
0xb2: {  	_ =	swait.ge [sflag:s29], $0x1  }
0xb3: {  	[sflag:s29] =	ssyncadd.s32 $0xFFFFFFFF  }
0xb4: {  	_ =	strace $0x90000048  }
0xb5: {  	_ =	sfence  }
0xb6: {  	s30 =	sld [smem:$0x0];
	_ =	sdelay $0x2  }
0xb7: {  	s31 =	sshll.u32 s1, $0xD;
	s1 =	sshrl.u32 s1, $0x2  }
0xb8: {  	s3 =	sand.u32 $0x4000, s31;
	s1 =	sadd.s32 s1, s30  }
0xb9: {  	s0 =	sor.u32 s3, s0;
	s1 =	sshll.u32 s1, $0x11  }
0xba: {  	s0 =	sor.u32 s1, s0  }
0xbb: {  	s0 =	sadd.s32 $0x8F2B, s0  }
0xbc: {  	[sflag:s0] =	ssyncadd.remote.s32 $0x1  }
0xbd: {  	_ =	sfence.sel $0xFFFF  }
0xbe: {  	[dreg:$0x0] =	wrdreg $0xFFFFFFFF;
	(pc) =	sbr.abs _section_cstart, $3  }
0xbf: {  	[dreg:$0x1] =	wrdreg $0xFFFFFFFF  }
0xc0: {  	_ =	task.clear_ibuf [dreg:s6], $0x2FFFF;
	_ =	strace $0x9FFFFFFF  }
0xc1: {  	(tm) =	ssettm $0x7FFFFFFF  }
tec
execute0_lowered:
.L_overlay_start_1:
0x0: {  	(tag) =	ssettag $0x1  }
0x1: {  	s0 =	srdreg.scid  }
0x2: {  	s3 =	sand.u32 $0x1, s0  }
0x3: {  	s0 =	stileid.u32;
	s1 =	sshll.u32 s3, $0x4  }
0x4: {  	s5 =	rddreg [dreg:$0x0];
	s2 =	simm.s32 $0x0;
	s1 =	sor.u32 s0, s1  }
0x5: {  	s7 =	simm.s32 $0x400;
	s8 =	simm.s32 $0x1;
	s1 =	sshrl.u32 s1, $0x3  }
0x6: {  	s9 =	simm.s32 $0x2780;
	s30 =	sshll.u32 s0, $0x7;
	s4 =	smul.u32 $0x13C00, s1  }
0x7: {  	s10 =	simm.s32 $0x0;
	s3 =	ssub.s32 $0x2, s3;
	s6 =	sand.u32 $0x380, s30  }
0x8: {  	[smem:$0x7FF] =	sst s2;
	s31 =	sshrl.u32 s3, $0x1;
	s4 =	sor.u32 s6, s4  }
0x9: {  	s1 =	rddreg [dreg:$0x1];
	_ =	strace $0x80000047;
	s4 =	sshrl.u32 s4, $0x3  }
0xa: {  	s6 =	simm.s32 $0x80;
	s4 =	sadd.s32 s4, s5;
	s5 =	ssub.s32 s3, s31  }
0xb: {  	v0 =	vimm.f32 $0.0e+00;
	v1 =	vimm.f32 $1.000000000e+00;
	s3 =	sadd.s32 $0x1800, s4;
	s4 =	sadd.s32 $0xB600, s4;
	s5 =	smax.u32 s5, $0x1  }
.LBB2_1:
0xc: {  	[tilespmem:s2], [sflag:$0x1] =	stream.strided.gather [hbm4b:s3+s6], $0x2780, s7, s6, $0x38;
	[tilespmem:$0x4F00] =	vst v63  }
0xd: {  	_ =	swait.ge [sflag:s8], $0x2780  }
0xe: {  	[sflag:s8] =	ssyncset.done $0x0  }
0xf: {  	s11 =	simm.s32 $0x0;
	[sflag:s8] =	ssyncadd.s32 $0xFFFFD880  }
.LBB2_2:
0x10: {  	p0 =	sne.s32 s11, $0x9C00  }
.Ltmp0:
0x11: {  	_ = 	snop;
	(pc) =	sbr.rel @p0 .LBB2_2-.Ltmp0, $3  }
0x12: {  	_ =	sdelay $0x1  }
0x13: {  	s12 =	sshra.s32 s11, $0x2  }
0x14: {  	s11 =	sadd.s32 $0x40, s11;
	[tilespmem:s12+$0x2780] =	vst v0  }
0x15: {  	s12 =	simm.s32 $0x0;
	s11 =	simm.s32 $0x40  }
.LBB2_4:
0x16: {  	p0 =	sne.s32 s11, $0x9C00;
	v2 =	vld [tilespmem:s12+$0x0];
	_ =	sdelay $0x3  }
.Ltmp1:
0x17: {  	(pc) =	sbr.rel @p0 .LBB2_4-.Ltmp1, $2  }
0x18: {  	_ =	sdelay $0x2  }
0x19: {  	s12 =	sshra.s32 s11, $0x2;
	s11 =	sadd.s32 $0x40, s11;
	[tilespmem:v2+s9+$0x0] =	vst.idx.add.f32.msk $0xffff, v1  }
0x1a: {  	v2 =	vld [tilespmem:s12+$0x0];
	_ =	sdelay $0x5  }
0x1b: {  	s10 =	sadd.s32 $0x1, s10  }
0x1c: {  	p0 =	sne.s32 s10, s5  }
.Ltmp2:
0x1d: {  	[tilespmem:v2+s9+$0x0] =	vst.idx.add.f32.msk $0xffff, v1;
	(pc) =	sbr.rel @p0 .LBB2_1-.Ltmp2, $4  }
0x1e: {  	[hbm4b:s4+s6] =	stream.strided.scatter [tilespmem:s9], [sflag:$0x1], $0x2780, s7, s6, $0x38;
	[tilespmem:$0x4F00] =	vst v63  }
0x1f: {  	_ =	swait.ge [sflag:s8], $0x2780  }
0x20: {  	[sflag:s8] =	ssyncset.done $0x0  }
0x21: {  	[sflag:s8] =	ssyncadd.s32 $0xFFFFD880  }
0x22: {  	_ =	sfence.sel $0x180000  }
0x23: {  	[bflag:$0x0] =	sbarrier.arrive $0xFFFF  }
0x24: {  	p0 =	sne.s32 s0, $0x0;
	_ =	strace $0x90000047  }
0x25: {  	s0 =	sadd.s32 @!p0 $0x100000, s1;
	[bflag:$0x2] =	sbarrier.arrive $0xFFFF  }
0x26: {  	[sflag:s0] =	ssyncadd.tile.s32 @!p0 $0x1;
	_ =	shalt  }
.Lfunc_end2:
_tile_overlayer_lowered:
.L_overlay_start_2:
0x27: {  	(tag) =	ssettag $0x2  }
0x28: {  	s0 =	rddreg [dreg:$0x0];
	s2 =	stileid.u32  }
0x29: {  	s1 =	rddreg [dreg:$0x1];
	p0 =	sne.s32 s2, $0x0  }
0x2a: {  	s3 =	rddreg [dreg:$0x2];
	[bflag:$0x3] =	sbarrier.arrive $0xFFFF;
	s2 =	simm.s32 @!p0 $0x1C01  }
0x2b: {  	[timem:s3], [sflag:s2] =	dma.local @!p0 [hbm:s0], s1  }
0x2c: {  	s0 =	simm.s32 @!p0 $0x1  }
0x2d: {  	_ =	swait.ge @!p0 [sflag:s0], s1  }
0x2e: {  	s1 =	ssub.s32 @!p0 $0x0, s1;
	[sflag:s0] =	ssyncset.done @!p0 $0x0  }
0x2f: {  	[sflag:s0] =	ssyncadd.s32 @!p0 s1  }
0x30: {  	[bflag:$0x3] =	sbarrier.arrive $0xFFFF  }
0x31: {  	_ =	shalt  }

</sc_bundles>
